<compile_context>
chip_gen: v7x
topology: tpu7x:2x2x1
jax: 0.10.2.dev20260603
libtpu: 0.0.44.dev20260713+nightly
codegen_flags: <defaults>
</compile_context>

<pallas_src>
import functools

import jax
import jax.numpy as jnp
from jax import lax
from jax.experimental import pallas as pl
from jax.experimental.pallas import tpu as pltpu
from jax.experimental.pallas import tpu_sc as plsc

B = 16384
L = 200
VOCAB = 1000000
HID = 32
NLANE = 16

NC = 2
NS = 16
NW = NC * NS
SPW = B // NW

G = 8
NG = SPW // G
IDS_PER_G = G * L
CHUNK = 80
NCHUNK = IDS_PER_G // CHUNK

TC_C = 8192
TC_R = TC_C // 4
TC_NMAIN = 122
MID_OFF = TC_NMAIN * TC_C
MID_C = 512
MID_R = MID_C // 4
TAIL_OFF = MID_OFF + MID_C
TAIL_C = VOCAB - TAIL_OFF
TAIL_R = TAIL_C // 4
OUT_ROWS = VOCAB * HID // 128


def _transpose_body(tT_hbm, tail_ref, out_hbm, x_buf, y_buf, in_sem, out_sem):
    g = pl.program_id(0)
    slot = lax.rem(g, 2)
    nslot = lax.rem(g + 1, 2)

    def in_copy(gg, s):
        return pltpu.make_async_copy(
            tT_hbm.at[:, pl.ds(gg * TC_C, TC_C)], x_buf.at[s], in_sem.at[s]
        )

    def out_copy(row0, s):
        return pltpu.make_async_copy(
            y_buf.at[s], out_hbm.at[pl.ds(row0, TC_R), :], out_sem.at[s]
        )

    @pl.when(g == 0)
    def _():
        in_copy(0, 0).start()

    @pl.when(g + 1 < TC_NMAIN)
    def _():
        in_copy(g + 1, nslot).start()

    @pl.when(g >= 2)
    def _():
        out_copy(0, slot).wait()

    @pl.when(g < TC_NMAIN)
    def _():
        in_copy(g, slot).wait()
        for k in range(8):
            xs = x_buf[slot, :, pl.ds(1024 * k, 1024)].T
            a = k // 2
            r0 = 1024 * (k % 2)
            y_buf[slot, pl.ds(r0, 1024), 32 * a:32 * (a + 1)] = xs
        out_copy(g * TC_R, slot).start()

    @pl.when(g == TC_NMAIN)
    def _():
        mid_in = pltpu.make_async_copy(
            tT_hbm.at[:, pl.ds(MID_OFF, MID_C)],
            x_buf.at[slot, :, pl.ds(0, MID_C)],
            in_sem.at[slot],
        )
        mid_in.start()
        mid_in.wait()
        xm = x_buf[slot, :, pl.ds(0, MID_C)].T
        for a in range(4):
            y_buf[slot, pl.ds(0, MID_R), 32 * a:32 * (a + 1)] = (
                xm[a * MID_R:(a + 1) * MID_R, :]
            )
        xtl = tail_ref[...].T
        for a in range(4):
            y_buf[slot, pl.ds(MID_R, TAIL_R), 32 * a:32 * (a + 1)] = (
                xtl[a * TAIL_R:(a + 1) * TAIL_R, :]
            )
        last = pltpu.make_async_copy(
            y_buf.at[slot, pl.ds(0, MID_R + TAIL_R), :],
            out_hbm.at[pl.ds(MID_OFF // 4, MID_R + TAIL_R), :],
            out_sem.at[slot],
        )
        last.start()
        last.wait()
        out_copy(0, nslot).wait()


_table_to_linear = pl.pallas_call(
    _transpose_body,
    grid=(TC_NMAIN + 1,),
    in_specs=[
        pl.BlockSpec(memory_space=pl.ANY),
        pl.BlockSpec(memory_space=pltpu.VMEM),
    ],
    out_specs=pl.BlockSpec(memory_space=pl.ANY),
    out_shape=jax.ShapeDtypeStruct((OUT_ROWS, 128), jnp.float32),
    scratch_shapes=[
        pltpu.VMEM((2, HID, TC_C), jnp.float32),
        pltpu.VMEM((2, TC_R, 128), jnp.float32),
        pltpu.SemaphoreType.DMA((2,)),
        pltpu.SemaphoreType.DMA((2,)),
    ],
)


def _permute_ids(ids):
    main = (
        ((ids >> 13) << 13)
        + ((ids & 2047) << 2)
        + ((ids & 8191) >> 11)
    )
    vm = ids - MID_OFF
    mid = MID_OFF + ((vm & 127) << 2) + (vm >> 7)
    vt = ids - TAIL_OFF
    tail = TAIL_OFF + ((vt & 15) << 2) + (vt >> 4)
    return jnp.where(
        ids < MID_OFF, main, jnp.where(ids < TAIL_OFF, mid, tail)
    )


def _sc_embed_body(table_hbm, ids_hbm, out_hbm, idx_v, rows_v, out_v, sem0, sem1):
    wid = lax.axis_index("s") * NC + lax.axis_index("c")
    inv_l = jnp.float32(1.0 / L)

    def start_group(g, slot, sem):
        ids_base = wid * (SPW * L) + g * IDS_PER_G
        pltpu.sync_copy(ids_hbm.at[pl.ds(ids_base, IDS_PER_G)], idx_v.at[slot])
        for j in range(NCHUNK):
            pltpu.async_copy(
                table_hbm.at[idx_v.at[slot, pl.ds(j * CHUNK, CHUNK)]],
                rows_v.at[slot, pl.ds(j * CHUNK, CHUNK)],
                sem,
            )

    def drain_group(slot, sem):
        for j in range(NCHUNK):
            pltpu.make_async_copy(
                table_hbm.at[idx_v.at[slot, pl.ds(j * CHUNK, CHUNK)]],
                rows_v.at[slot, pl.ds(j * CHUNK, CHUNK)],
                sem,
            ).wait()

    start_group(0, 0, sem0)

    def group_body(g, carry):
        slot = lax.rem(g, 2)
        nslot = lax.rem(g + 1, 2)

        @pl.when(g + 1 < NG)
        def _():
            @pl.when(nslot == 1)
            def _():
                start_group(g + 1, 1, sem1)

            @pl.when(nslot == 0)
            def _():
                start_group(g + 1, 0, sem0)

        @pl.when(slot == 0)
        def _():
            drain_group(0, sem0)

        @pl.when(slot == 1)
        def _():
            drain_group(1, sem1)

        def sample_body(s, carry2):
            rb = s * L

            def add2(l, acc):
                a0, a1, b0, b1 = acc
                r = rb + 2 * l
                a0 = a0 + rows_v[slot, r, pl.ds(0, NLANE)]
                a1 = a1 + rows_v[slot, r, pl.ds(NLANE, NLANE)]
                b0 = b0 + rows_v[slot, r + 1, pl.ds(0, NLANE)]
                b1 = b1 + rows_v[slot, r + 1, pl.ds(NLANE, NLANE)]
                return a0, a1, b0, b1

            z = jnp.zeros((NLANE,), jnp.float32)
            a0, a1, b0, b1 = lax.fori_loop(
                0, L // 2, add2, (z, z, z, z), unroll=4
            )
            out_v[s, pl.ds(0, NLANE)] = (a0 + b0) * inv_l
            out_v[s, pl.ds(NLANE, NLANE)] = (a1 + b1) * inv_l
            return carry2

        lax.fori_loop(0, G, sample_body, 0)
        pltpu.sync_copy(out_v, out_hbm.at[pl.ds(wid * SPW + g * G, G)])
        return carry

    lax.fori_loop(0, NG, group_body, 0)


@functools.cache
def _sc_embed():
    return functools.partial(
        pl.kernel,
        mesh=plsc.VectorSubcoreMesh(core_axis_name="c", subcore_axis_name="s"),
        out_type=jax.ShapeDtypeStruct((B, HID), jnp.float32),
        scratch_types=[
            pltpu.VMEM((2, IDS_PER_G), jnp.int32),
            pltpu.VMEM((2, IDS_PER_G, HID), jnp.float32),
            pltpu.VMEM((G, HID), jnp.float32),
            pltpu.SemaphoreType.DMA,
            pltpu.SemaphoreType.DMA,
        ],
        compiler_params=pltpu.CompilerParams(use_tc_tiling_on_sc=False),
    )(_sc_embed_body)


def _head_body(emb_ref, w_ref, b_ref, lab_ref, logits_ref, loss_ref):
    emb = emb_ref[...]
    w = w_ref[...]
    l0 = jnp.sum(emb * w[0:1, :], axis=1, keepdims=True) + b_ref[0]
    l1 = jnp.sum(emb * w[1:2, :], axis=1, keepdims=True) + b_ref[1]
    logits_ref[...] = jnp.concatenate([l0, l1], axis=1)
    m = jnp.maximum(l0, l1)
    lse = m + jnp.log(jnp.exp(l0 - m) + jnp.exp(l1 - m))
    lab = lab_ref[...]
    lp = jnp.where(lab == 0, l0, l1) - lse
    loss_ref[0, 0] = -jnp.mean(lp)


_head = pl.pallas_call(
    _head_body,
    out_shape=(
        jax.ShapeDtypeStruct((B, 2), jnp.float32),
        jax.ShapeDtypeStruct((1, 1), jnp.float32),
    ),
    in_specs=[
        pl.BlockSpec(memory_space=pltpu.VMEM),
        pl.BlockSpec(memory_space=pltpu.VMEM),
        pl.BlockSpec(memory_space=pltpu.SMEM),
        pl.BlockSpec(memory_space=pltpu.VMEM),
    ],
    out_specs=(
        pl.BlockSpec(memory_space=pltpu.VMEM),
        pl.BlockSpec(memory_space=pltpu.SMEM),
    ),
)


def kernel(input_ids, labels, emb_table, W, b):
    tail = lax.slice(emb_table, (TAIL_OFF, 0), (VOCAB, HID)).T
    table_lin = _table_to_linear(emb_table.T, tail)
    table_sc = table_lin.reshape(VOCAB * HID).reshape(VOCAB, HID)
    ids_flat = _permute_ids(input_ids).reshape(-1)
    emb = _sc_embed()(table_sc, ids_flat)
    logits, loss = _head(emb, W, b, labels.reshape(B, 1))
    return loss[0, 0], logits

# --- scband reference (transcript-rebuilt; emitter-appended) ---
"""Pipeline reference for scband-tiny-model-57638461112810 (READ-ONLY COPY).

The authoritative reference and input builder live on the scoring server;
editing this copy changes nothing except your own understanding.
"""

import jax, jax.numpy as jnp
import numpy as np

B = 16384
L = 200
VOCAB = 1000000
HID = 32
NCLS = 2

def setup_inputs(seed: int = 0) -> dict:
    key = jax.random.key(seed)
    k1, k2, k3, k4 = jax.random.split(key, 4)
    input_ids = jax.random.randint(k1, (B, L), 0, VOCAB, dtype=jnp.int64 if jax.config.jax_enable_x64 else jnp.int32).astype(jnp.int32)
    labels = jax.random.randint(k2, (B,), 0, NCLS).astype(jnp.int32)
    emb_table = jax.random.normal(k3, (VOCAB, HID), dtype=jnp.float32)
    W = jax.random.normal(k4, (NCLS, HID), dtype=jnp.float32) * 0.1
    b = jnp.zeros((NCLS,), dtype=jnp.float32)
    return {"input_ids": input_ids, "labels": labels, "emb_table": emb_table, "W": W, "b": b}

def reference(input_ids, labels, emb_table, W, b):
    # emb = self.embedding(input_ids).mean(dim=1)
    emb = jnp.take(emb_table, input_ids, axis=0).mean(axis=1)  # [B, HID]
    # logits = self.classifier(emb)
    logits = emb @ W.T + b  # [B, NCLS]
    # loss = F.cross_entropy(logits, labels)
    logp = jax.nn.log_softmax(logits, axis=-1)
    loss = -jnp.take_along_axis(logp, labels[:, None].astype(jnp.int32), axis=1).squeeze(1).mean()
    return (loss, logits)

if __name__ == "__main__":
    import jax
    _d = setup_inputs()
    print(jax.jit(kernel)(*tuple(_d.values())))

</pallas_src>

<mosaic_0001>
#map = affine_map<(d0, d1) -> (0, 0)>
#map1 = affine_map<(d0, d1) -> (0)>
module attributes {stable_mosaic.version = 14 : i64} {
  func.func @_sc_embed_body(%arg0: i32, %arg1: i32, %arg2: memref<1000000x32xf32, #tpu.memory_space<hbm>>, %arg3: memref<3276800xi32, #tpu.memory_space<hbm>>, %arg4: memref<16384x32xf32, #tpu.memory_space<hbm>>, %arg5: memref<2x1600xi32, #tpu.memory_space<vmem>>, %arg6: memref<2x1600x32xf32, #tpu.memory_space<vmem>>, %arg7: memref<8x32xf32, #tpu.memory_space<vmem>>, %arg8: memref<!tpu.dma_semaphore, #tpu.memory_space<semaphore_mem>>, %arg9: memref<!tpu.dma_semaphore, #tpu.memory_space<semaphore_mem>>) attributes {dimension_semantics = [#tpu.dimension_semantics<core_parallel>, #tpu.dimension_semantics<subcore_parallel>], iteration_bounds = array<i64: 2, 16>, scalar_prefetch = 0 : i64, scratch_operands = 5 : i64, tpu.core_type = #tpu.core_type<sc_vector_subcore>, window_params = [{transform_indices = #map}, {transform_indices = #map1}, {transform_indices = #map}]} {
    %mul3A = arith.constant 2 : i32
    %mul3A_0 = arith.muli %arg1, %mul3A : i32
    %add3A = arith.addi %mul3A_0, %arg0 : i32
    %mul3A_1 = arith.constant 102400 : i32
    %mul3A_2 = arith.muli %add3A, %mul3A_1 : i32
    %add3A_3 = arith.constant 0 : i32
    %add3A_4 = arith.addi %mul3A_2, %add3A_3 : i32
    %run_scoped3A = arith.constant 0 : i32
    "tpu.region"() ({
      %run_scoped3A_250 = tpu.sem_alloc : memref<!tpu.dma_semaphore, #tpu.memory_space<semaphore_mem>>
      %dma_start3A_251 = arith.constant 0 : i32
      %dma_start3A_252 = tpu.memref_slice %arg5[%run_scoped3A, %dma_start3A_251] : memref<2x1600xi32, #tpu.memory_space<vmem>> -> memref<1x1600xi32, #tpu.memory_space<vmem>>
      %dma_start3A_253 = tpu.memref_squeeze %dma_start3A_252 : memref<1x1600xi32, #tpu.memory_space<vmem>> -> memref<1600xi32, #tpu.memory_space<vmem>>
      %dma_start3A_254 = tpu.memref_slice %arg3[%add3A_4] : memref<3276800xi32, #tpu.memory_space<hbm>> -> memref<1600xi32, #tpu.memory_space<hbm>>
      %dma_start3A_255 = arith.constant 0 : i32
      %dma_start3A_256 = tpu.memref_slice %arg5[%run_scoped3A, %dma_start3A_255] : memref<2x1600xi32, #tpu.memory_space<vmem>> -> memref<1x1600xi32, #tpu.memory_space<vmem>>
      %dma_start3A_257 = tpu.memref_squeeze %dma_start3A_256 : memref<1x1600xi32, #tpu.memory_space<vmem>> -> memref<1600xi32, #tpu.memory_space<vmem>>
      %dma_start3A_258 = tpu.memref_slice %arg3[%add3A_4] : memref<3276800xi32, #tpu.memory_space<hbm>> -> memref<1600xi32, #tpu.memory_space<hbm>>
      tpu.enqueue_dma source(%dma_start3A_258 : memref<1600xi32, #tpu.memory_space<hbm>>) target(%dma_start3A_257 : memref<1600xi32, #tpu.memory_space<vmem>>) target_semaphore(%run_scoped3A_250 : memref<!tpu.dma_semaphore, #tpu.memory_space<semaphore_mem>>)
      %dma_wait3A = arith.constant 0 : i32
      %dma_wait3A_259 = tpu.memref_slice %arg5[%run_scoped3A, %dma_wait3A] : memref<2x1600xi32, #tpu.memory_space<vmem>> -> memref<1x1600xi32, #tpu.memory_space<vmem>>
      %dma_wait3A_260 = tpu.memref_squeeze %dma_wait3A_259 : memref<1x1600xi32, #tpu.memory_space<vmem>> -> memref<1600xi32, #tpu.memory_space<vmem>>
      %dma_wait3A_261 = tpu.memref_slice %arg3[%add3A_4] : memref<3276800xi32, #tpu.memory_space<hbm>> -> memref<1600xi32, #tpu.memory_space<hbm>>
      %dma_wait3A_262 = arith.constant 0 : i32
      %dma_wait3A_263 = tpu.memref_slice %arg5[%run_scoped3A, %dma_wait3A_262] : memref<2x1600xi32, #tpu.memory_space<vmem>> -> memref<1x1600xi32, #tpu.memory_space<vmem>>
      %dma_wait3A_264 = tpu.memref_squeeze %dma_wait3A_263 : memref<1x1600xi32, #tpu.memory_space<vmem>> -> memref<1600xi32, #tpu.memory_space<vmem>>
      %dma_wait3A_265 = tpu.memref_slice %arg3[%add3A_4] : memref<3276800xi32, #tpu.memory_space<hbm>> -> memref<1600xi32, #tpu.memory_space<hbm>>
      tpu.wait_dma2 semaphore(%run_scoped3A_250 : memref<!tpu.dma_semaphore, #tpu.memory_space<semaphore_mem>>) src(%dma_wait3A_265 : memref<1600xi32, #tpu.memory_space<hbm>>) dst(%dma_wait3A_264 : memref<1600xi32, #tpu.memory_space<vmem>>)
      tpu.yield
    }) : () -> ()
    %dma_start3A = arith.constant 0 : i32
    %dma_start3A_5 = arith.constant 0 : i32
    %dma_start3A_6 = arith.constant 0 : i32
    %dma_start3A_7 = arith.constant 0 : i32
    %dma_start3A_8 = tpu.memref_slice %arg6[%dma_start3A_5, %dma_start3A_6, %dma_start3A_7] : memref<2x1600x32xf32, #tpu.memory_space<vmem>> -> memref<1x80x32xf32, #tpu.memory_space<vmem>>
    %dma_start3A_9 = tpu.memref_squeeze %dma_start3A_8 : memref<1x80x32xf32, #tpu.memory_space<vmem>> -> memref<80x32xf32, #tpu.memory_space<vmem>>
    %dma_start3A_10 = arith.constant 0 : i32
    %dma_start3A_11 = tpu.memref_slice %arg5[%dma_start3A, %dma_start3A_10] : memref<2x1600xi32, #tpu.memory_space<vmem>> -> memref<1x80xi32, #tpu.memory_space<vmem>>
    %dma_start3A_12 = tpu.memref_squeeze %dma_start3A_11 : memref<1x80xi32, #tpu.memory_space<vmem>> -> memref<80xi32, #tpu.memory_space<vmem>>
    %dma_start3A_13 = arith.constant 0 : i32
    %dma_start3A_14 = arith.constant 0 : i32
    %dma_start3A_15 = tpu.memref_slice %arg2[%dma_start3A_13, %dma_start3A_14] : memref<1000000x32xf32, #tpu.memory_space<hbm>> -> memref<1000000x32xf32, #tpu.memory_space<hbm>>
    tpu.enqueue_indirect_dma source(%dma_start3A_15 : memref<1000000x32xf32, #tpu.memory_space<hbm>>) target(%dma_start3A_9 : memref<80x32xf32, #tpu.memory_space<vmem>>) offsets(%dma_start3A_12 : memref<80xi32, #tpu.memory_space<vmem>>) semaphore(%arg8 : memref<!tpu.dma_semaphore, #tpu.memory_space<semaphore_mem>>)
    %dma_start3A_16 = arith.constant 0 : i32
    %dma_start3A_17 = arith.constant 0 : i32
    %dma_start3A_18 = arith.constant 80 : i32
    %dma_start3A_19 = arith.constant 0 : i32
    %dma_start3A_20 = tpu.memref_slice %arg6[%dma_start3A_17, %dma_start3A_18, %dma_start3A_19] : memref<2x1600x32xf32, #tpu.memory_space<vmem>> -> memref<1x80x32xf32, #tpu.memory_space<vmem>>
    %dma_start3A_21 = tpu.memref_squeeze %dma_start3A_20 : memref<1x80x32xf32, #tpu.memory_space<vmem>> -> memref<80x32xf32, #tpu.memory_space<vmem>>
    %dma_start3A_22 = arith.constant 80 : i32
    %dma_start3A_23 = tpu.memref_slice %arg5[%dma_start3A_16, %dma_start3A_22] : memref<2x1600xi32, #tpu.memory_space<vmem>> -> memref<1x80xi32, #tpu.memory_space<vmem>>
    %dma_start3A_24 = tpu.memref_squeeze %dma_start3A_23 : memref<1x80xi32, #tpu.memory_space<vmem>> -> memref<80xi32, #tpu.memory_space<vmem>>
    %dma_start3A_25 = arith.constant 0 : i32
    %dma_start3A_26 = arith.constant 0 : i32
    %dma_start3A_27 = tpu.memref_slice %arg2[%dma_start3A_25, %dma_start3A_26] : memref<1000000x32xf32, #tpu.memory_space<hbm>> -> memref<1000000x32xf32, #tpu.memory_space<hbm>>
    tpu.enqueue_indirect_dma source(%dma_start3A_27 : memref<1000000x32xf32, #tpu.memory_space<hbm>>) target(%dma_start3A_21 : memref<80x32xf32, #tpu.memory_space<vmem>>) offsets(%dma_start3A_24 : memref<80xi32, #tpu.memory_space<vmem>>) semaphore(%arg8 : memref<!tpu.dma_semaphore, #tpu.memory_space<semaphore_mem>>)
    %dma_start3A_28 = arith.constant 0 : i32
    %dma_start3A_29 = arith.constant 0 : i32
    %dma_start3A_30 = arith.constant 160 : i32
    %dma_start3A_31 = arith.constant 0 : i32
    %dma_start3A_32 = tpu.memref_slice %arg6[%dma_start3A_29, %dma_start3A_30, %dma_start3A_31] : memref<2x1600x32xf32, #tpu.memory_space<vmem>> -> memref<1x80x32xf32, #tpu.memory_space<vmem>>
    %dma_start3A_33 = tpu.memref_squeeze %dma_start3A_32 : memref<1x80x32xf32, #tpu.memory_space<vmem>> -> memref<80x32xf32, #tpu.memory_space<vmem>>
    %dma_start3A_34 = arith.constant 160 : i32
    %dma_start3A_35 = tpu.memref_slice %arg5[%dma_start3A_28, %dma_start3A_34] : memref<2x1600xi32, #tpu.memory_space<vmem>> -> memref<1x80xi32, #tpu.memory_space<vmem>>
    %dma_start3A_36 = tpu.memref_squeeze %dma_start3A_35 : memref<1x80xi32, #tpu.memory_space<vmem>> -> memref<80xi32, #tpu.memory_space<vmem>>
    %dma_start3A_37 = arith.constant 0 : i32
    %dma_start3A_38 = arith.constant 0 : i32
    %dma_start3A_39 = tpu.memref_slice %arg2[%dma_start3A_37, %dma_start3A_38] : memref<1000000x32xf32, #tpu.memory_space<hbm>> -> memref<1000000x32xf32, #tpu.memory_space<hbm>>
    tpu.enqueue_indirect_dma source(%dma_start3A_39 : memref<1000000x32xf32, #tpu.memory_space<hbm>>) target(%dma_start3A_33 : memref<80x32xf32, #tpu.memory_space<vmem>>) offsets(%dma_start3A_36 : memref<80xi32, #tpu.memory_space<vmem>>) semaphore(%arg8 : memref<!tpu.dma_semaphore, #tpu.memory_space<semaphore_mem>>)
    %dma_start3A_40 = arith.constant 0 : i32
    %dma_start3A_41 = arith.constant 0 : i32
    %dma_start3A_42 = arith.constant 240 : i32
    %dma_start3A_43 = arith.constant 0 : i32
    %dma_start3A_44 = tpu.memref_slice %arg6[%dma_start3A_41, %dma_start3A_42, %dma_start3A_43] : memref<2x1600x32xf32, #tpu.memory_space<vmem>> -> memref<1x80x32xf32, #tpu.memory_space<vmem>>
    %dma_start3A_45 = tpu.memref_squeeze %dma_start3A_44 : memref<1x80x32xf32, #tpu.memory_space<vmem>> -> memref<80x32xf32, #tpu.memory_space<vmem>>
    %dma_start3A_46 = arith.constant 240 : i32
    %dma_start3A_47 = tpu.memref_slice %arg5[%dma_start3A_40, %dma_start3A_46] : memref<2x1600xi32, #tpu.memory_space<vmem>> -> memref<1x80xi32, #tpu.memory_space<vmem>>
    %dma_start3A_48 = tpu.memref_squeeze %dma_start3A_47 : memref<1x80xi32, #tpu.memory_space<vmem>> -> memref<80xi32, #tpu.memory_space<vmem>>
    %dma_start3A_49 = arith.constant 0 : i32
    %dma_start3A_50 = arith.constant 0 : i32
    %dma_start3A_51 = tpu.memref_slice %arg2[%dma_start3A_49, %dma_start3A_50] : memref<1000000x32xf32, #tpu.memory_space<hbm>> -> memref<1000000x32xf32, #tpu.memory_space<hbm>>
    tpu.enqueue_indirect_dma source(%dma_start3A_51 : memref<1000000x32xf32, #tpu.memory_space<hbm>>) target(%dma_start3A_45 : memref<80x32xf32, #tpu.memory_space<vmem>>) offsets(%dma_start3A_48 : memref<80xi32, #tpu.memory_space<vmem>>) semaphore(%arg8 : memref<!tpu.dma_semaphore, #tpu.memory_space<semaphore_mem>>)
    %dma_start3A_52 = arith.constant 0 : i32
    %dma_start3A_53 = arith.constant 0 : i32
    %dma_start3A_54 = arith.constant 320 : i32
    %dma_start3A_55 = arith.constant 0 : i32
    %dma_start3A_56 = tpu.memref_slice %arg6[%dma_start3A_53, %dma_start3A_54, %dma_start3A_55] : memref<2x1600x32xf32, #tpu.memory_space<vmem>> -> memref<1x80x32xf32, #tpu.memory_space<vmem>>
    %dma_start3A_57 = tpu.memref_squeeze %dma_start3A_56 : memref<1x80x32xf32, #tpu.memory_space<vmem>> -> memref<80x32xf32, #tpu.memory_space<vmem>>
    %dma_start3A_58 = arith.constant 320 : i32
    %dma_start3A_59 = tpu.memref_slice %arg5[%dma_start3A_52, %dma_start3A_58] : memref<2x1600xi32, #tpu.memory_space<vmem>> -> memref<1x80xi32, #tpu.memory_space<vmem>>
    %dma_start3A_60 = tpu.memref_squeeze %dma_start3A_59 : memref<1x80xi32, #tpu.memory_space<vmem>> -> memref<80xi32, #tpu.memory_space<vmem>>
    %dma_start3A_61 = arith.constant 0 : i32
    %dma_start3A_62 = arith.constant 0 : i32
    %dma_start3A_63 = tpu.memref_slice %arg2[%dma_start3A_61, %dma_start3A_62] : memref<1000000x32xf32, #tpu.memory_space<hbm>> -> memref<1000000x32xf32, #tpu.memory_space<hbm>>
    tpu.enqueue_indirect_dma source(%dma_start3A_63 : memref<1000000x32xf32, #tpu.memory_space<hbm>>) target(%dma_start3A_57 : memref<80x32xf32, #tpu.memory_space<vmem>>) offsets(%dma_start3A_60 : memref<80xi32, #tpu.memory_space<vmem>>) semaphore(%arg8 : memref<!tpu.dma_semaphore, #tpu.memory_space<semaphore_mem>>)
    %dma_start3A_64 = arith.constant 0 : i32
    %dma_start3A_65 = arith.constant 0 : i32
    %dma_start3A_66 = arith.constant 400 : i32
    %dma_start3A_67 = arith.constant 0 : i32
    %dma_start3A_68 = tpu.memref_slice %arg6[%dma_start3A_65, %dma_start3A_66, %dma_start3A_67] : memref<2x1600x32xf32, #tpu.memory_space<vmem>> -> memref<1x80x32xf32, #tpu.memory_space<vmem>>
    %dma_start3A_69 = tpu.memref_squeeze %dma_start3A_68 : memref<1x80x32xf32, #tpu.memory_space<vmem>> -> memref<80x32xf32, #tpu.memory_space<vmem>>
    %dma_start3A_70 = arith.constant 400 : i32
    %dma_start3A_71 = tpu.memref_slice %arg5[%dma_start3A_64, %dma_start3A_70] : memref<2x1600xi32, #tpu.memory_space<vmem>> -> memref<1x80xi32, #tpu.memory_space<vmem>>
    %dma_start3A_72 = tpu.memref_squeeze %dma_start3A_71 : memref<1x80xi32, #tpu.memory_space<vmem>> -> memref<80xi32, #tpu.memory_space<vmem>>
    %dma_start3A_73 = arith.constant 0 : i32
    %dma_start3A_74 = arith.constant 0 : i32
    %dma_start3A_75 = tpu.memref_slice %arg2[%dma_start3A_73, %dma_start3A_74] : memref<1000000x32xf32, #tpu.memory_space<hbm>> -> memref<1000000x32xf32, #tpu.memory_space<hbm>>
    tpu.enqueue_indirect_dma source(%dma_start3A_75 : memref<1000000x32xf32, #tpu.memory_space<hbm>>) target(%dma_start3A_69 : memref<80x32xf32, #tpu.memory_space<vmem>>) offsets(%dma_start3A_72 : memref<80xi32, #tpu.memory_space<vmem>>) semaphore(%arg8 : memref<!tpu.dma_semaphore, #tpu.memory_space<semaphore_mem>>)
    %dma_start3A_76 = arith.constant 0 : i32
    %dma_start3A_77 = arith.constant 0 : i32
    %dma_start3A_78 = arith.constant 480 : i32
    %dma_start3A_79 = arith.constant 0 : i32
    %dma_start3A_80 = tpu.memref_slice %arg6[%dma_start3A_77, %dma_start3A_78, %dma_start3A_79] : memref<2x1600x32xf32, #tpu.memory_space<vmem>> -> memref<1x80x32xf32, #tpu.memory_space<vmem>>
    %dma_start3A_81 = tpu.memref_squeeze %dma_start3A_80 : memref<1x80x32xf32, #tpu.memory_space<vmem>> -> memref<80x32xf32, #tpu.memory_space<vmem>>
    %dma_start3A_82 = arith.constant 480 : i32
    %dma_start3A_83 = tpu.memref_slice %arg5[%dma_start3A_76, %dma_start3A_82] : memref<2x1600xi32, #tpu.memory_space<vmem>> -> memref<1x80xi32, #tpu.memory_space<vmem>>
    %dma_start3A_84 = tpu.memref_squeeze %dma_start3A_83 : memref<1x80xi32, #tpu.memory_space<vmem>> -> memref<80xi32, #tpu.memory_space<vmem>>
    %dma_start3A_85 = arith.constant 0 : i32
    %dma_start3A_86 = arith.constant 0 : i32
    %dma_start3A_87 = tpu.memref_slice %arg2[%dma_start3A_85, %dma_start3A_86] : memref<1000000x32xf32, #tpu.memory_space<hbm>> -> memref<1000000x32xf32, #tpu.memory_space<hbm>>
    tpu.enqueue_indirect_dma source(%dma_start3A_87 : memref<1000000x32xf32, #tpu.memory_space<hbm>>) target(%dma_start3A_81 : memref<80x32xf32, #tpu.memory_space<vmem>>) offsets(%dma_start3A_84 : memref<80xi32, #tpu.memory_space<vmem>>) semaphore(%arg8 : memref<!tpu.dma_semaphore, #tpu.memory_space<semaphore_mem>>)
    %dma_start3A_88 = arith.constant 0 : i32
    %dma_start3A_89 = arith.constant 0 : i32
    %dma_start3A_90 = arith.constant 560 : i32
    %dma_start3A_91 = arith.constant 0 : i32
    %dma_start3A_92 = tpu.memref_slice %arg6[%dma_start3A_89, %dma_start3A_90, %dma_start3A_91] : memref<2x1600x32xf32, #tpu.memory_space<vmem>> -> memref<1x80x32xf32, #tpu.memory_space<vmem>>
    %dma_start3A_93 = tpu.memref_squeeze %dma_start3A_92 : memref<1x80x32xf32, #tpu.memory_space<vmem>> -> memref<80x32xf32, #tpu.memory_space<vmem>>
    %dma_start3A_94 = arith.constant 560 : i32
    %dma_start3A_95 = tpu.memref_slice %arg5[%dma_start3A_88, %dma_start3A_94] : memref<2x1600xi32, #tpu.memory_space<vmem>> -> memref<1x80xi32, #tpu.memory_space<vmem>>
    %dma_start3A_96 = tpu.memref_squeeze %dma_start3A_95 : memref<1x80xi32, #tpu.memory_space<vmem>> -> memref<80xi32, #tpu.memory_space<vmem>>
    %dma_start3A_97 = arith.constant 0 : i32
    %dma_start3A_98 = arith.constant 0 : i32
    %dma_start3A_99 = tpu.memref_slice %arg2[%dma_start3A_97, %dma_start3A_98] : memref<1000000x32xf32, #tpu.memory_space<hbm>> -> memref<1000000x32xf32, #tpu.memory_space<hbm>>
    tpu.enqueue_indirect_dma source(%dma_start3A_99 : memref<1000000x32xf32, #tpu.memory_space<hbm>>) target(%dma_start3A_93 : memref<80x32xf32, #tpu.memory_space<vmem>>) offsets(%dma_start3A_96 : memref<80xi32, #tpu.memory_space<vmem>>) semaphore(%arg8 : memref<!tpu.dma_semaphore, #tpu.memory_space<semaphore_mem>>)
    %dma_start3A_100 = arith.constant 0 : i32
    %dma_start3A_101 = arith.constant 0 : i32
    %dma_start3A_102 = arith.constant 640 : i32
    %dma_start3A_103 = arith.constant 0 : i32
    %dma_start3A_104 = tpu.memref_slice %arg6[%dma_start3A_101, %dma_start3A_102, %dma_start3A_103] : memref<2x1600x32xf32, #tpu.memory_space<vmem>> -> memref<1x80x32xf32, #tpu.memory_space<vmem>>
    %dma_start3A_105 = tpu.memref_squeeze %dma_start3A_104 : memref<1x80x32xf32, #tpu.memory_space<vmem>> -> memref<80x32xf32, #tpu.memory_space<vmem>>
    %dma_start3A_106 = arith.constant 640 : i32
    %dma_start3A_107 = tpu.memref_slice %arg5[%dma_start3A_100, %dma_start3A_106] : memref<2x1600xi32, #tpu.memory_space<vmem>> -> memref<1x80xi32, #tpu.memory_space<vmem>>
    %dma_start3A_108 = tpu.memref_squeeze %dma_start3A_107 : memref<1x80xi32, #tpu.memory_space<vmem>> -> memref<80xi32, #tpu.memory_space<vmem>>
    %dma_start3A_109 = arith.constant 0 : i32
    %dma_start3A_110 = arith.constant 0 : i32
    %dma_start3A_111 = tpu.memref_slice %arg2[%dma_start3A_109, %dma_start3A_110] : memref<1000000x32xf32, #tpu.memory_space<hbm>> -> memref<1000000x32xf32, #tpu.memory_space<hbm>>
    tpu.enqueue_indirect_dma source(%dma_start3A_111 : memref<1000000x32xf32, #tpu.memory_space<hbm>>) target(%dma_start3A_105 : memref<80x32xf32, #tpu.memory_space<vmem>>) offsets(%dma_start3A_108 : memref<80xi32, #tpu.memory_space<vmem>>) semaphore(%arg8 : memref<!tpu.dma_semaphore, #tpu.memory_space<semaphore_mem>>)
    %dma_start3A_112 = arith.constant 0 : i32
    %dma_start3A_113 = arith.constant 0 : i32
    %dma_start3A_114 = arith.constant 720 : i32
    %dma_start3A_115 = arith.constant 0 : i32
    %dma_start3A_116 = tpu.memref_slice %arg6[%dma_start3A_113, %dma_start3A_114, %dma_start3A_115] : memref<2x1600x32xf32, #tpu.memory_space<vmem>> -> memref<1x80x32xf32, #tpu.memory_space<vmem>>
    %dma_start3A_117 = tpu.memref_squeeze %dma_start3A_116 : memref<1x80x32xf32, #tpu.memory_space<vmem>> -> memref<80x32xf32, #tpu.memory_space<vmem>>
    %dma_start3A_118 = arith.constant 720 : i32
    %dma_start3A_119 = tpu.memref_slice %arg5[%dma_start3A_112, %dma_start3A_118] : memref<2x1600xi32, #tpu.memory_space<vmem>> -> memref<1x80xi32, #tpu.memory_space<vmem>>
    %dma_start3A_120 = tpu.memref_squeeze %dma_start3A_119 : memref<1x80xi32, #tpu.memory_space<vmem>> -> memref<80xi32, #tpu.memory_space<vmem>>
    %dma_start3A_121 = arith.constant 0 : i32
    %dma_start3A_122 = arith.constant 0 : i32
    %dma_start3A_123 = tpu.memref_slice %arg2[%dma_start3A_121, %dma_start3A_122] : memref<1000000x32xf32, #tpu.memory_space<hbm>> -> memref<1000000x32xf32, #tpu.memory_space<hbm>>
    tpu.enqueue_indirect_dma source(%dma_start3A_123 : memref<1000000x32xf32, #tpu.memory_space<hbm>>) target(%dma_start3A_117 : memref<80x32xf32, #tpu.memory_space<vmem>>) offsets(%dma_start3A_120 : memref<80xi32, #tpu.memory_space<vmem>>) semaphore(%arg8 : memref<!tpu.dma_semaphore, #tpu.memory_space<semaphore_mem>>)
    %dma_start3A_124 = arith.constant 0 : i32
    %dma_start3A_125 = arith.constant 0 : i32
    %dma_start3A_126 = arith.constant 800 : i32
    %dma_start3A_127 = arith.constant 0 : i32
    %dma_start3A_128 = tpu.memref_slice %arg6[%dma_start3A_125, %dma_start3A_126, %dma_start3A_127] : memref<2x1600x32xf32, #tpu.memory_space<vmem>> -> memref<1x80x32xf32, #tpu.memory_space<vmem>>
    %dma_start3A_129 = tpu.memref_squeeze %dma_start3A_128 : memref<1x80x32xf32, #tpu.memory_space<vmem>> -> memref<80x32xf32, #tpu.memory_space<vmem>>
    %dma_start3A_130 = arith.constant 800 : i32
    %dma_start3A_131 = tpu.memref_slice %arg5[%dma_start3A_124, %dma_start3A_130] : memref<2x1600xi32, #tpu.memory_space<vmem>> -> memref<1x80xi32, #tpu.memory_space<vmem>>
    %dma_start3A_132 = tpu.memref_squeeze %dma_start3A_131 : memref<1x80xi32, #tpu.memory_space<vmem>> -> memref<80xi32, #tpu.memory_space<vmem>>
    %dma_start3A_133 = arith.constant 0 : i32
    %dma_start3A_134 = arith.constant 0 : i32
    %dma_start3A_135 = tpu.memref_slice %arg2[%dma_start3A_133, %dma_start3A_134] : memref<1000000x32xf32, #tpu.memory_space<hbm>> -> memref<1000000x32xf32, #tpu.memory_space<hbm>>
    tpu.enqueue_indirect_dma source(%dma_start3A_135 : memref<1000000x32xf32, #tpu.memory_space<hbm>>) target(%dma_start3A_129 : memref<80x32xf32, #tpu.memory_space<vmem>>) offsets(%dma_start3A_132 : memref<80xi32, #tpu.memory_space<vmem>>) semaphore(%arg8 : memref<!tpu.dma_semaphore, #tpu.memory_space<semaphore_mem>>)
    %dma_start3A_136 = arith.constant 0 : i32
    %dma_start3A_137 = arith.constant 0 : i32
    %dma_start3A_138 = arith.constant 880 : i32
    %dma_start3A_139 = arith.constant 0 : i32
    %dma_start3A_140 = tpu.memref_slice %arg6[%dma_start3A_137, %dma_start3A_138, %dma_start3A_139] : memref<2x1600x32xf32, #tpu.memory_space<vmem>> -> memref<1x80x32xf32, #tpu.memory_space<vmem>>
    %dma_start3A_141 = tpu.memref_squeeze %dma_start3A_140 : memref<1x80x32xf32, #tpu.memory_space<vmem>> -> memref<80x32xf32, #tpu.memory_space<vmem>>
    %dma_start3A_142 = arith.constant 880 : i32
    %dma_start3A_143 = tpu.memref_slice %arg5[%dma_start3A_136, %dma_start3A_142] : memref<2x1600xi32, #tpu.memory_space<vmem>> -> memref<1x80xi32, #tpu.memory_space<vmem>>
    %dma_start3A_144 = tpu.memref_squeeze %dma_start3A_143 : memref<1x80xi32, #tpu.memory_space<vmem>> -> memref<80xi32, #tpu.memory_space<vmem>>
    %dma_start3A_145 = arith.constant 0 : i32
    %dma_start3A_146 = arith.constant 0 : i32
    %dma_start3A_147 = tpu.memref_slice %arg2[%dma_start3A_145, %dma_start3A_146] : memref<1000000x32xf32, #tpu.memory_space<hbm>> -> memref<1000000x32xf32, #tpu.memory_space<hbm>>
    tpu.enqueue_indirect_dma source(%dma_start3A_147 : memref<1000000x32xf32, #tpu.memory_space<hbm>>) target(%dma_start3A_141 : memref<80x32xf32, #tpu.memory_space<vmem>>) offsets(%dma_start3A_144 : memref<80xi32, #tpu.memory_space<vmem>>) semaphore(%arg8 : memref<!tpu.dma_semaphore, #tpu.memory_space<semaphore_mem>>)
    %dma_start3A_148 = arith.constant 0 : i32
    %dma_start3A_149 = arith.constant 0 : i32
    %dma_start3A_150 = arith.constant 960 : i32
    %dma_start3A_151 = arith.constant 0 : i32
    %dma_start3A_152 = tpu.memref_slice %arg6[%dma_start3A_149, %dma_start3A_150, %dma_start3A_151] : memref<2x1600x32xf32, #tpu.memory_space<vmem>> -> memref<1x80x32xf32, #tpu.memory_space<vmem>>
    %dma_start3A_153 = tpu.memref_squeeze %dma_start3A_152 : memref<1x80x32xf32, #tpu.memory_space<vmem>> -> memref<80x32xf32, #tpu.memory_space<vmem>>
    %dma_start3A_154 = arith.constant 960 : i32
    %dma_start3A_155 = tpu.memref_slice %arg5[%dma_start3A_148, %dma_start3A_154] : memref<2x1600xi32, #tpu.memory_space<vmem>> -> memref<1x80xi32, #tpu.memory_space<vmem>>
    %dma_start3A_156 = tpu.memref_squeeze %dma_start3A_155 : memref<1x80xi32, #tpu.memory_space<vmem>> -> memref<80xi32, #tpu.memory_space<vmem>>
    %dma_start3A_157 = arith.constant 0 : i32
    %dma_start3A_158 = arith.constant 0 : i32
    %dma_start3A_159 = tpu.memref_slice %arg2[%dma_start3A_157, %dma_start3A_158] : memref<1000000x32xf32, #tpu.memory_space<hbm>> -> memref<1000000x32xf32, #tpu.memory_space<hbm>>
    tpu.enqueue_indirect_dma source(%dma_start3A_159 : memref<1000000x32xf32, #tpu.memory_space<hbm>>) target(%dma_start3A_153 : memref<80x32xf32, #tpu.memory_space<vmem>>) offsets(%dma_start3A_156 : memref<80xi32, #tpu.memory_space<vmem>>) semaphore(%arg8 : memref<!tpu.dma_semaphore, #tpu.memory_space<semaphore_mem>>)
    %dma_start3A_160 = arith.constant 0 : i32
    %dma_start3A_161 = arith.constant 0 : i32
    %dma_start3A_162 = arith.constant 1040 : i32
    %dma_start3A_163 = arith.constant 0 : i32
    %dma_start3A_164 = tpu.memref_slice %arg6[%dma_start3A_161, %dma_start3A_162, %dma_start3A_163] : memref<2x1600x32xf32, #tpu.memory_space<vmem>> -> memref<1x80x32xf32, #tpu.memory_space<vmem>>
    %dma_start3A_165 = tpu.memref_squeeze %dma_start3A_164 : memref<1x80x32xf32, #tpu.memory_space<vmem>> -> memref<80x32xf32, #tpu.memory_space<vmem>>
    %dma_start3A_166 = arith.constant 1040 : i32
    %dma_start3A_167 = tpu.memref_slice %arg5[%dma_start3A_160, %dma_start3A_166] : memref<2x1600xi32, #tpu.memory_space<vmem>> -> memref<1x80xi32, #tpu.memory_space<vmem>>
    %dma_start3A_168 = tpu.memref_squeeze %dma_start3A_167 : memref<1x80xi32, #tpu.memory_space<vmem>> -> memref<80xi32, #tpu.memory_space<vmem>>
    %dma_start3A_169 = arith.constant 0 : i32
    %dma_start3A_170 = arith.constant 0 : i32
    %dma_start3A_171 = tpu.memref_slice %arg2[%dma_start3A_169, %dma_start3A_170] : memref<1000000x32xf32, #tpu.memory_space<hbm>> -> memref<1000000x32xf32, #tpu.memory_space<hbm>>
    tpu.enqueue_indirect_dma source(%dma_start3A_171 : memref<1000000x32xf32, #tpu.memory_space<hbm>>) target(%dma_start3A_165 : memref<80x32xf32, #tpu.memory_space<vmem>>) offsets(%dma_start3A_168 : memref<80xi32, #tpu.memory_space<vmem>>) semaphore(%arg8 : memref<!tpu.dma_semaphore, #tpu.memory_space<semaphore_mem>>)
    %dma_start3A_172 = arith.constant 0 : i32
    %dma_start3A_173 = arith.constant 0 : i32
    %dma_start3A_174 = arith.constant 1120 : i32
    %dma_start3A_175 = arith.constant 0 : i32
    %dma_start3A_176 = tpu.memref_slice %arg6[%dma_start3A_173, %dma_start3A_174, %dma_start3A_175] : memref<2x1600x32xf32, #tpu.memory_space<vmem>> -> memref<1x80x32xf32, #tpu.memory_space<vmem>>
    %dma_start3A_177 = tpu.memref_squeeze %dma_start3A_176 : memref<1x80x32xf32, #tpu.memory_space<vmem>> -> memref<80x32xf32, #tpu.memory_space<vmem>>
    %dma_start3A_178 = arith.constant 1120 : i32
    %dma_start3A_179 = tpu.memref_slice %arg5[%dma_start3A_172, %dma_start3A_178] : memref<2x1600xi32, #tpu.memory_space<vmem>> -> memref<1x80xi32, #tpu.memory_space<vmem>>
    %dma_start3A_180 = tpu.memref_squeeze %dma_start3A_179 : memref<1x80xi32, #tpu.memory_space<vmem>> -> memref<80xi32, #tpu.memory_space<vmem>>
    %dma_start3A_181 = arith.constant 0 : i32
    %dma_start3A_182 = arith.constant 0 : i32
    %dma_start3A_183 = tpu.memref_slice %arg2[%dma_start3A_181, %dma_start3A_182] : memref<1000000x32xf32, #tpu.memory_space<hbm>> -> memref<1000000x32xf32, #tpu.memory_space<hbm>>
    tpu.enqueue_indirect_dma source(%dma_start3A_183 : memref<1000000x32xf32, #tpu.memory_space<hbm>>) target(%dma_start3A_177 : memref<80x32xf32, #tpu.memory_space<vmem>>) offsets(%dma_start3A_180 : memref<80xi32, #tpu.memory_space<vmem>>) semaphore(%arg8 : memref<!tpu.dma_semaphore, #tpu.memory_space<semaphore_mem>>)
    %dma_start3A_184 = arith.constant 0 : i32
    %dma_start3A_185 = arith.constant 0 : i32
    %dma_start3A_186 = arith.constant 1200 : i32
    %dma_start3A_187 = arith.constant 0 : i32
    %dma_start3A_188 = tpu.memref_slice %arg6[%dma_start3A_185, %dma_start3A_186, %dma_start3A_187] : memref<2x1600x32xf32, #tpu.memory_space<vmem>> -> memref<1x80x32xf32, #tpu.memory_space<vmem>>
    %dma_start3A_189 = tpu.memref_squeeze %dma_start3A_188 : memref<1x80x32xf32, #tpu.memory_space<vmem>> -> memref<80x32xf32, #tpu.memory_space<vmem>>
    %dma_start3A_190 = arith.constant 1200 : i32
    %dma_start3A_191 = tpu.memref_slice %arg5[%dma_start3A_184, %dma_start3A_190] : memref<2x1600xi32, #tpu.memory_space<vmem>> -> memref<1x80xi32, #tpu.memory_space<vmem>>
    %dma_start3A_192 = tpu.memref_squeeze %dma_start3A_191 : memref<1x80xi32, #tpu.memory_space<vmem>> -> memref<80xi32, #tpu.memory_space<vmem>>
    %dma_start3A_193 = arith.constant 0 : i32
    %dma_start3A_194 = arith.constant 0 : i32
    %dma_start3A_195 = tpu.memref_slice %arg2[%dma_start3A_193, %dma_start3A_194] : memref<1000000x32xf32, #tpu.memory_space<hbm>> -> memref<1000000x32xf32, #tpu.memory_space<hbm>>
    tpu.enqueue_indirect_dma source(%dma_start3A_195 : memref<1000000x32xf32, #tpu.memory_space<hbm>>) target(%dma_start3A_189 : memref<80x32xf32, #tpu.memory_space<vmem>>) offsets(%dma_start3A_192 : memref<80xi32, #tpu.memory_space<vmem>>) semaphore(%arg8 : memref<!tpu.dma_semaphore, #tpu.memory_space<semaphore_mem>>)
    %dma_start3A_196 = arith.constant 0 : i32
    %dma_start3A_197 = arith.constant 0 : i32
    %dma_start3A_198 = arith.constant 1280 : i32
    %dma_start3A_199 = arith.constant 0 : i32
    %dma_start3A_200 = tpu.memref_slice %arg6[%dma_start3A_197, %dma_start3A_198, %dma_start3A_199] : memref<2x1600x32xf32, #tpu.memory_space<vmem>> -> memref<1x80x32xf32, #tpu.memory_space<vmem>>
    %dma_start3A_201 = tpu.memref_squeeze %dma_start3A_200 : memref<1x80x32xf32, #tpu.memory_space<vmem>> -> memref<80x32xf32, #tpu.memory_space<vmem>>
    %dma_start3A_202 = arith.constant 1280 : i32
    %dma_start3A_203 = tpu.memref_slice %arg5[%dma_start3A_196, %dma_start3A_202] : memref<2x1600xi32, #tpu.memory_space<vmem>> -> memref<1x80xi32, #tpu.memory_space<vmem>>
    %dma_start3A_204 = tpu.memref_squeeze %dma_start3A_203 : memref<1x80xi32, #tpu.memory_space<vmem>> -> memref<80xi32, #tpu.memory_space<vmem>>
    %dma_start3A_205 = arith.constant 0 : i32
    %dma_start3A_206 = arith.constant 0 : i32
    %dma_start3A_207 = tpu.memref_slice %arg2[%dma_start3A_205, %dma_start3A_206] : memref<1000000x32xf32, #tpu.memory_space<hbm>> -> memref<1000000x32xf32, #tpu.memory_space<hbm>>
    tpu.enqueue_indirect_dma source(%dma_start3A_207 : memref<1000000x32xf32, #tpu.memory_space<hbm>>) target(%dma_start3A_201 : memref<80x32xf32, #tpu.memory_space<vmem>>) offsets(%dma_start3A_204 : memref<80xi32, #tpu.memory_space<vmem>>) semaphore(%arg8 : memref<!tpu.dma_semaphore, #tpu.memory_space<semaphore_mem>>)
    %dma_start3A_208 = arith.constant 0 : i32
    %dma_start3A_209 = arith.constant 0 : i32
    %dma_start3A_210 = arith.constant 1360 : i32
    %dma_start3A_211 = arith.constant 0 : i32
    %dma_start3A_212 = tpu.memref_slice %arg6[%dma_start3A_209, %dma_start3A_210, %dma_start3A_211] : memref<2x1600x32xf32, #tpu.memory_space<vmem>> -> memref<1x80x32xf32, #tpu.memory_space<vmem>>
    %dma_start3A_213 = tpu.memref_squeeze %dma_start3A_212 : memref<1x80x32xf32, #tpu.memory_space<vmem>> -> memref<80x32xf32, #tpu.memory_space<vmem>>
    %dma_start3A_214 = arith.constant 1360 : i32
    %dma_start3A_215 = tpu.memref_slice %arg5[%dma_start3A_208, %dma_start3A_214] : memref<2x1600xi32, #tpu.memory_space<vmem>> -> memref<1x80xi32, #tpu.memory_space<vmem>>
    %dma_start3A_216 = tpu.memref_squeeze %dma_start3A_215 : memref<1x80xi32, #tpu.memory_space<vmem>> -> memref<80xi32, #tpu.memory_space<vmem>>
    %dma_start3A_217 = arith.constant 0 : i32
    %dma_start3A_218 = arith.constant 0 : i32
    %dma_start3A_219 = tpu.memref_slice %arg2[%dma_start3A_217, %dma_start3A_218] : memref<1000000x32xf32, #tpu.memory_space<hbm>> -> memref<1000000x32xf32, #tpu.memory_space<hbm>>
    tpu.enqueue_indirect_dma source(%dma_start3A_219 : memref<1000000x32xf32, #tpu.memory_space<hbm>>) target(%dma_start3A_213 : memref<80x32xf32, #tpu.memory_space<vmem>>) offsets(%dma_start3A_216 : memref<80xi32, #tpu.memory_space<vmem>>) semaphore(%arg8 : memref<!tpu.dma_semaphore, #tpu.memory_space<semaphore_mem>>)
    %dma_start3A_220 = arith.constant 0 : i32
    %dma_start3A_221 = arith.constant 0 : i32
    %dma_start3A_222 = arith.constant 1440 : i32
    %dma_start3A_223 = arith.constant 0 : i32
    %dma_start3A_224 = tpu.memref_slice %arg6[%dma_start3A_221, %dma_start3A_222, %dma_start3A_223] : memref<2x1600x32xf32, #tpu.memory_space<vmem>> -> memref<1x80x32xf32, #tpu.memory_space<vmem>>
    %dma_start3A_225 = tpu.memref_squeeze %dma_start3A_224 : memref<1x80x32xf32, #tpu.memory_space<vmem>> -> memref<80x32xf32, #tpu.memory_space<vmem>>
    %dma_start3A_226 = arith.constant 1440 : i32
    %dma_start3A_227 = tpu.memref_slice %arg5[%dma_start3A_220, %dma_start3A_226] : memref<2x1600xi32, #tpu.memory_space<vmem>> -> memref<1x80xi32, #tpu.memory_space<vmem>>
    %dma_start3A_228 = tpu.memref_squeeze %dma_start3A_227 : memref<1x80xi32, #tpu.memory_space<vmem>> -> memref<80xi32, #tpu.memory_space<vmem>>
    %dma_start3A_229 = arith.constant 0 : i32
    %dma_start3A_230 = arith.constant 0 : i32
    %dma_start3A_231 = tpu.memref_slice %arg2[%dma_start3A_229, %dma_start3A_230] : memref<1000000x32xf32, #tpu.memory_space<hbm>> -> memref<1000000x32xf32, #tpu.memory_space<hbm>>
    tpu.enqueue_indirect_dma source(%dma_start3A_231 : memref<1000000x32xf32, #tpu.memory_space<hbm>>) target(%dma_start3A_225 : memref<80x32xf32, #tpu.memory_space<vmem>>) offsets(%dma_start3A_228 : memref<80xi32, #tpu.memory_space<vmem>>) semaphore(%arg8 : memref<!tpu.dma_semaphore, #tpu.memory_space<semaphore_mem>>)
    %dma_start3A_232 = arith.constant 0 : i32
    %dma_start3A_233 = arith.constant 0 : i32
    %dma_start3A_234 = arith.constant 1520 : i32
    %dma_start3A_235 = arith.constant 0 : i32
    %dma_start3A_236 = tpu.memref_slice %arg6[%dma_start3A_233, %dma_start3A_234, %dma_start3A_235] : memref<2x1600x32xf32, #tpu.memory_space<vmem>> -> memref<1x80x32xf32, #tpu.memory_space<vmem>>
    %dma_start3A_237 = tpu.memref_squeeze %dma_start3A_236 : memref<1x80x32xf32, #tpu.memory_space<vmem>> -> memref<80x32xf32, #tpu.memory_space<vmem>>
    %dma_start3A_238 = arith.constant 1520 : i32
    %dma_start3A_239 = tpu.memref_slice %arg5[%dma_start3A_232, %dma_start3A_238] : memref<2x1600xi32, #tpu.memory_space<vmem>> -> memref<1x80xi32, #tpu.memory_space<vmem>>
    %dma_start3A_240 = tpu.memref_squeeze %dma_start3A_239 : memref<1x80xi32, #tpu.memory_space<vmem>> -> memref<80xi32, #tpu.memory_space<vmem>>
    %dma_start3A_241 = arith.constant 0 : i32
    %dma_start3A_242 = arith.constant 0 : i32
    %dma_start3A_243 = tpu.memref_slice %arg2[%dma_start3A_241, %dma_start3A_242] : memref<1000000x32xf32, #tpu.memory_space<hbm>> -> memref<1000000x32xf32, #tpu.memory_space<hbm>>
    tpu.enqueue_indirect_dma source(%dma_start3A_243 : memref<1000000x32xf32, #tpu.memory_space<hbm>>) target(%dma_start3A_237 : memref<80x32xf32, #tpu.memory_space<vmem>>) offsets(%dma_start3A_240 : memref<80xi32, #tpu.memory_space<vmem>>) semaphore(%arg8 : memref<!tpu.dma_semaphore, #tpu.memory_space<semaphore_mem>>)
    %scan3A = arith.constant 0 : i32
    %scan3A_244 = arith.constant 5.000000e-03 : f32
    %scan3A_245 = arith.constant 0 : i32
    %scan3A_246 = arith.constant 64 : i32
    %scan3A_247 = arith.addi %scan3A_245, %scan3A_246 : i32
    %scan3A_248 = arith.constant 1 : i32
    scf.for %scan3A_250 = %scan3A_245 to %scan3A_247 step %scan3A_248  : i32 {
      %rem3A = arith.constant 2 : i32
      %rem3A_251 = arith.remsi %scan3A_250, %rem3A : i32
      %add3A_252 = arith.constant 1 : i32
      %add3A_253 = arith.addi %scan3A_250, %add3A_252 : i32
      %rem3A_254 = arith.constant 2 : i32
      %rem3A_255 = arith.remsi %add3A_253, %rem3A_254 : i32
      %add3A_256 = arith.constant 1 : i32
      %add3A_257 = arith.addi %scan3A_250, %add3A_256 : i32
      %lt3A = arith.constant 64 : i32
      %lt3A_258 = arith.cmpi slt, %add3A_257, %lt3A : i32
      %convert_element_type3A = arith.extui %lt3A_258 : i1 to i32
      %cond3A = arith.constant 0 : i32
      %cond3A_259 = arith.cmpi ne, %convert_element_type3A, %cond3A : i32
      scf.if %cond3A_259 {
        %eq3A_280 = arith.constant 1 : i32
        %eq3A_281 = arith.cmpi eq, %rem3A_255, %eq3A_280 : i32
        %convert_element_type3A_282 = arith.extui %eq3A_281 : i1 to i32
        %cond3A_283 = arith.constant 0 : i32
        %cond3A_284 = arith.cmpi ne, %convert_element_type3A_282, %cond3A_283 : i32
        scf.if %cond3A_284 {
          %add3A_290 = arith.constant 1 : i32
          %add3A_291 = arith.addi %scan3A_250, %add3A_290 : i32
          %mul3A_292 = arith.constant 102400 : i32
          %mul3A_293 = arith.muli %add3A, %mul3A_292 : i32
          %mul3A_294 = arith.constant 1600 : i32
          %mul3A_295 = arith.muli %add3A_291, %mul3A_294 : i32
          %add3A_296 = arith.addi %mul3A_293, %mul3A_295 : i32
          %run_scoped3A_297 = arith.constant 1 : i32
          "tpu.region"() ({
            %run_scoped3A_538 = tpu.sem_alloc : memref<!tpu.dma_semaphore, #tpu.memory_space<semaphore_mem>>
            %dma_start3A_539 = arith.constant 0 : i32
            %dma_start3A_540 = tpu.memref_slice %arg5[%run_scoped3A_297, %dma_start3A_539] : memref<2x1600xi32, #tpu.memory_space<vmem>> -> memref<1x1600xi32, #tpu.memory_space<vmem>>
            %dma_start3A_541 = tpu.memref_squeeze %dma_start3A_540 : memref<1x1600xi32, #tpu.memory_space<vmem>> -> memref<1600xi32, #tpu.memory_space<vmem>>
            %dma_start3A_542 = tpu.memref_slice %arg3[%add3A_296] : memref<3276800xi32, #tpu.memory_space<hbm>> -> memref<1600xi32, #tpu.memory_space<hbm>>
            %dma_start3A_543 = arith.constant 0 : i32
            %dma_start3A_544 = tpu.memref_slice %arg5[%run_scoped3A_297, %dma_start3A_543] : memref<2x1600xi32, #tpu.memory_space<vmem>> -> memref<1x1600xi32, #tpu.memory_space<vmem>>
            %dma_start3A_545 = tpu.memref_squeeze %dma_start3A_544 : memref<1x1600xi32, #tpu.memory_space<vmem>> -> memref<1600xi32, #tpu.memory_space<vmem>>
            %dma_start3A_546 = tpu.memref_slice %arg3[%add3A_296] : memref<3276800xi32, #tpu.memory_space<hbm>> -> memref<1600xi32, #tpu.memory_space<hbm>>
            tpu.enqueue_dma source(%dma_start3A_546 : memref<1600xi32, #tpu.memory_space<hbm>>) target(%dma_start3A_545 : memref<1600xi32, #tpu.memory_space<vmem>>) target_semaphore(%run_scoped3A_538 : memref<!tpu.dma_semaphore, #tpu.memory_space<semaphore_mem>>)
            %dma_wait3A = arith.constant 0 : i32
            %dma_wait3A_547 = tpu.memref_slice %arg5[%run_scoped3A_297, %dma_wait3A] : memref<2x1600xi32, #tpu.memory_space<vmem>> -> memref<1x1600xi32, #tpu.memory_space<vmem>>
            %dma_wait3A_548 = tpu.memref_squeeze %dma_wait3A_547 : memref<1x1600xi32, #tpu.memory_space<vmem>> -> memref<1600xi32, #tpu.memory_space<vmem>>
            %dma_wait3A_549 = tpu.memref_slice %arg3[%add3A_296] : memref<3276800xi32, #tpu.memory_space<hbm>> -> memref<1600xi32, #tpu.memory_space<hbm>>
            %dma_wait3A_550 = arith.constant 0 : i32
            %dma_wait3A_551 = tpu.memref_slice %arg5[%run_scoped3A_297, %dma_wait3A_550] : memref<2x1600xi32, #tpu.memory_space<vmem>> -> memref<1x1600xi32, #tpu.memory_space<vmem>>
            %dma_wait3A_552 = tpu.memref_squeeze %dma_wait3A_551 : memref<1x1600xi32, #tpu.memory_space<vmem>> -> memref<1600xi32, #tpu.memory_space<vmem>>
            %dma_wait3A_553 = tpu.memref_slice %arg3[%add3A_296] : memref<3276800xi32, #tpu.memory_space<hbm>> -> memref<1600xi32, #tpu.memory_space<hbm>>
            tpu.wait_dma2 semaphore(%run_scoped3A_538 : memref<!tpu.dma_semaphore, #tpu.memory_space<semaphore_mem>>) src(%dma_wait3A_553 : memref<1600xi32, #tpu.memory_space<hbm>>) dst(%dma_wait3A_552 : memref<1600xi32, #tpu.memory_space<vmem>>)
            tpu.yield
          }) : () -> ()
          %dma_start3A_298 = arith.constant 1 : i32
          %dma_start3A_299 = arith.constant 1 : i32
          %dma_start3A_300 = arith.constant 0 : i32
          %dma_start3A_301 = arith.constant 0 : i32
          %dma_start3A_302 = tpu.memref_slice %arg6[%dma_start3A_299, %dma_start3A_300, %dma_start3A_301] : memref<2x1600x32xf32, #tpu.memory_space<vmem>> -> memref<1x80x32xf32, #tpu.memory_space<vmem>>
          %dma_start3A_303 = tpu.memref_squeeze %dma_start3A_302 : memref<1x80x32xf32, #tpu.memory_space<vmem>> -> memref<80x32xf32, #tpu.memory_space<vmem>>
          %dma_start3A_304 = arith.constant 0 : i32
          %dma_start3A_305 = tpu.memref_slice %arg5[%dma_start3A_298, %dma_start3A_304] : memref<2x1600xi32, #tpu.memory_space<vmem>> -> memref<1x80xi32, #tpu.memory_space<vmem>>
          %dma_start3A_306 = tpu.memref_squeeze %dma_start3A_305 : memref<1x80xi32, #tpu.memory_space<vmem>> -> memref<80xi32, #tpu.memory_space<vmem>>
          %dma_start3A_307 = arith.constant 0 : i32
          %dma_start3A_308 = arith.constant 0 : i32
          %dma_start3A_309 = tpu.memref_slice %arg2[%dma_start3A_307, %dma_start3A_308] : memref<1000000x32xf32, #tpu.memory_space<hbm>> -> memref<1000000x32xf32, #tpu.memory_space<hbm>>
          tpu.enqueue_indirect_dma source(%dma_start3A_309 : memref<1000000x32xf32, #tpu.memory_space<hbm>>) target(%dma_start3A_303 : memref<80x32xf32, #tpu.memory_space<vmem>>) offsets(%dma_start3A_306 : memref<80xi32, #tpu.memory_space<vmem>>) semaphore(%arg9 : memref<!tpu.dma_semaphore, #tpu.memory_space<semaphore_mem>>)
          %dma_start3A_310 = arith.constant 1 : i32
          %dma_start3A_311 = arith.constant 1 : i32
          %dma_start3A_312 = arith.constant 80 : i32
          %dma_start3A_313 = arith.constant 0 : i32
          %dma_start3A_314 = tpu.memref_slice %arg6[%dma_start3A_311, %dma_start3A_312, %dma_start3A_313] : memref<2x1600x32xf32, #tpu.memory_space<vmem>> -> memref<1x80x32xf32, #tpu.memory_space<vmem>>
          %dma_start3A_315 = tpu.memref_squeeze %dma_start3A_314 : memref<1x80x32xf32, #tpu.memory_space<vmem>> -> memref<80x32xf32, #tpu.memory_space<vmem>>
          %dma_start3A_316 = arith.constant 80 : i32
          %dma_start3A_317 = tpu.memref_slice %arg5[%dma_start3A_310, %dma_start3A_316] : memref<2x1600xi32, #tpu.memory_space<vmem>> -> memref<1x80xi32, #tpu.memory_space<vmem>>
          %dma_start3A_318 = tpu.memref_squeeze %dma_start3A_317 : memref<1x80xi32, #tpu.memory_space<vmem>> -> memref<80xi32, #tpu.memory_space<vmem>>
          %dma_start3A_319 = arith.constant 0 : i32
          %dma_start3A_320 = arith.constant 0 : i32
          %dma_start3A_321 = tpu.memref_slice %arg2[%dma_start3A_319, %dma_start3A_320] : memref<1000000x32xf32, #tpu.memory_space<hbm>> -> memref<1000000x32xf32, #tpu.memory_space<hbm>>
          tpu.enqueue_indirect_dma source(%dma_start3A_321 : memref<1000000x32xf32, #tpu.memory_space<hbm>>) target(%dma_start3A_315 : memref<80x32xf32, #tpu.memory_space<vmem>>) offsets(%dma_start3A_318 : memref<80xi32, #tpu.memory_space<vmem>>) semaphore(%arg9 : memref<!tpu.dma_semaphore, #tpu.memory_space<semaphore_mem>>)
          %dma_start3A_322 = arith.constant 1 : i32
          %dma_start3A_323 = arith.constant 1 : i32
          %dma_start3A_324 = arith.constant 160 : i32
          %dma_start3A_325 = arith.constant 0 : i32
          %dma_start3A_326 = tpu.memref_slice %arg6[%dma_start3A_323, %dma_start3A_324, %dma_start3A_325] : memref<2x1600x32xf32, #tpu.memory_space<vmem>> -> memref<1x80x32xf32, #tpu.memory_space<vmem>>
          %dma_start3A_327 = tpu.memref_squeeze %dma_start3A_326 : memref<1x80x32xf32, #tpu.memory_space<vmem>> -> memref<80x32xf32, #tpu.memory_space<vmem>>
          %dma_start3A_328 = arith.constant 160 : i32
          %dma_start3A_329 = tpu.memref_slice %arg5[%dma_start3A_322, %dma_start3A_328] : memref<2x1600xi32, #tpu.memory_space<vmem>> -> memref<1x80xi32, #tpu.memory_space<vmem>>
          %dma_start3A_330 = tpu.memref_squeeze %dma_start3A_329 : memref<1x80xi32, #tpu.memory_space<vmem>> -> memref<80xi32, #tpu.memory_space<vmem>>
          %dma_start3A_331 = arith.constant 0 : i32
          %dma_start3A_332 = arith.constant 0 : i32
          %dma_start3A_333 = tpu.memref_slice %arg2[%dma_start3A_331, %dma_start3A_332] : memref<1000000x32xf32, #tpu.memory_space<hbm>> -> memref<1000000x32xf32, #tpu.memory_space<hbm>>
          tpu.enqueue_indirect_dma source(%dma_start3A_333 : memref<1000000x32xf32, #tpu.memory_space<hbm>>) target(%dma_start3A_327 : memref<80x32xf32, #tpu.memory_space<vmem>>) offsets(%dma_start3A_330 : memref<80xi32, #tpu.memory_space<vmem>>) semaphore(%arg9 : memref<!tpu.dma_semaphore, #tpu.memory_space<semaphore_mem>>)
          %dma_start3A_334 = arith.constant 1 : i32
          %dma_start3A_335 = arith.constant 1 : i32
          %dma_start3A_336 = arith.constant 240 : i32
          %dma_start3A_337 = arith.constant 0 : i32
          %dma_start3A_338 = tpu.memref_slice %arg6[%dma_start3A_335, %dma_start3A_336, %dma_start3A_337] : memref<2x1600x32xf32, #tpu.memory_space<vmem>> -> memref<1x80x32xf32, #tpu.memory_space<vmem>>
          %dma_start3A_339 = tpu.memref_squeeze %dma_start3A_338 : memref<1x80x32xf32, #tpu.memory_space<vmem>> -> memref<80x32xf32, #tpu.memory_space<vmem>>
          %dma_start3A_340 = arith.constant 240 : i32
          %dma_start3A_341 = tpu.memref_slice %arg5[%dma_start3A_334, %dma_start3A_340] : memref<2x1600xi32, #tpu.memory_space<vmem>> -> memref<1x80xi32, #tpu.memory_space<vmem>>
          %dma_start3A_342 = tpu.memref_squeeze %dma_start3A_341 : memref<1x80xi32, #tpu.memory_space<vmem>> -> memref<80xi32, #tpu.memory_space<vmem>>
          %dma_start3A_343 = arith.constant 0 : i32
          %dma_start3A_344 = arith.constant 0 : i32
          %dma_start3A_345 = tpu.memref_slice %arg2[%dma_start3A_343, %dma_start3A_344] : memref<1000000x32xf32, #tpu.memory_space<hbm>> -> memref<1000000x32xf32, #tpu.memory_space<hbm>>
          tpu.enqueue_indirect_dma source(%dma_start3A_345 : memref<1000000x32xf32, #tpu.memory_space<hbm>>) target(%dma_start3A_339 : memref<80x32xf32, #tpu.memory_space<vmem>>) offsets(%dma_start3A_342 : memref<80xi32, #tpu.memory_space<vmem>>) semaphore(%arg9 : memref<!tpu.dma_semaphore, #tpu.memory_space<semaphore_mem>>)
          %dma_start3A_346 = arith.constant 1 : i32
          %dma_start3A_347 = arith.constant 1 : i32
          %dma_start3A_348 = arith.constant 320 : i32
          %dma_start3A_349 = arith.constant 0 : i32
          %dma_start3A_350 = tpu.memref_slice %arg6[%dma_start3A_347, %dma_start3A_348, %dma_start3A_349] : memref<2x1600x32xf32, #tpu.memory_space<vmem>> -> memref<1x80x32xf32, #tpu.memory_space<vmem>>
          %dma_start3A_351 = tpu.memref_squeeze %dma_start3A_350 : memref<1x80x32xf32, #tpu.memory_space<vmem>> -> memref<80x32xf32, #tpu.memory_space<vmem>>
          %dma_start3A_352 = arith.constant 320 : i32
          %dma_start3A_353 = tpu.memref_slice %arg5[%dma_start3A_346, %dma_start3A_352] : memref<2x1600xi32, #tpu.memory_space<vmem>> -> memref<1x80xi32, #tpu.memory_space<vmem>>
          %dma_start3A_354 = tpu.memref_squeeze %dma_start3A_353 : memref<1x80xi32, #tpu.memory_space<vmem>> -> memref<80xi32, #tpu.memory_space<vmem>>
          %dma_start3A_355 = arith.constant 0 : i32
          %dma_start3A_356 = arith.constant 0 : i32
          %dma_start3A_357 = tpu.memref_slice %arg2[%dma_start3A_355, %dma_start3A_356] : memref<1000000x32xf32, #tpu.memory_space<hbm>> -> memref<1000000x32xf32, #tpu.memory_space<hbm>>
          tpu.enqueue_indirect_dma source(%dma_start3A_357 : memref<1000000x32xf32, #tpu.memory_space<hbm>>) target(%dma_start3A_351 : memref<80x32xf32, #tpu.memory_space<vmem>>) offsets(%dma_start3A_354 : memref<80xi32, #tpu.memory_space<vmem>>) semaphore(%arg9 : memref<!tpu.dma_semaphore, #tpu.memory_space<semaphore_mem>>)
          %dma_start3A_358 = arith.constant 1 : i32
          %dma_start3A_359 = arith.constant 1 : i32
          %dma_start3A_360 = arith.constant 400 : i32
          %dma_start3A_361 = arith.constant 0 : i32
          %dma_start3A_362 = tpu.memref_slice %arg6[%dma_start3A_359, %dma_start3A_360, %dma_start3A_361] : memref<2x1600x32xf32, #tpu.memory_space<vmem>> -> memref<1x80x32xf32, #tpu.memory_space<vmem>>
          %dma_start3A_363 = tpu.memref_squeeze %dma_start3A_362 : memref<1x80x32xf32, #tpu.memory_space<vmem>> -> memref<80x32xf32, #tpu.memory_space<vmem>>
          %dma_start3A_364 = arith.constant 400 : i32
          %dma_start3A_365 = tpu.memref_slice %arg5[%dma_start3A_358, %dma_start3A_364] : memref<2x1600xi32, #tpu.memory_space<vmem>> -> memref<1x80xi32, #tpu.memory_space<vmem>>
          %dma_start3A_366 = tpu.memref_squeeze %dma_start3A_365 : memref<1x80xi32, #tpu.memory_space<vmem>> -> memref<80xi32, #tpu.memory_space<vmem>>
          %dma_start3A_367 = arith.constant 0 : i32
          %dma_start3A_368 = arith.constant 0 : i32
          %dma_start3A_369 = tpu.memref_slice %arg2[%dma_start3A_367, %dma_start3A_368] : memref<1000000x32xf32, #tpu.memory_space<hbm>> -> memref<1000000x32xf32, #tpu.memory_space<hbm>>
          tpu.enqueue_indirect_dma source(%dma_start3A_369 : memref<1000000x32xf32, #tpu.memory_space<hbm>>) target(%dma_start3A_363 : memref<80x32xf32, #tpu.memory_space<vmem>>) offsets(%dma_start3A_366 : memref<80xi32, #tpu.memory_space<vmem>>) semaphore(%arg9 : memref<!tpu.dma_semaphore, #tpu.memory_space<semaphore_mem>>)
          %dma_start3A_370 = arith.constant 1 : i32
          %dma_start3A_371 = arith.constant 1 : i32
          %dma_start3A_372 = arith.constant 480 : i32
          %dma_start3A_373 = arith.constant 0 : i32
          %dma_start3A_374 = tpu.memref_slice %arg6[%dma_start3A_371, %dma_start3A_372, %dma_start3A_373] : memref<2x1600x32xf32, #tpu.memory_space<vmem>> -> memref<1x80x32xf32, #tpu.memory_space<vmem>>
          %dma_start3A_375 = tpu.memref_squeeze %dma_start3A_374 : memref<1x80x32xf32, #tpu.memory_space<vmem>> -> memref<80x32xf32, #tpu.memory_space<vmem>>
          %dma_start3A_376 = arith.constant 480 : i32
          %dma_start3A_377 = tpu.memref_slice %arg5[%dma_start3A_370, %dma_start3A_376] : memref<2x1600xi32, #tpu.memory_space<vmem>> -> memref<1x80xi32, #tpu.memory_space<vmem>>
          %dma_start3A_378 = tpu.memref_squeeze %dma_start3A_377 : memref<1x80xi32, #tpu.memory_space<vmem>> -> memref<80xi32, #tpu.memory_space<vmem>>
          %dma_start3A_379 = arith.constant 0 : i32
          %dma_start3A_380 = arith.constant 0 : i32
          %dma_start3A_381 = tpu.memref_slice %arg2[%dma_start3A_379, %dma_start3A_380] : memref<1000000x32xf32, #tpu.memory_space<hbm>> -> memref<1000000x32xf32, #tpu.memory_space<hbm>>
          tpu.enqueue_indirect_dma source(%dma_start3A_381 : memref<1000000x32xf32, #tpu.memory_space<hbm>>) target(%dma_start3A_375 : memref<80x32xf32, #tpu.memory_space<vmem>>) offsets(%dma_start3A_378 : memref<80xi32, #tpu.memory_space<vmem>>) semaphore(%arg9 : memref<!tpu.dma_semaphore, #tpu.memory_space<semaphore_mem>>)
          %dma_start3A_382 = arith.constant 1 : i32
          %dma_start3A_383 = arith.constant 1 : i32
          %dma_start3A_384 = arith.constant 560 : i32
          %dma_start3A_385 = arith.constant 0 : i32
          %dma_start3A_386 = tpu.memref_slice %arg6[%dma_start3A_383, %dma_start3A_384, %dma_start3A_385] : memref<2x1600x32xf32, #tpu.memory_space<vmem>> -> memref<1x80x32xf32, #tpu.memory_space<vmem>>
          %dma_start3A_387 = tpu.memref_squeeze %dma_start3A_386 : memref<1x80x32xf32, #tpu.memory_space<vmem>> -> memref<80x32xf32, #tpu.memory_space<vmem>>
          %dma_start3A_388 = arith.constant 560 : i32
          %dma_start3A_389 = tpu.memref_slice %arg5[%dma_start3A_382, %dma_start3A_388] : memref<2x1600xi32, #tpu.memory_space<vmem>> -> memref<1x80xi32, #tpu.memory_space<vmem>>
          %dma_start3A_390 = tpu.memref_squeeze %dma_start3A_389 : memref<1x80xi32, #tpu.memory_space<vmem>> -> memref<80xi32, #tpu.memory_space<vmem>>
          %dma_start3A_391 = arith.constant 0 : i32
          %dma_start3A_392 = arith.constant 0 : i32
          %dma_start3A_393 = tpu.memref_slice %arg2[%dma_start3A_391, %dma_start3A_392] : memref<1000000x32xf32, #tpu.memory_space<hbm>> -> memref<1000000x32xf32, #tpu.memory_space<hbm>>
          tpu.enqueue_indirect_dma source(%dma_start3A_393 : memref<1000000x32xf32, #tpu.memory_space<hbm>>) target(%dma_start3A_387 : memref<80x32xf32, #tpu.memory_space<vmem>>) offsets(%dma_start3A_390 : memref<80xi32, #tpu.memory_space<vmem>>) semaphore(%arg9 : memref<!tpu.dma_semaphore, #tpu.memory_space<semaphore_mem>>)
          %dma_start3A_394 = arith.constant 1 : i32
          %dma_start3A_395 = arith.constant 1 : i32
          %dma_start3A_396 = arith.constant 640 : i32
          %dma_start3A_397 = arith.constant 0 : i32
          %dma_start3A_398 = tpu.memref_slice %arg6[%dma_start3A_395, %dma_start3A_396, %dma_start3A_397] : memref<2x1600x32xf32, #tpu.memory_space<vmem>> -> memref<1x80x32xf32, #tpu.memory_space<vmem>>
          %dma_start3A_399 = tpu.memref_squeeze %dma_start3A_398 : memref<1x80x32xf32, #tpu.memory_space<vmem>> -> memref<80x32xf32, #tpu.memory_space<vmem>>
          %dma_start3A_400 = arith.constant 640 : i32
          %dma_start3A_401 = tpu.memref_slice %arg5[%dma_start3A_394, %dma_start3A_400] : memref<2x1600xi32, #tpu.memory_space<vmem>> -> memref<1x80xi32, #tpu.memory_space<vmem>>
          %dma_start3A_402 = tpu.memref_squeeze %dma_start3A_401 : memref<1x80xi32, #tpu.memory_space<vmem>> -> memref<80xi32, #tpu.memory_space<vmem>>
          %dma_start3A_403 = arith.constant 0 : i32
          %dma_start3A_404 = arith.constant 0 : i32
          %dma_start3A_405 = tpu.memref_slice %arg2[%dma_start3A_403, %dma_start3A_404] : memref<1000000x32xf32, #tpu.memory_space<hbm>> -> memref<1000000x32xf32, #tpu.memory_space<hbm>>
          tpu.enqueue_indirect_dma source(%dma_start3A_405 : memref<1000000x32xf32, #tpu.memory_space<hbm>>) target(%dma_start3A_399 : memref<80x32xf32, #tpu.memory_space<vmem>>) offsets(%dma_start3A_402 : memref<80xi32, #tpu.memory_space<vmem>>) semaphore(%arg9 : memref<!tpu.dma_semaphore, #tpu.memory_space<semaphore_mem>>)
          %dma_start3A_406 = arith.constant 1 : i32
          %dma_start3A_407 = arith.constant 1 : i32
          %dma_start3A_408 = arith.constant 720 : i32
          %dma_start3A_409 = arith.constant 0 : i32
          %dma_start3A_410 = tpu.memref_slice %arg6[%dma_start3A_407, %dma_start3A_408, %dma_start3A_409] : memref<2x1600x32xf32, #tpu.memory_space<vmem>> -> memref<1x80x32xf32, #tpu.memory_space<vmem>>
          %dma_start3A_411 = tpu.memref_squeeze %dma_start3A_410 : memref<1x80x32xf32, #tpu.memory_space<vmem>> -> memref<80x32xf32, #tpu.memory_space<vmem>>
          %dma_start3A_412 = arith.constant 720 : i32
          %dma_start3A_413 = tpu.memref_slice %arg5[%dma_start3A_406, %dma_start3A_412] : memref<2x1600xi32, #tpu.memory_space<vmem>> -> memref<1x80xi32, #tpu.memory_space<vmem>>
          %dma_start3A_414 = tpu.memref_squeeze %dma_start3A_413 : memref<1x80xi32, #tpu.memory_space<vmem>> -> memref<80xi32, #tpu.memory_space<vmem>>
          %dma_start3A_415 = arith.constant 0 : i32
          %dma_start3A_416 = arith.constant 0 : i32
          %dma_start3A_417 = tpu.memref_slice %arg2[%dma_start3A_415, %dma_start3A_416] : memref<1000000x32xf32, #tpu.memory_space<hbm>> -> memref<1000000x32xf32, #tpu.memory_space<hbm>>
          tpu.enqueue_indirect_dma source(%dma_start3A_417 : memref<1000000x32xf32, #tpu.memory_space<hbm>>) target(%dma_start3A_411 : memref<80x32xf32, #tpu.memory_space<vmem>>) offsets(%dma_start3A_414 : memref<80xi32, #tpu.memory_space<vmem>>) semaphore(%arg9 : memref<!tpu.dma_semaphore, #tpu.memory_space<semaphore_mem>>)
          %dma_start3A_418 = arith.constant 1 : i32
          %dma_start3A_419 = arith.constant 1 : i32
          %dma_start3A_420 = arith.constant 800 : i32
          %dma_start3A_421 = arith.constant 0 : i32
          %dma_start3A_422 = tpu.memref_slice %arg6[%dma_start3A_419, %dma_start3A_420, %dma_start3A_421] : memref<2x1600x32xf32, #tpu.memory_space<vmem>> -> memref<1x80x32xf32, #tpu.memory_space<vmem>>
          %dma_start3A_423 = tpu.memref_squeeze %dma_start3A_422 : memref<1x80x32xf32, #tpu.memory_space<vmem>> -> memref<80x32xf32, #tpu.memory_space<vmem>>
          %dma_start3A_424 = arith.constant 800 : i32
          %dma_start3A_425 = tpu.memref_slice %arg5[%dma_start3A_418, %dma_start3A_424] : memref<2x1600xi32, #tpu.memory_space<vmem>> -> memref<1x80xi32, #tpu.memory_space<vmem>>
          %dma_start3A_426 = tpu.memref_squeeze %dma_start3A_425 : memref<1x80xi32, #tpu.memory_space<vmem>> -> memref<80xi32, #tpu.memory_space<vmem>>
          %dma_start3A_427 = arith.constant 0 : i32
          %dma_start3A_428 = arith.constant 0 : i32
          %dma_start3A_429 = tpu.memref_slice %arg2[%dma_start3A_427, %dma_start3A_428] : memref<1000000x32xf32, #tpu.memory_space<hbm>> -> memref<1000000x32xf32, #tpu.memory_space<hbm>>
          tpu.enqueue_indirect_dma source(%dma_start3A_429 : memref<1000000x32xf32, #tpu.memory_space<hbm>>) target(%dma_start3A_423 : memref<80x32xf32, #tpu.memory_space<vmem>>) offsets(%dma_start3A_426 : memref<80xi32, #tpu.memory_space<vmem>>) semaphore(%arg9 : memref<!tpu.dma_semaphore, #tpu.memory_space<semaphore_mem>>)
          %dma_start3A_430 = arith.constant 1 : i32
          %dma_start3A_431 = arith.constant 1 : i32
          %dma_start3A_432 = arith.constant 880 : i32
          %dma_start3A_433 = arith.constant 0 : i32
          %dma_start3A_434 = tpu.memref_slice %arg6[%dma_start3A_431, %dma_start3A_432, %dma_start3A_433] : memref<2x1600x32xf32, #tpu.memory_space<vmem>> -> memref<1x80x32xf32, #tpu.memory_space<vmem>>
          %dma_start3A_435 = tpu.memref_squeeze %dma_start3A_434 : memref<1x80x32xf32, #tpu.memory_space<vmem>> -> memref<80x32xf32, #tpu.memory_space<vmem>>
          %dma_start3A_436 = arith.constant 880 : i32
          %dma_start3A_437 = tpu.memref_slice %arg5[%dma_start3A_430, %dma_start3A_436] : memref<2x1600xi32, #tpu.memory_space<vmem>> -> memref<1x80xi32, #tpu.memory_space<vmem>>
          %dma_start3A_438 = tpu.memref_squeeze %dma_start3A_437 : memref<1x80xi32, #tpu.memory_space<vmem>> -> memref<80xi32, #tpu.memory_space<vmem>>
          %dma_start3A_439 = arith.constant 0 : i32
          %dma_start3A_440 = arith.constant 0 : i32
          %dma_start3A_441 = tpu.memref_slice %arg2[%dma_start3A_439, %dma_start3A_440] : memref<1000000x32xf32, #tpu.memory_space<hbm>> -> memref<1000000x32xf32, #tpu.memory_space<hbm>>
          tpu.enqueue_indirect_dma source(%dma_start3A_441 : memref<1000000x32xf32, #tpu.memory_space<hbm>>) target(%dma_start3A_435 : memref<80x32xf32, #tpu.memory_space<vmem>>) offsets(%dma_start3A_438 : memref<80xi32, #tpu.memory_space<vmem>>) semaphore(%arg9 : memref<!tpu.dma_semaphore, #tpu.memory_space<semaphore_mem>>)
          %dma_start3A_442 = arith.constant 1 : i32
          %dma_start3A_443 = arith.constant 1 : i32
          %dma_start3A_444 = arith.constant 960 : i32
          %dma_start3A_445 = arith.constant 0 : i32
          %dma_start3A_446 = tpu.memref_slice %arg6[%dma_start3A_443, %dma_start3A_444, %dma_start3A_445] : memref<2x1600x32xf32, #tpu.memory_space<vmem>> -> memref<1x80x32xf32, #tpu.memory_space<vmem>>
          %dma_start3A_447 = tpu.memref_squeeze %dma_start3A_446 : memref<1x80x32xf32, #tpu.memory_space<vmem>> -> memref<80x32xf32, #tpu.memory_space<vmem>>
          %dma_start3A_448 = arith.constant 960 : i32
          %dma_start3A_449 = tpu.memref_slice %arg5[%dma_start3A_442, %dma_start3A_448] : memref<2x1600xi32, #tpu.memory_space<vmem>> -> memref<1x80xi32, #tpu.memory_space<vmem>>
          %dma_start3A_450 = tpu.memref_squeeze %dma_start3A_449 : memref<1x80xi32, #tpu.memory_space<vmem>> -> memref<80xi32, #tpu.memory_space<vmem>>
          %dma_start3A_451 = arith.constant 0 : i32
          %dma_start3A_452 = arith.constant 0 : i32
          %dma_start3A_453 = tpu.memref_slice %arg2[%dma_start3A_451, %dma_start3A_452] : memref<1000000x32xf32, #tpu.memory_space<hbm>> -> memref<1000000x32xf32, #tpu.memory_space<hbm>>
          tpu.enqueue_indirect_dma source(%dma_start3A_453 : memref<1000000x32xf32, #tpu.memory_space<hbm>>) target(%dma_start3A_447 : memref<80x32xf32, #tpu.memory_space<vmem>>) offsets(%dma_start3A_450 : memref<80xi32, #tpu.memory_space<vmem>>) semaphore(%arg9 : memref<!tpu.dma_semaphore, #tpu.memory_space<semaphore_mem>>)
          %dma_start3A_454 = arith.constant 1 : i32
          %dma_start3A_455 = arith.constant 1 : i32
          %dma_start3A_456 = arith.constant 1040 : i32
          %dma_start3A_457 = arith.constant 0 : i32
          %dma_start3A_458 = tpu.memref_slice %arg6[%dma_start3A_455, %dma_start3A_456, %dma_start3A_457] : memref<2x1600x32xf32, #tpu.memory_space<vmem>> -> memref<1x80x32xf32, #tpu.memory_space<vmem>>
          %dma_start3A_459 = tpu.memref_squeeze %dma_start3A_458 : memref<1x80x32xf32, #tpu.memory_space<vmem>> -> memref<80x32xf32, #tpu.memory_space<vmem>>
          %dma_start3A_460 = arith.constant 1040 : i32
          %dma_start3A_461 = tpu.memref_slice %arg5[%dma_start3A_454, %dma_start3A_460] : memref<2x1600xi32, #tpu.memory_space<vmem>> -> memref<1x80xi32, #tpu.memory_space<vmem>>
          %dma_start3A_462 = tpu.memref_squeeze %dma_start3A_461 : memref<1x80xi32, #tpu.memory_space<vmem>> -> memref<80xi32, #tpu.memory_space<vmem>>
          %dma_start3A_463 = arith.constant 0 : i32
          %dma_start3A_464 = arith.constant 0 : i32
          %dma_start3A_465 = tpu.memref_slice %arg2[%dma_start3A_463, %dma_start3A_464] : memref<1000000x32xf32, #tpu.memory_space<hbm>> -> memref<1000000x32xf32, #tpu.memory_space<hbm>>
          tpu.enqueue_indirect_dma source(%dma_start3A_465 : memref<1000000x32xf32, #tpu.memory_space<hbm>>) target(%dma_start3A_459 : memref<80x32xf32, #tpu.memory_space<vmem>>) offsets(%dma_start3A_462 : memref<80xi32, #tpu.memory_space<vmem>>) semaphore(%arg9 : memref<!tpu.dma_semaphore, #tpu.memory_space<semaphore_mem>>)
          %dma_start3A_466 = arith.constant 1 : i32
          %dma_start3A_467 = arith.constant 1 : i32
          %dma_start3A_468 = arith.constant 1120 : i32
          %dma_start3A_469 = arith.constant 0 : i32
          %dma_start3A_470 = tpu.memref_slice %arg6[%dma_start3A_467, %dma_start3A_468, %dma_start3A_469] : memref<2x1600x32xf32, #tpu.memory_space<vmem>> -> memref<1x80x32xf32, #tpu.memory_space<vmem>>
          %dma_start3A_471 = tpu.memref_squeeze %dma_start3A_470 : memref<1x80x32xf32, #tpu.memory_space<vmem>> -> memref<80x32xf32, #tpu.memory_space<vmem>>
          %dma_start3A_472 = arith.constant 1120 : i32
          %dma_start3A_473 = tpu.memref_slice %arg5[%dma_start3A_466, %dma_start3A_472] : memref<2x1600xi32, #tpu.memory_space<vmem>> -> memref<1x80xi32, #tpu.memory_space<vmem>>
          %dma_start3A_474 = tpu.memref_squeeze %dma_start3A_473 : memref<1x80xi32, #tpu.memory_space<vmem>> -> memref<80xi32, #tpu.memory_space<vmem>>
          %dma_start3A_475 = arith.constant 0 : i32
          %dma_start3A_476 = arith.constant 0 : i32
          %dma_start3A_477 = tpu.memref_slice %arg2[%dma_start3A_475, %dma_start3A_476] : memref<1000000x32xf32, #tpu.memory_space<hbm>> -> memref<1000000x32xf32, #tpu.memory_space<hbm>>
          tpu.enqueue_indirect_dma source(%dma_start3A_477 : memref<1000000x32xf32, #tpu.memory_space<hbm>>) target(%dma_start3A_471 : memref<80x32xf32, #tpu.memory_space<vmem>>) offsets(%dma_start3A_474 : memref<80xi32, #tpu.memory_space<vmem>>) semaphore(%arg9 : memref<!tpu.dma_semaphore, #tpu.memory_space<semaphore_mem>>)
          %dma_start3A_478 = arith.constant 1 : i32
          %dma_start3A_479 = arith.constant 1 : i32
          %dma_start3A_480 = arith.constant 1200 : i32
          %dma_start3A_481 = arith.constant 0 : i32
          %dma_start3A_482 = tpu.memref_slice %arg6[%dma_start3A_479, %dma_start3A_480, %dma_start3A_481] : memref<2x1600x32xf32, #tpu.memory_space<vmem>> -> memref<1x80x32xf32, #tpu.memory_space<vmem>>
          %dma_start3A_483 = tpu.memref_squeeze %dma_start3A_482 : memref<1x80x32xf32, #tpu.memory_space<vmem>> -> memref<80x32xf32, #tpu.memory_space<vmem>>
          %dma_start3A_484 = arith.constant 1200 : i32
          %dma_start3A_485 = tpu.memref_slice %arg5[%dma_start3A_478, %dma_start3A_484] : memref<2x1600xi32, #tpu.memory_space<vmem>> -> memref<1x80xi32, #tpu.memory_space<vmem>>
          %dma_start3A_486 = tpu.memref_squeeze %dma_start3A_485 : memref<1x80xi32, #tpu.memory_space<vmem>> -> memref<80xi32, #tpu.memory_space<vmem>>
          %dma_start3A_487 = arith.constant 0 : i32
          %dma_start3A_488 = arith.constant 0 : i32
          %dma_start3A_489 = tpu.memref_slice %arg2[%dma_start3A_487, %dma_start3A_488] : memref<1000000x32xf32, #tpu.memory_space<hbm>> -> memref<1000000x32xf32, #tpu.memory_space<hbm>>
          tpu.enqueue_indirect_dma source(%dma_start3A_489 : memref<1000000x32xf32, #tpu.memory_space<hbm>>) target(%dma_start3A_483 : memref<80x32xf32, #tpu.memory_space<vmem>>) offsets(%dma_start3A_486 : memref<80xi32, #tpu.memory_space<vmem>>) semaphore(%arg9 : memref<!tpu.dma_semaphore, #tpu.memory_space<semaphore_mem>>)
          %dma_start3A_490 = arith.constant 1 : i32
          %dma_start3A_491 = arith.constant 1 : i32
          %dma_start3A_492 = arith.constant 1280 : i32
          %dma_start3A_493 = arith.constant 0 : i32
          %dma_start3A_494 = tpu.memref_slice %arg6[%dma_start3A_491, %dma_start3A_492, %dma_start3A_493] : memref<2x1600x32xf32, #tpu.memory_space<vmem>> -> memref<1x80x32xf32, #tpu.memory_space<vmem>>
          %dma_start3A_495 = tpu.memref_squeeze %dma_start3A_494 : memref<1x80x32xf32, #tpu.memory_space<vmem>> -> memref<80x32xf32, #tpu.memory_space<vmem>>
          %dma_start3A_496 = arith.constant 1280 : i32
          %dma_start3A_497 = tpu.memref_slice %arg5[%dma_start3A_490, %dma_start3A_496] : memref<2x1600xi32, #tpu.memory_space<vmem>> -> memref<1x80xi32, #tpu.memory_space<vmem>>
          %dma_start3A_498 = tpu.memref_squeeze %dma_start3A_497 : memref<1x80xi32, #tpu.memory_space<vmem>> -> memref<80xi32, #tpu.memory_space<vmem>>
          %dma_start3A_499 = arith.constant 0 : i32
          %dma_start3A_500 = arith.constant 0 : i32
          %dma_start3A_501 = tpu.memref_slice %arg2[%dma_start3A_499, %dma_start3A_500] : memref<1000000x32xf32, #tpu.memory_space<hbm>> -> memref<1000000x32xf32, #tpu.memory_space<hbm>>
          tpu.enqueue_indirect_dma source(%dma_start3A_501 : memref<1000000x32xf32, #tpu.memory_space<hbm>>) target(%dma_start3A_495 : memref<80x32xf32, #tpu.memory_space<vmem>>) offsets(%dma_start3A_498 : memref<80xi32, #tpu.memory_space<vmem>>) semaphore(%arg9 : memref<!tpu.dma_semaphore, #tpu.memory_space<semaphore_mem>>)
          %dma_start3A_502 = arith.constant 1 : i32
          %dma_start3A_503 = arith.constant 1 : i32
          %dma_start3A_504 = arith.constant 1360 : i32
          %dma_start3A_505 = arith.constant 0 : i32
          %dma_start3A_506 = tpu.memref_slice %arg6[%dma_start3A_503, %dma_start3A_504, %dma_start3A_505] : memref<2x1600x32xf32, #tpu.memory_space<vmem>> -> memref<1x80x32xf32, #tpu.memory_space<vmem>>
          %dma_start3A_507 = tpu.memref_squeeze %dma_start3A_506 : memref<1x80x32xf32, #tpu.memory_space<vmem>> -> memref<80x32xf32, #tpu.memory_space<vmem>>
          %dma_start3A_508 = arith.constant 1360 : i32
          %dma_start3A_509 = tpu.memref_slice %arg5[%dma_start3A_502, %dma_start3A_508] : memref<2x1600xi32, #tpu.memory_space<vmem>> -> memref<1x80xi32, #tpu.memory_space<vmem>>
          %dma_start3A_510 = tpu.memref_squeeze %dma_start3A_509 : memref<1x80xi32, #tpu.memory_space<vmem>> -> memref<80xi32, #tpu.memory_space<vmem>>
          %dma_start3A_511 = arith.constant 0 : i32
          %dma_start3A_512 = arith.constant 0 : i32
          %dma_start3A_513 = tpu.memref_slice %arg2[%dma_start3A_511, %dma_start3A_512] : memref<1000000x32xf32, #tpu.memory_space<hbm>> -> memref<1000000x32xf32, #tpu.memory_space<hbm>>
          tpu.enqueue_indirect_dma source(%dma_start3A_513 : memref<1000000x32xf32, #tpu.memory_space<hbm>>) target(%dma_start3A_507 : memref<80x32xf32, #tpu.memory_space<vmem>>) offsets(%dma_start3A_510 : memref<80xi32, #tpu.memory_space<vmem>>) semaphore(%arg9 : memref<!tpu.dma_semaphore, #tpu.memory_space<semaphore_mem>>)
          %dma_start3A_514 = arith.constant 1 : i32
          %dma_start3A_515 = arith.constant 1 : i32
          %dma_start3A_516 = arith.constant 1440 : i32
          %dma_start3A_517 = arith.constant 0 : i32
          %dma_start3A_518 = tpu.memref_slice %arg6[%dma_start3A_515, %dma_start3A_516, %dma_start3A_517] : memref<2x1600x32xf32, #tpu.memory_space<vmem>> -> memref<1x80x32xf32, #tpu.memory_space<vmem>>
          %dma_start3A_519 = tpu.memref_squeeze %dma_start3A_518 : memref<1x80x32xf32, #tpu.memory_space<vmem>> -> memref<80x32xf32, #tpu.memory_space<vmem>>
          %dma_start3A_520 = arith.constant 1440 : i32
          %dma_start3A_521 = tpu.memref_slice %arg5[%dma_start3A_514, %dma_start3A_520] : memref<2x1600xi32, #tpu.memory_space<vmem>> -> memref<1x80xi32, #tpu.memory_space<vmem>>
          %dma_start3A_522 = tpu.memref_squeeze %dma_start3A_521 : memref<1x80xi32, #tpu.memory_space<vmem>> -> memref<80xi32, #tpu.memory_space<vmem>>
          %dma_start3A_523 = arith.constant 0 : i32
          %dma_start3A_524 = arith.constant 0 : i32
          %dma_start3A_525 = tpu.memref_slice %arg2[%dma_start3A_523, %dma_start3A_524] : memref<1000000x32xf32, #tpu.memory_space<hbm>> -> memref<1000000x32xf32, #tpu.memory_space<hbm>>
          tpu.enqueue_indirect_dma source(%dma_start3A_525 : memref<1000000x32xf32, #tpu.memory_space<hbm>>) target(%dma_start3A_519 : memref<80x32xf32, #tpu.memory_space<vmem>>) offsets(%dma_start3A_522 : memref<80xi32, #tpu.memory_space<vmem>>) semaphore(%arg9 : memref<!tpu.dma_semaphore, #tpu.memory_space<semaphore_mem>>)
          %dma_start3A_526 = arith.constant 1 : i32
          %dma_start3A_527 = arith.constant 1 : i32
          %dma_start3A_528 = arith.constant 1520 : i32
          %dma_start3A_529 = arith.constant 0 : i32
          %dma_start3A_530 = tpu.memref_slice %arg6[%dma_start3A_527, %dma_start3A_528, %dma_start3A_529] : memref<2x1600x32xf32, #tpu.memory_space<vmem>> -> memref<1x80x32xf32, #tpu.memory_space<vmem>>
          %dma_start3A_531 = tpu.memref_squeeze %dma_start3A_530 : memref<1x80x32xf32, #tpu.memory_space<vmem>> -> memref<80x32xf32, #tpu.memory_space<vmem>>
          %dma_start3A_532 = arith.constant 1520 : i32
          %dma_start3A_533 = tpu.memref_slice %arg5[%dma_start3A_526, %dma_start3A_532] : memref<2x1600xi32, #tpu.memory_space<vmem>> -> memref<1x80xi32, #tpu.memory_space<vmem>>
          %dma_start3A_534 = tpu.memref_squeeze %dma_start3A_533 : memref<1x80xi32, #tpu.memory_space<vmem>> -> memref<80xi32, #tpu.memory_space<vmem>>
          %dma_start3A_535 = arith.constant 0 : i32
          %dma_start3A_536 = arith.constant 0 : i32
          %dma_start3A_537 = tpu.memref_slice %arg2[%dma_start3A_535, %dma_start3A_536] : memref<1000000x32xf32, #tpu.memory_space<hbm>> -> memref<1000000x32xf32, #tpu.memory_space<hbm>>
          tpu.enqueue_indirect_dma source(%dma_start3A_537 : memref<1000000x32xf32, #tpu.memory_space<hbm>>) target(%dma_start3A_531 : memref<80x32xf32, #tpu.memory_space<vmem>>) offsets(%dma_start3A_534 : memref<80xi32, #tpu.memory_space<vmem>>) semaphore(%arg9 : memref<!tpu.dma_semaphore, #tpu.memory_space<semaphore_mem>>)
        } else {
        }
        %eq3A_285 = arith.constant 0 : i32
        %eq3A_286 = arith.cmpi eq, %rem3A_255, %eq3A_285 : i32
        %convert_element_type3A_287 = arith.extui %eq3A_286 : i1 to i32
        %cond3A_288 = arith.constant 0 : i32
        %cond3A_289 = arith.cmpi ne, %convert_element_type3A_287, %cond3A_288 : i32
        scf.if %cond3A_289 {
          %add3A_290 = arith.constant 1 : i32
          %add3A_291 = arith.addi %scan3A_250, %add3A_290 : i32
          %mul3A_292 = arith.constant 102400 : i32
          %mul3A_293 = arith.muli %add3A, %mul3A_292 : i32
          %mul3A_294 = arith.constant 1600 : i32
          %mul3A_295 = arith.muli %add3A_291, %mul3A_294 : i32
          %add3A_296 = arith.addi %mul3A_293, %mul3A_295 : i32
          %run_scoped3A_297 = arith.constant 0 : i32
          "tpu.region"() ({
            %run_scoped3A_538 = tpu.sem_alloc : memref<!tpu.dma_semaphore, #tpu.memory_space<semaphore_mem>>
            %dma_start3A_539 = arith.constant 0 : i32
            %dma_start3A_540 = tpu.memref_slice %arg5[%run_scoped3A_297, %dma_start3A_539] : memref<2x1600xi32, #tpu.memory_space<vmem>> -> memref<1x1600xi32, #tpu.memory_space<vmem>>
            %dma_start3A_541 = tpu.memref_squeeze %dma_start3A_540 : memref<1x1600xi32, #tpu.memory_space<vmem>> -> memref<1600xi32, #tpu.memory_space<vmem>>
            %dma_start3A_542 = tpu.memref_slice %arg3[%add3A_296] : memref<3276800xi32, #tpu.memory_space<hbm>> -> memref<1600xi32, #tpu.memory_space<hbm>>
            %dma_start3A_543 = arith.constant 0 : i32
            %dma_start3A_544 = tpu.memref_slice %arg5[%run_scoped3A_297, %dma_start3A_543] : memref<2x1600xi32, #tpu.memory_space<vmem>> -> memref<1x1600xi32, #tpu.memory_space<vmem>>
            %dma_start3A_545 = tpu.memref_squeeze %dma_start3A_544 : memref<1x1600xi32, #tpu.memory_space<vmem>> -> memref<1600xi32, #tpu.memory_space<vmem>>
            %dma_start3A_546 = tpu.memref_slice %arg3[%add3A_296] : memref<3276800xi32, #tpu.memory_space<hbm>> -> memref<1600xi32, #tpu.memory_space<hbm>>
            tpu.enqueue_dma source(%dma_start3A_546 : memref<1600xi32, #tpu.memory_space<hbm>>) target(%dma_start3A_545 : memref<1600xi32, #tpu.memory_space<vmem>>) target_semaphore(%run_scoped3A_538 : memref<!tpu.dma_semaphore, #tpu.memory_space<semaphore_mem>>)
            %dma_wait3A = arith.constant 0 : i32
            %dma_wait3A_547 = tpu.memref_slice %arg5[%run_scoped3A_297, %dma_wait3A] : memref<2x1600xi32, #tpu.memory_space<vmem>> -> memref<1x1600xi32, #tpu.memory_space<vmem>>
            %dma_wait3A_548 = tpu.memref_squeeze %dma_wait3A_547 : memref<1x1600xi32, #tpu.memory_space<vmem>> -> memref<1600xi32, #tpu.memory_space<vmem>>
            %dma_wait3A_549 = tpu.memref_slice %arg3[%add3A_296] : memref<3276800xi32, #tpu.memory_space<hbm>> -> memref<1600xi32, #tpu.memory_space<hbm>>
            %dma_wait3A_550 = arith.constant 0 : i32
            %dma_wait3A_551 = tpu.memref_slice %arg5[%run_scoped3A_297, %dma_wait3A_550] : memref<2x1600xi32, #tpu.memory_space<vmem>> -> memref<1x1600xi32, #tpu.memory_space<vmem>>
            %dma_wait3A_552 = tpu.memref_squeeze %dma_wait3A_551 : memref<1x1600xi32, #tpu.memory_space<vmem>> -> memref<1600xi32, #tpu.memory_space<vmem>>
            %dma_wait3A_553 = tpu.memref_slice %arg3[%add3A_296] : memref<3276800xi32, #tpu.memory_space<hbm>> -> memref<1600xi32, #tpu.memory_space<hbm>>
            tpu.wait_dma2 semaphore(%run_scoped3A_538 : memref<!tpu.dma_semaphore, #tpu.memory_space<semaphore_mem>>) src(%dma_wait3A_553 : memref<1600xi32, #tpu.memory_space<hbm>>) dst(%dma_wait3A_552 : memref<1600xi32, #tpu.memory_space<vmem>>)
            tpu.yield
          }) : () -> ()
          %dma_start3A_298 = arith.constant 0 : i32
          %dma_start3A_299 = arith.constant 0 : i32
          %dma_start3A_300 = arith.constant 0 : i32
          %dma_start3A_301 = arith.constant 0 : i32
          %dma_start3A_302 = tpu.memref_slice %arg6[%dma_start3A_299, %dma_start3A_300, %dma_start3A_301] : memref<2x1600x32xf32, #tpu.memory_space<vmem>> -> memref<1x80x32xf32, #tpu.memory_space<vmem>>
          %dma_start3A_303 = tpu.memref_squeeze %dma_start3A_302 : memref<1x80x32xf32, #tpu.memory_space<vmem>> -> memref<80x32xf32, #tpu.memory_space<vmem>>
          %dma_start3A_304 = arith.constant 0 : i32
          %dma_start3A_305 = tpu.memref_slice %arg5[%dma_start3A_298, %dma_start3A_304] : memref<2x1600xi32, #tpu.memory_space<vmem>> -> memref<1x80xi32, #tpu.memory_space<vmem>>
          %dma_start3A_306 = tpu.memref_squeeze %dma_start3A_305 : memref<1x80xi32, #tpu.memory_space<vmem>> -> memref<80xi32, #tpu.memory_space<vmem>>
          %dma_start3A_307 = arith.constant 0 : i32
          %dma_start3A_308 = arith.constant 0 : i32
          %dma_start3A_309 = tpu.memref_slice %arg2[%dma_start3A_307, %dma_start3A_308] : memref<1000000x32xf32, #tpu.memory_space<hbm>> -> memref<1000000x32xf32, #tpu.memory_space<hbm>>
          tpu.enqueue_indirect_dma source(%dma_start3A_309 : memref<1000000x32xf32, #tpu.memory_space<hbm>>) target(%dma_start3A_303 : memref<80x32xf32, #tpu.memory_space<vmem>>) offsets(%dma_start3A_306 : memref<80xi32, #tpu.memory_space<vmem>>) semaphore(%arg8 : memref<!tpu.dma_semaphore, #tpu.memory_space<semaphore_mem>>)
          %dma_start3A_310 = arith.constant 0 : i32
          %dma_start3A_311 = arith.constant 0 : i32
          %dma_start3A_312 = arith.constant 80 : i32
          %dma_start3A_313 = arith.constant 0 : i32
          %dma_start3A_314 = tpu.memref_slice %arg6[%dma_start3A_311, %dma_start3A_312, %dma_start3A_313] : memref<2x1600x32xf32, #tpu.memory_space<vmem>> -> memref<1x80x32xf32, #tpu.memory_space<vmem>>
          %dma_start3A_315 = tpu.memref_squeeze %dma_start3A_314 : memref<1x80x32xf32, #tpu.memory_space<vmem>> -> memref<80x32xf32, #tpu.memory_space<vmem>>
          %dma_start3A_316 = arith.constant 80 : i32
          %dma_start3A_317 = tpu.memref_slice %arg5[%dma_start3A_310, %dma_start3A_316] : memref<2x1600xi32, #tpu.memory_space<vmem>> -> memref<1x80xi32, #tpu.memory_space<vmem>>
          %dma_start3A_318 = tpu.memref_squeeze %dma_start3A_317 : memref<1x80xi32, #tpu.memory_space<vmem>> -> memref<80xi32, #tpu.memory_space<vmem>>
          %dma_start3A_319 = arith.constant 0 : i32
          %dma_start3A_320 = arith.constant 0 : i32
          %dma_start3A_321 = tpu.memref_slice %arg2[%dma_start3A_319, %dma_start3A_320] : memref<1000000x32xf32, #tpu.memory_space<hbm>> -> memref<1000000x32xf32, #tpu.memory_space<hbm>>
          tpu.enqueue_indirect_dma source(%dma_start3A_321 : memref<1000000x32xf32, #tpu.memory_space<hbm>>) target(%dma_start3A_315 : memref<80x32xf32, #tpu.memory_space<vmem>>) offsets(%dma_start3A_318 : memref<80xi32, #tpu.memory_space<vmem>>) semaphore(%arg8 : memref<!tpu.dma_semaphore, #tpu.memory_space<semaphore_mem>>)
          %dma_start3A_322 = arith.constant 0 : i32
          %dma_start3A_323 = arith.constant 0 : i32
          %dma_start3A_324 = arith.constant 160 : i32
          %dma_start3A_325 = arith.constant 0 : i32
          %dma_start3A_326 = tpu.memref_slice %arg6[%dma_start3A_323, %dma_start3A_324, %dma_start3A_325] : memref<2x1600x32xf32, #tpu.memory_space<vmem>> -> memref<1x80x32xf32, #tpu.memory_space<vmem>>
          %dma_start3A_327 = tpu.memref_squeeze %dma_start3A_326 : memref<1x80x32xf32, #tpu.memory_space<vmem>> -> memref<80x32xf32, #tpu.memory_space<vmem>>
          %dma_start3A_328 = arith.constant 160 : i32
          %dma_start3A_329 = tpu.memref_slice %arg5[%dma_start3A_322, %dma_start3A_328] : memref<2x1600xi32, #tpu.memory_space<vmem>> -> memref<1x80xi32, #tpu.memory_space<vmem>>
          %dma_start3A_330 = tpu.memref_squeeze %dma_start3A_329 : memref<1x80xi32, #tpu.memory_space<vmem>> -> memref<80xi32, #tpu.memory_space<vmem>>
          %dma_start3A_331 = arith.constant 0 : i32
          %dma_start3A_332 = arith.constant 0 : i32
          %dma_start3A_333 = tpu.memref_slice %arg2[%dma_start3A_331, %dma_start3A_332] : memref<1000000x32xf32, #tpu.memory_space<hbm>> -> memref<1000000x32xf32, #tpu.memory_space<hbm>>
          tpu.enqueue_indirect_dma source(%dma_start3A_333 : memref<1000000x32xf32, #tpu.memory_space<hbm>>) target(%dma_start3A_327 : memref<80x32xf32, #tpu.memory_space<vmem>>) offsets(%dma_start3A_330 : memref<80xi32, #tpu.memory_space<vmem>>) semaphore(%arg8 : memref<!tpu.dma_semaphore, #tpu.memory_space<semaphore_mem>>)
          %dma_start3A_334 = arith.constant 0 : i32
          %dma_start3A_335 = arith.constant 0 : i32
          %dma_start3A_336 = arith.constant 240 : i32
          %dma_start3A_337 = arith.constant 0 : i32
          %dma_start3A_338 = tpu.memref_slice %arg6[%dma_start3A_335, %dma_start3A_336, %dma_start3A_337] : memref<2x1600x32xf32, #tpu.memory_space<vmem>> -> memref<1x80x32xf32, #tpu.memory_space<vmem>>
          %dma_start3A_339 = tpu.memref_squeeze %dma_start3A_338 : memref<1x80x32xf32, #tpu.memory_space<vmem>> -> memref<80x32xf32, #tpu.memory_space<vmem>>
          %dma_start3A_340 = arith.constant 240 : i32
          %dma_start3A_341 = tpu.memref_slice %arg5[%dma_start3A_334, %dma_start3A_340] : memref<2x1600xi32, #tpu.memory_space<vmem>> -> memref<1x80xi32, #tpu.memory_space<vmem>>
          %dma_start3A_342 = tpu.memref_squeeze %dma_start3A_341 : memref<1x80xi32, #tpu.memory_space<vmem>> -> memref<80xi32, #tpu.memory_space<vmem>>
          %dma_start3A_343 = arith.constant 0 : i32
          %dma_start3A_344 = arith.constant 0 : i32
          %dma_start3A_345 = tpu.memref_slice %arg2[%dma_start3A_343, %dma_start3A_344] : memref<1000000x32xf32, #tpu.memory_space<hbm>> -> memref<1000000x32xf32, #tpu.memory_space<hbm>>
          tpu.enqueue_indirect_dma source(%dma_start3A_345 : memref<1000000x32xf32, #tpu.memory_space<hbm>>) target(%dma_start3A_339 : memref<80x32xf32, #tpu.memory_space<vmem>>) offsets(%dma_start3A_342 : memref<80xi32, #tpu.memory_space<vmem>>) semaphore(%arg8 : memref<!tpu.dma_semaphore, #tpu.memory_space<semaphore_mem>>)
          %dma_start3A_346 = arith.constant 0 : i32
          %dma_start3A_347 = arith.constant 0 : i32
          %dma_start3A_348 = arith.constant 320 : i32
          %dma_start3A_349 = arith.constant 0 : i32
          %dma_start3A_350 = tpu.memref_slice %arg6[%dma_start3A_347, %dma_start3A_348, %dma_start3A_349] : memref<2x1600x32xf32, #tpu.memory_space<vmem>> -> memref<1x80x32xf32, #tpu.memory_space<vmem>>
          %dma_start3A_351 = tpu.memref_squeeze %dma_start3A_350 : memref<1x80x32xf32, #tpu.memory_space<vmem>> -> memref<80x32xf32, #tpu.memory_space<vmem>>
          %dma_start3A_352 = arith.constant 320 : i32
          %dma_start3A_353 = tpu.memref_slice %arg5[%dma_start3A_346, %dma_start3A_352] : memref<2x1600xi32, #tpu.memory_space<vmem>> -> memref<1x80xi32, #tpu.memory_space<vmem>>
          %dma_start3A_354 = tpu.memref_squeeze %dma_start3A_353 : memref<1x80xi32, #tpu.memory_space<vmem>> -> memref<80xi32, #tpu.memory_space<vmem>>
          %dma_start3A_355 = arith.constant 0 : i32
          %dma_start3A_356 = arith.constant 0 : i32
          %dma_start3A_357 = tpu.memref_slice %arg2[%dma_start3A_355, %dma_start3A_356] : memref<1000000x32xf32, #tpu.memory_space<hbm>> -> memref<1000000x32xf32, #tpu.memory_space<hbm>>
          tpu.enqueue_indirect_dma source(%dma_start3A_357 : memref<1000000x32xf32, #tpu.memory_space<hbm>>) target(%dma_start3A_351 : memref<80x32xf32, #tpu.memory_space<vmem>>) offsets(%dma_start3A_354 : memref<80xi32, #tpu.memory_space<vmem>>) semaphore(%arg8 : memref<!tpu.dma_semaphore, #tpu.memory_space<semaphore_mem>>)
          %dma_start3A_358 = arith.constant 0 : i32
          %dma_start3A_359 = arith.constant 0 : i32
          %dma_start3A_360 = arith.constant 400 : i32
          %dma_start3A_361 = arith.constant 0 : i32
          %dma_start3A_362 = tpu.memref_slice %arg6[%dma_start3A_359, %dma_start3A_360, %dma_start3A_361] : memref<2x1600x32xf32, #tpu.memory_space<vmem>> -> memref<1x80x32xf32, #tpu.memory_space<vmem>>
          %dma_start3A_363 = tpu.memref_squeeze %dma_start3A_362 : memref<1x80x32xf32, #tpu.memory_space<vmem>> -> memref<80x32xf32, #tpu.memory_space<vmem>>
          %dma_start3A_364 = arith.constant 400 : i32
          %dma_start3A_365 = tpu.memref_slice %arg5[%dma_start3A_358, %dma_start3A_364] : memref<2x1600xi32, #tpu.memory_space<vmem>> -> memref<1x80xi32, #tpu.memory_space<vmem>>
          %dma_start3A_366 = tpu.memref_squeeze %dma_start3A_365 : memref<1x80xi32, #tpu.memory_space<vmem>> -> memref<80xi32, #tpu.memory_space<vmem>>
          %dma_start3A_367 = arith.constant 0 : i32
          %dma_start3A_368 = arith.constant 0 : i32
          %dma_start3A_369 = tpu.memref_slice %arg2[%dma_start3A_367, %dma_start3A_368] : memref<1000000x32xf32, #tpu.memory_space<hbm>> -> memref<1000000x32xf32, #tpu.memory_space<hbm>>
          tpu.enqueue_indirect_dma source(%dma_start3A_369 : memref<1000000x32xf32, #tpu.memory_space<hbm>>) target(%dma_start3A_363 : memref<80x32xf32, #tpu.memory_space<vmem>>) offsets(%dma_start3A_366 : memref<80xi32, #tpu.memory_space<vmem>>) semaphore(%arg8 : memref<!tpu.dma_semaphore, #tpu.memory_space<semaphore_mem>>)
          %dma_start3A_370 = arith.constant 0 : i32
          %dma_start3A_371 = arith.constant 0 : i32
          %dma_start3A_372 = arith.constant 480 : i32
          %dma_start3A_373 = arith.constant 0 : i32
          %dma_start3A_374 = tpu.memref_slice %arg6[%dma_start3A_371, %dma_start3A_372, %dma_start3A_373] : memref<2x1600x32xf32, #tpu.memory_space<vmem>> -> memref<1x80x32xf32, #tpu.memory_space<vmem>>
          %dma_start3A_375 = tpu.memref_squeeze %dma_start3A_374 : memref<1x80x32xf32, #tpu.memory_space<vmem>> -> memref<80x32xf32, #tpu.memory_space<vmem>>
          %dma_start3A_376 = arith.constant 480 : i32
          %dma_start3A_377 = tpu.memref_slice %arg5[%dma_start3A_370, %dma_start3A_376] : memref<2x1600xi32, #tpu.memory_space<vmem>> -> memref<1x80xi32, #tpu.memory_space<vmem>>
          %dma_start3A_378 = tpu.memref_squeeze %dma_start3A_377 : memref<1x80xi32, #tpu.memory_space<vmem>> -> memref<80xi32, #tpu.memory_space<vmem>>
          %dma_start3A_379 = arith.constant 0 : i32
          %dma_start3A_380 = arith.constant 0 : i32
          %dma_start3A_381 = tpu.memref_slice %arg2[%dma_start3A_379, %dma_start3A_380] : memref<1000000x32xf32, #tpu.memory_space<hbm>> -> memref<1000000x32xf32, #tpu.memory_space<hbm>>
          tpu.enqueue_indirect_dma source(%dma_start3A_381 : memref<1000000x32xf32, #tpu.memory_space<hbm>>) target(%dma_start3A_375 : memref<80x32xf32, #tpu.memory_space<vmem>>) offsets(%dma_start3A_378 : memref<80xi32, #tpu.memory_space<vmem>>) semaphore(%arg8 : memref<!tpu.dma_semaphore, #tpu.memory_space<semaphore_mem>>)
          %dma_start3A_382 = arith.constant 0 : i32
          %dma_start3A_383 = arith.constant 0 : i32
          %dma_start3A_384 = arith.constant 560 : i32
          %dma_start3A_385 = arith.constant 0 : i32
          %dma_start3A_386 = tpu.memref_slice %arg6[%dma_start3A_383, %dma_start3A_384, %dma_start3A_385] : memref<2x1600x32xf32, #tpu.memory_space<vmem>> -> memref<1x80x32xf32, #tpu.memory_space<vmem>>
          %dma_start3A_387 = tpu.memref_squeeze %dma_start3A_386 : memref<1x80x32xf32, #tpu.memory_space<vmem>> -> memref<80x32xf32, #tpu.memory_space<vmem>>
          %dma_start3A_388 = arith.constant 560 : i32
          %dma_start3A_389 = tpu.memref_slice %arg5[%dma_start3A_382, %dma_start3A_388] : memref<2x1600xi32, #tpu.memory_space<vmem>> -> memref<1x80xi32, #tpu.memory_space<vmem>>
          %dma_start3A_390 = tpu.memref_squeeze %dma_start3A_389 : memref<1x80xi32, #tpu.memory_space<vmem>> -> memref<80xi32, #tpu.memory_space<vmem>>
          %dma_start3A_391 = arith.constant 0 : i32
          %dma_start3A_392 = arith.constant 0 : i32
          %dma_start3A_393 = tpu.memref_slice %arg2[%dma_start3A_391, %dma_start3A_392] : memref<1000000x32xf32, #tpu.memory_space<hbm>> -> memref<1000000x32xf32, #tpu.memory_space<hbm>>
          tpu.enqueue_indirect_dma source(%dma_start3A_393 : memref<1000000x32xf32, #tpu.memory_space<hbm>>) target(%dma_start3A_387 : memref<80x32xf32, #tpu.memory_space<vmem>>) offsets(%dma_start3A_390 : memref<80xi32, #tpu.memory_space<vmem>>) semaphore(%arg8 : memref<!tpu.dma_semaphore, #tpu.memory_space<semaphore_mem>>)
          %dma_start3A_394 = arith.constant 0 : i32
          %dma_start3A_395 = arith.constant 0 : i32
          %dma_start3A_396 = arith.constant 640 : i32
          %dma_start3A_397 = arith.constant 0 : i32
          %dma_start3A_398 = tpu.memref_slice %arg6[%dma_start3A_395, %dma_start3A_396, %dma_start3A_397] : memref<2x1600x32xf32, #tpu.memory_space<vmem>> -> memref<1x80x32xf32, #tpu.memory_space<vmem>>
          %dma_start3A_399 = tpu.memref_squeeze %dma_start3A_398 : memref<1x80x32xf32, #tpu.memory_space<vmem>> -> memref<80x32xf32, #tpu.memory_space<vmem>>
          %dma_start3A_400 = arith.constant 640 : i32
          %dma_start3A_401 = tpu.memref_slice %arg5[%dma_start3A_394, %dma_start3A_400] : memref<2x1600xi32, #tpu.memory_space<vmem>> -> memref<1x80xi32, #tpu.memory_space<vmem>>
          %dma_start3A_402 = tpu.memref_squeeze %dma_start3A_401 : memref<1x80xi32, #tpu.memory_space<vmem>> -> memref<80xi32, #tpu.memory_space<vmem>>
          %dma_start3A_403 = arith.constant 0 : i32
          %dma_start3A_404 = arith.constant 0 : i32
          %dma_start3A_405 = tpu.memref_slice %arg2[%dma_start3A_403, %dma_start3A_404] : memref<1000000x32xf32, #tpu.memory_space<hbm>> -> memref<1000000x32xf32, #tpu.memory_space<hbm>>
          tpu.enqueue_indirect_dma source(%dma_start3A_405 : memref<1000000x32xf32, #tpu.memory_space<hbm>>) target(%dma_start3A_399 : memref<80x32xf32, #tpu.memory_space<vmem>>) offsets(%dma_start3A_402 : memref<80xi32, #tpu.memory_space<vmem>>) semaphore(%arg8 : memref<!tpu.dma_semaphore, #tpu.memory_space<semaphore_mem>>)
          %dma_start3A_406 = arith.constant 0 : i32
          %dma_start3A_407 = arith.constant 0 : i32
          %dma_start3A_408 = arith.constant 720 : i32
          %dma_start3A_409 = arith.constant 0 : i32
          %dma_start3A_410 = tpu.memref_slice %arg6[%dma_start3A_407, %dma_start3A_408, %dma_start3A_409] : memref<2x1600x32xf32, #tpu.memory_space<vmem>> -> memref<1x80x32xf32, #tpu.memory_space<vmem>>
          %dma_start3A_411 = tpu.memref_squeeze %dma_start3A_410 : memref<1x80x32xf32, #tpu.memory_space<vmem>> -> memref<80x32xf32, #tpu.memory_space<vmem>>
          %dma_start3A_412 = arith.constant 720 : i32
          %dma_start3A_413 = tpu.memref_slice %arg5[%dma_start3A_406, %dma_start3A_412] : memref<2x1600xi32, #tpu.memory_space<vmem>> -> memref<1x80xi32, #tpu.memory_space<vmem>>
          %dma_start3A_414 = tpu.memref_squeeze %dma_start3A_413 : memref<1x80xi32, #tpu.memory_space<vmem>> -> memref<80xi32, #tpu.memory_space<vmem>>
          %dma_start3A_415 = arith.constant 0 : i32
          %dma_start3A_416 = arith.constant 0 : i32
          %dma_start3A_417 = tpu.memref_slice %arg2[%dma_start3A_415, %dma_start3A_416] : memref<1000000x32xf32, #tpu.memory_space<hbm>> -> memref<1000000x32xf32, #tpu.memory_space<hbm>>
          tpu.enqueue_indirect_dma source(%dma_start3A_417 : memref<1000000x32xf32, #tpu.memory_space<hbm>>) target(%dma_start3A_411 : memref<80x32xf32, #tpu.memory_space<vmem>>) offsets(%dma_start3A_414 : memref<80xi32, #tpu.memory_space<vmem>>) semaphore(%arg8 : memref<!tpu.dma_semaphore, #tpu.memory_space<semaphore_mem>>)
          %dma_start3A_418 = arith.constant 0 : i32
          %dma_start3A_419 = arith.constant 0 : i32
          %dma_start3A_420 = arith.constant 800 : i32
          %dma_start3A_421 = arith.constant 0 : i32
          %dma_start3A_422 = tpu.memref_slice %arg6[%dma_start3A_419, %dma_start3A_420, %dma_start3A_421] : memref<2x1600x32xf32, #tpu.memory_space<vmem>> -> memref<1x80x32xf32, #tpu.memory_space<vmem>>
          %dma_start3A_423 = tpu.memref_squeeze %dma_start3A_422 : memref<1x80x32xf32, #tpu.memory_space<vmem>> -> memref<80x32xf32, #tpu.memory_space<vmem>>
          %dma_start3A_424 = arith.constant 800 : i32
          %dma_start3A_425 = tpu.memref_slice %arg5[%dma_start3A_418, %dma_start3A_424] : memref<2x1600xi32, #tpu.memory_space<vmem>> -> memref<1x80xi32, #tpu.memory_space<vmem>>
          %dma_start3A_426 = tpu.memref_squeeze %dma_start3A_425 : memref<1x80xi32, #tpu.memory_space<vmem>> -> memref<80xi32, #tpu.memory_space<vmem>>
          %dma_start3A_427 = arith.constant 0 : i32
          %dma_start3A_428 = arith.constant 0 : i32
          %dma_start3A_429 = tpu.memref_slice %arg2[%dma_start3A_427, %dma_start3A_428] : memref<1000000x32xf32, #tpu.memory_space<hbm>> -> memref<1000000x32xf32, #tpu.memory_space<hbm>>
          tpu.enqueue_indirect_dma source(%dma_start3A_429 : memref<1000000x32xf32, #tpu.memory_space<hbm>>) target(%dma_start3A_423 : memref<80x32xf32, #tpu.memory_space<vmem>>) offsets(%dma_start3A_426 : memref<80xi32, #tpu.memory_space<vmem>>) semaphore(%arg8 : memref<!tpu.dma_semaphore, #tpu.memory_space<semaphore_mem>>)
          %dma_start3A_430 = arith.constant 0 : i32
          %dma_start3A_431 = arith.constant 0 : i32
          %dma_start3A_432 = arith.constant 880 : i32
          %dma_start3A_433 = arith.constant 0 : i32
          %dma_start3A_434 = tpu.memref_slice %arg6[%dma_start3A_431, %dma_start3A_432, %dma_start3A_433] : memref<2x1600x32xf32, #tpu.memory_space<vmem>> -> memref<1x80x32xf32, #tpu.memory_space<vmem>>
          %dma_start3A_435 = tpu.memref_squeeze %dma_start3A_434 : memref<1x80x32xf32, #tpu.memory_space<vmem>> -> memref<80x32xf32, #tpu.memory_space<vmem>>
          %dma_start3A_436 = arith.constant 880 : i32
          %dma_start3A_437 = tpu.memref_slice %arg5[%dma_start3A_430, %dma_start3A_436] : memref<2x1600xi32, #tpu.memory_space<vmem>> -> memref<1x80xi32, #tpu.memory_space<vmem>>
          %dma_start3A_438 = tpu.memref_squeeze %dma_start3A_437 : memref<1x80xi32, #tpu.memory_space<vmem>> -> memref<80xi32, #tpu.memory_space<vmem>>
          %dma_start3A_439 = arith.constant 0 : i32
          %dma_start3A_440 = arith.constant 0 : i32
          %dma_start3A_441 = tpu.memref_slice %arg2[%dma_start3A_439, %dma_start3A_440] : memref<1000000x32xf32, #tpu.memory_space<hbm>> -> memref<1000000x32xf32, #tpu.memory_space<hbm>>
          tpu.enqueue_indirect_dma source(%dma_start3A_441 : memref<1000000x32xf32, #tpu.memory_space<hbm>>) target(%dma_start3A_435 : memref<80x32xf32, #tpu.memory_space<vmem>>) offsets(%dma_start3A_438 : memref<80xi32, #tpu.memory_space<vmem>>) semaphore(%arg8 : memref<!tpu.dma_semaphore, #tpu.memory_space<semaphore_mem>>)
          %dma_start3A_442 = arith.constant 0 : i32
          %dma_start3A_443 = arith.constant 0 : i32
          %dma_start3A_444 = arith.constant 960 : i32
          %dma_start3A_445 = arith.constant 0 : i32
          %dma_start3A_446 = tpu.memref_slice %arg6[%dma_start3A_443, %dma_start3A_444, %dma_start3A_445] : memref<2x1600x32xf32, #tpu.memory_space<vmem>> -> memref<1x80x32xf32, #tpu.memory_space<vmem>>
          %dma_start3A_447 = tpu.memref_squeeze %dma_start3A_446 : memref<1x80x32xf32, #tpu.memory_space<vmem>> -> memref<80x32xf32, #tpu.memory_space<vmem>>
          %dma_start3A_448 = arith.constant 960 : i32
          %dma_start3A_449 = tpu.memref_slice %arg5[%dma_start3A_442, %dma_start3A_448] : memref<2x1600xi32, #tpu.memory_space<vmem>> -> memref<1x80xi32, #tpu.memory_space<vmem>>
          %dma_start3A_450 = tpu.memref_squeeze %dma_start3A_449 : memref<1x80xi32, #tpu.memory_space<vmem>> -> memref<80xi32, #tpu.memory_space<vmem>>
          %dma_start3A_451 = arith.constant 0 : i32
          %dma_start3A_452 = arith.constant 0 : i32
          %dma_start3A_453 = tpu.memref_slice %arg2[%dma_start3A_451, %dma_start3A_452] : memref<1000000x32xf32, #tpu.memory_space<hbm>> -> memref<1000000x32xf32, #tpu.memory_space<hbm>>
          tpu.enqueue_indirect_dma source(%dma_start3A_453 : memref<1000000x32xf32, #tpu.memory_space<hbm>>) target(%dma_start3A_447 : memref<80x32xf32, #tpu.memory_space<vmem>>) offsets(%dma_start3A_450 : memref<80xi32, #tpu.memory_space<vmem>>) semaphore(%arg8 : memref<!tpu.dma_semaphore, #tpu.memory_space<semaphore_mem>>)
          %dma_start3A_454 = arith.constant 0 : i32
          %dma_start3A_455 = arith.constant 0 : i32
          %dma_start3A_456 = arith.constant 1040 : i32
          %dma_start3A_457 = arith.constant 0 : i32
          %dma_start3A_458 = tpu.memref_slice %arg6[%dma_start3A_455, %dma_start3A_456, %dma_start3A_457] : memref<2x1600x32xf32, #tpu.memory_space<vmem>> -> memref<1x80x32xf32, #tpu.memory_space<vmem>>
          %dma_start3A_459 = tpu.memref_squeeze %dma_start3A_458 : memref<1x80x32xf32, #tpu.memory_space<vmem>> -> memref<80x32xf32, #tpu.memory_space<vmem>>
          %dma_start3A_460 = arith.constant 1040 : i32
          %dma_start3A_461 = tpu.memref_slice %arg5[%dma_start3A_454, %dma_start3A_460] : memref<2x1600xi32, #tpu.memory_space<vmem>> -> memref<1x80xi32, #tpu.memory_space<vmem>>
          %dma_start3A_462 = tpu.memref_squeeze %dma_start3A_461 : memref<1x80xi32, #tpu.memory_space<vmem>> -> memref<80xi32, #tpu.memory_space<vmem>>
          %dma_start3A_463 = arith.constant 0 : i32
          %dma_start3A_464 = arith.constant 0 : i32
          %dma_start3A_465 = tpu.memref_slice %arg2[%dma_start3A_463, %dma_start3A_464] : memref<1000000x32xf32, #tpu.memory_space<hbm>> -> memref<1000000x32xf32, #tpu.memory_space<hbm>>
          tpu.enqueue_indirect_dma source(%dma_start3A_465 : memref<1000000x32xf32, #tpu.memory_space<hbm>>) target(%dma_start3A_459 : memref<80x32xf32, #tpu.memory_space<vmem>>) offsets(%dma_start3A_462 : memref<80xi32, #tpu.memory_space<vmem>>) semaphore(%arg8 : memref<!tpu.dma_semaphore, #tpu.memory_space<semaphore_mem>>)
          %dma_start3A_466 = arith.constant 0 : i32
          %dma_start3A_467 = arith.constant 0 : i32
          %dma_start3A_468 = arith.constant 1120 : i32
          %dma_start3A_469 = arith.constant 0 : i32
          %dma_start3A_470 = tpu.memref_slice %arg6[%dma_start3A_467, %dma_start3A_468, %dma_start3A_469] : memref<2x1600x32xf32, #tpu.memory_space<vmem>> -> memref<1x80x32xf32, #tpu.memory_space<vmem>>
          %dma_start3A_471 = tpu.memref_squeeze %dma_start3A_470 : memref<1x80x32xf32, #tpu.memory_space<vmem>> -> memref<80x32xf32, #tpu.memory_space<vmem>>
          %dma_start3A_472 = arith.constant 1120 : i32
          %dma_start3A_473 = tpu.memref_slice %arg5[%dma_start3A_466, %dma_start3A_472] : memref<2x1600xi32, #tpu.memory_space<vmem>> -> memref<1x80xi32, #tpu.memory_space<vmem>>
          %dma_start3A_474 = tpu.memref_squeeze %dma_start3A_473 : memref<1x80xi32, #tpu.memory_space<vmem>> -> memref<80xi32, #tpu.memory_space<vmem>>
          %dma_start3A_475 = arith.constant 0 : i32
          %dma_start3A_476 = arith.constant 0 : i32
          %dma_start3A_477 = tpu.memref_slice %arg2[%dma_start3A_475, %dma_start3A_476] : memref<1000000x32xf32, #tpu.memory_space<hbm>> -> memref<1000000x32xf32, #tpu.memory_space<hbm>>
          tpu.enqueue_indirect_dma source(%dma_start3A_477 : memref<1000000x32xf32, #tpu.memory_space<hbm>>) target(%dma_start3A_471 : memref<80x32xf32, #tpu.memory_space<vmem>>) offsets(%dma_start3A_474 : memref<80xi32, #tpu.memory_space<vmem>>) semaphore(%arg8 : memref<!tpu.dma_semaphore, #tpu.memory_space<semaphore_mem>>)
          %dma_start3A_478 = arith.constant 0 : i32
          %dma_start3A_479 = arith.constant 0 : i32
          %dma_start3A_480 = arith.constant 1200 : i32
          %dma_start3A_481 = arith.constant 0 : i32
          %dma_start3A_482 = tpu.memref_slice %arg6[%dma_start3A_479, %dma_start3A_480, %dma_start3A_481] : memref<2x1600x32xf32, #tpu.memory_space<vmem>> -> memref<1x80x32xf32, #tpu.memory_space<vmem>>
          %dma_start3A_483 = tpu.memref_squeeze %dma_start3A_482 : memref<1x80x32xf32, #tpu.memory_space<vmem>> -> memref<80x32xf32, #tpu.memory_space<vmem>>
          %dma_start3A_484 = arith.constant 1200 : i32
          %dma_start3A_485 = tpu.memref_slice %arg5[%dma_start3A_478, %dma_start3A_484] : memref<2x1600xi32, #tpu.memory_space<vmem>> -> memref<1x80xi32, #tpu.memory_space<vmem>>
          %dma_start3A_486 = tpu.memref_squeeze %dma_start3A_485 : memref<1x80xi32, #tpu.memory_space<vmem>> -> memref<80xi32, #tpu.memory_space<vmem>>
          %dma_start3A_487 = arith.constant 0 : i32
          %dma_start3A_488 = arith.constant 0 : i32
          %dma_start3A_489 = tpu.memref_slice %arg2[%dma_start3A_487, %dma_start3A_488] : memref<1000000x32xf32, #tpu.memory_space<hbm>> -> memref<1000000x32xf32, #tpu.memory_space<hbm>>
          tpu.enqueue_indirect_dma source(%dma_start3A_489 : memref<1000000x32xf32, #tpu.memory_space<hbm>>) target(%dma_start3A_483 : memref<80x32xf32, #tpu.memory_space<vmem>>) offsets(%dma_start3A_486 : memref<80xi32, #tpu.memory_space<vmem>>) semaphore(%arg8 : memref<!tpu.dma_semaphore, #tpu.memory_space<semaphore_mem>>)
          %dma_start3A_490 = arith.constant 0 : i32
          %dma_start3A_491 = arith.constant 0 : i32
          %dma_start3A_492 = arith.constant 1280 : i32
          %dma_start3A_493 = arith.constant 0 : i32
          %dma_start3A_494 = tpu.memref_slice %arg6[%dma_start3A_491, %dma_start3A_492, %dma_start3A_493] : memref<2x1600x32xf32, #tpu.memory_space<vmem>> -> memref<1x80x32xf32, #tpu.memory_space<vmem>>
          %dma_start3A_495 = tpu.memref_squeeze %dma_start3A_494 : memref<1x80x32xf32, #tpu.memory_space<vmem>> -> memref<80x32xf32, #tpu.memory_space<vmem>>
          %dma_start3A_496 = arith.constant 1280 : i32
          %dma_start3A_497 = tpu.memref_slice %arg5[%dma_start3A_490, %dma_start3A_496] : memref<2x1600xi32, #tpu.memory_space<vmem>> -> memref<1x80xi32, #tpu.memory_space<vmem>>
          %dma_start3A_498 = tpu.memref_squeeze %dma_start3A_497 : memref<1x80xi32, #tpu.memory_space<vmem>> -> memref<80xi32, #tpu.memory_space<vmem>>
          %dma_start3A_499 = arith.constant 0 : i32
          %dma_start3A_500 = arith.constant 0 : i32
          %dma_start3A_501 = tpu.memref_slice %arg2[%dma_start3A_499, %dma_start3A_500] : memref<1000000x32xf32, #tpu.memory_space<hbm>> -> memref<1000000x32xf32, #tpu.memory_space<hbm>>
          tpu.enqueue_indirect_dma source(%dma_start3A_501 : memref<1000000x32xf32, #tpu.memory_space<hbm>>) target(%dma_start3A_495 : memref<80x32xf32, #tpu.memory_space<vmem>>) offsets(%dma_start3A_498 : memref<80xi32, #tpu.memory_space<vmem>>) semaphore(%arg8 : memref<!tpu.dma_semaphore, #tpu.memory_space<semaphore_mem>>)
          %dma_start3A_502 = arith.constant 0 : i32
          %dma_start3A_503 = arith.constant 0 : i32
          %dma_start3A_504 = arith.constant 1360 : i32
          %dma_start3A_505 = arith.constant 0 : i32
          %dma_start3A_506 = tpu.memref_slice %arg6[%dma_start3A_503, %dma_start3A_504, %dma_start3A_505] : memref<2x1600x32xf32, #tpu.memory_space<vmem>> -> memref<1x80x32xf32, #tpu.memory_space<vmem>>
          %dma_start3A_507 = tpu.memref_squeeze %dma_start3A_506 : memref<1x80x32xf32, #tpu.memory_space<vmem>> -> memref<80x32xf32, #tpu.memory_space<vmem>>
          %dma_start3A_508 = arith.constant 1360 : i32
          %dma_start3A_509 = tpu.memref_slice %arg5[%dma_start3A_502, %dma_start3A_508] : memref<2x1600xi32, #tpu.memory_space<vmem>> -> memref<1x80xi32, #tpu.memory_space<vmem>>
          %dma_start3A_510 = tpu.memref_squeeze %dma_start3A_509 : memref<1x80xi32, #tpu.memory_space<vmem>> -> memref<80xi32, #tpu.memory_space<vmem>>
          %dma_start3A_511 = arith.constant 0 : i32
          %dma_start3A_512 = arith.constant 0 : i32
          %dma_start3A_513 = tpu.memref_slice %arg2[%dma_start3A_511, %dma_start3A_512] : memref<1000000x32xf32, #tpu.memory_space<hbm>> -> memref<1000000x32xf32, #tpu.memory_space<hbm>>
          tpu.enqueue_indirect_dma source(%dma_start3A_513 : memref<1000000x32xf32, #tpu.memory_space<hbm>>) target(%dma_start3A_507 : memref<80x32xf32, #tpu.memory_space<vmem>>) offsets(%dma_start3A_510 : memref<80xi32, #tpu.memory_space<vmem>>) semaphore(%arg8 : memref<!tpu.dma_semaphore, #tpu.memory_space<semaphore_mem>>)
          %dma_start3A_514 = arith.constant 0 : i32
          %dma_start3A_515 = arith.constant 0 : i32
          %dma_start3A_516 = arith.constant 1440 : i32
          %dma_start3A_517 = arith.constant 0 : i32
          %dma_start3A_518 = tpu.memref_slice %arg6[%dma_start3A_515, %dma_start3A_516, %dma_start3A_517] : memref<2x1600x32xf32, #tpu.memory_space<vmem>> -> memref<1x80x32xf32, #tpu.memory_space<vmem>>
          %dma_start3A_519 = tpu.memref_squeeze %dma_start3A_518 : memref<1x80x32xf32, #tpu.memory_space<vmem>> -> memref<80x32xf32, #tpu.memory_space<vmem>>
          %dma_start3A_520 = arith.constant 1440 : i32
          %dma_start3A_521 = tpu.memref_slice %arg5[%dma_start3A_514, %dma_start3A_520] : memref<2x1600xi32, #tpu.memory_space<vmem>> -> memref<1x80xi32, #tpu.memory_space<vmem>>
          %dma_start3A_522 = tpu.memref_squeeze %dma_start3A_521 : memref<1x80xi32, #tpu.memory_space<vmem>> -> memref<80xi32, #tpu.memory_space<vmem>>
          %dma_start3A_523 = arith.constant 0 : i32
          %dma_start3A_524 = arith.constant 0 : i32
          %dma_start3A_525 = tpu.memref_slice %arg2[%dma_start3A_523, %dma_start3A_524] : memref<1000000x32xf32, #tpu.memory_space<hbm>> -> memref<1000000x32xf32, #tpu.memory_space<hbm>>
          tpu.enqueue_indirect_dma source(%dma_start3A_525 : memref<1000000x32xf32, #tpu.memory_space<hbm>>) target(%dma_start3A_519 : memref<80x32xf32, #tpu.memory_space<vmem>>) offsets(%dma_start3A_522 : memref<80xi32, #tpu.memory_space<vmem>>) semaphore(%arg8 : memref<!tpu.dma_semaphore, #tpu.memory_space<semaphore_mem>>)
          %dma_start3A_526 = arith.constant 0 : i32
          %dma_start3A_527 = arith.constant 0 : i32
          %dma_start3A_528 = arith.constant 1520 : i32
          %dma_start3A_529 = arith.constant 0 : i32
          %dma_start3A_530 = tpu.memref_slice %arg6[%dma_start3A_527, %dma_start3A_528, %dma_start3A_529] : memref<2x1600x32xf32, #tpu.memory_space<vmem>> -> memref<1x80x32xf32, #tpu.memory_space<vmem>>
          %dma_start3A_531 = tpu.memref_squeeze %dma_start3A_530 : memref<1x80x32xf32, #tpu.memory_space<vmem>> -> memref<80x32xf32, #tpu.memory_space<vmem>>
          %dma_start3A_532 = arith.constant 1520 : i32
          %dma_start3A_533 = tpu.memref_slice %arg5[%dma_start3A_526, %dma_start3A_532] : memref<2x1600xi32, #tpu.memory_space<vmem>> -> memref<1x80xi32, #tpu.memory_space<vmem>>
          %dma_start3A_534 = tpu.memref_squeeze %dma_start3A_533 : memref<1x80xi32, #tpu.memory_space<vmem>> -> memref<80xi32, #tpu.memory_space<vmem>>
          %dma_start3A_535 = arith.constant 0 : i32
          %dma_start3A_536 = arith.constant 0 : i32
          %dma_start3A_537 = tpu.memref_slice %arg2[%dma_start3A_535, %dma_start3A_536] : memref<1000000x32xf32, #tpu.memory_space<hbm>> -> memref<1000000x32xf32, #tpu.memory_space<hbm>>
          tpu.enqueue_indirect_dma source(%dma_start3A_537 : memref<1000000x32xf32, #tpu.memory_space<hbm>>) target(%dma_start3A_531 : memref<80x32xf32, #tpu.memory_space<vmem>>) offsets(%dma_start3A_534 : memref<80xi32, #tpu.memory_space<vmem>>) semaphore(%arg8 : memref<!tpu.dma_semaphore, #tpu.memory_space<semaphore_mem>>)
        } else {
        }
      } else {
      }
      %eq3A = arith.constant 0 : i32
      %eq3A_260 = arith.cmpi eq, %rem3A_251, %eq3A : i32
      %convert_element_type3A_261 = arith.extui %eq3A_260 : i1 to i32
      %cond3A_262 = arith.constant 0 : i32
      %cond3A_263 = arith.cmpi ne, %convert_element_type3A_261, %cond3A_262 : i32
      scf.if %cond3A_263 {
        %dma_wait3A = arith.constant 0 : i32
        %dma_wait3A_280 = arith.constant 0 : i32
        %dma_wait3A_281 = arith.constant 0 : i32
        %dma_wait3A_282 = arith.constant 0 : i32
        %dma_wait3A_283 = tpu.memref_slice %arg6[%dma_wait3A_280, %dma_wait3A_281, %dma_wait3A_282] : memref<2x1600x32xf32, #tpu.memory_space<vmem>> -> memref<1x80x32xf32, #tpu.memory_space<vmem>>
        %dma_wait3A_284 = tpu.memref_squeeze %dma_wait3A_283 : memref<1x80x32xf32, #tpu.memory_space<vmem>> -> memref<80x32xf32, #tpu.memory_space<vmem>>
        %dma_wait3A_285 = arith.constant 0 : i32
        %dma_wait3A_286 = tpu.memref_slice %arg5[%dma_wait3A, %dma_wait3A_285] : memref<2x1600xi32, #tpu.memory_space<vmem>> -> memref<1x80xi32, #tpu.memory_space<vmem>>
        %dma_wait3A_287 = tpu.memref_squeeze %dma_wait3A_286 : memref<1x80xi32, #tpu.memory_space<vmem>> -> memref<80xi32, #tpu.memory_space<vmem>>
        %dma_wait3A_288 = arith.constant 0 : i32
        %dma_wait3A_289 = arith.constant 0 : i32
        %dma_wait3A_290 = tpu.memref_slice %arg2[%dma_wait3A_288, %dma_wait3A_289] : memref<1000000x32xf32, #tpu.memory_space<hbm>> -> memref<1000000x32xf32, #tpu.memory_space<hbm>>
        tpu.wait_indirect_dma semaphore(%arg8 : memref<!tpu.dma_semaphore, #tpu.memory_space<semaphore_mem>>) src(%dma_wait3A_290 : memref<1000000x32xf32, #tpu.memory_space<hbm>>) dst(%dma_wait3A_284 : memref<80x32xf32, #tpu.memory_space<vmem>>)
        %dma_wait3A_291 = arith.constant 0 : i32
        %dma_wait3A_292 = arith.constant 0 : i32
        %dma_wait3A_293 = arith.constant 80 : i32
        %dma_wait3A_294 = arith.constant 0 : i32
        %dma_wait3A_295 = tpu.memref_slice %arg6[%dma_wait3A_292, %dma_wait3A_293, %dma_wait3A_294] : memref<2x1600x32xf32, #tpu.memory_space<vmem>> -> memref<1x80x32xf32, #tpu.memory_space<vmem>>
        %dma_wait3A_296 = tpu.memref_squeeze %dma_wait3A_295 : memref<1x80x32xf32, #tpu.memory_space<vmem>> -> memref<80x32xf32, #tpu.memory_space<vmem>>
        %dma_wait3A_297 = arith.constant 80 : i32
        %dma_wait3A_298 = tpu.memref_slice %arg5[%dma_wait3A_291, %dma_wait3A_297] : memref<2x1600xi32, #tpu.memory_space<vmem>> -> memref<1x80xi32, #tpu.memory_space<vmem>>
        %dma_wait3A_299 = tpu.memref_squeeze %dma_wait3A_298 : memref<1x80xi32, #tpu.memory_space<vmem>> -> memref<80xi32, #tpu.memory_space<vmem>>
        %dma_wait3A_300 = arith.constant 0 : i32
        %dma_wait3A_301 = arith.constant 0 : i32
        %dma_wait3A_302 = tpu.memref_slice %arg2[%dma_wait3A_300, %dma_wait3A_301] : memref<1000000x32xf32, #tpu.memory_space<hbm>> -> memref<1000000x32xf32, #tpu.memory_space<hbm>>
        tpu.wait_indirect_dma semaphore(%arg8 : memref<!tpu.dma_semaphore, #tpu.memory_space<semaphore_mem>>) src(%dma_wait3A_302 : memref<1000000x32xf32, #tpu.memory_space<hbm>>) dst(%dma_wait3A_296 : memref<80x32xf32, #tpu.memory_space<vmem>>)
        %dma_wait3A_303 = arith.constant 0 : i32
        %dma_wait3A_304 = arith.constant 0 : i32
        %dma_wait3A_305 = arith.constant 160 : i32
        %dma_wait3A_306 = arith.constant 0 : i32
        %dma_wait3A_307 = tpu.memref_slice %arg6[%dma_wait3A_304, %dma_wait3A_305, %dma_wait3A_306] : memref<2x1600x32xf32, #tpu.memory_space<vmem>> -> memref<1x80x32xf32, #tpu.memory_space<vmem>>
        %dma_wait3A_308 = tpu.memref_squeeze %dma_wait3A_307 : memref<1x80x32xf32, #tpu.memory_space<vmem>> -> memref<80x32xf32, #tpu.memory_space<vmem>>
        %dma_wait3A_309 = arith.constant 160 : i32
        %dma_wait3A_310 = tpu.memref_slice %arg5[%dma_wait3A_303, %dma_wait3A_309] : memref<2x1600xi32, #tpu.memory_space<vmem>> -> memref<1x80xi32, #tpu.memory_space<vmem>>
        %dma_wait3A_311 = tpu.memref_squeeze %dma_wait3A_310 : memref<1x80xi32, #tpu.memory_space<vmem>> -> memref<80xi32, #tpu.memory_space<vmem>>
        %dma_wait3A_312 = arith.constant 0 : i32
        %dma_wait3A_313 = arith.constant 0 : i32
        %dma_wait3A_314 = tpu.memref_slice %arg2[%dma_wait3A_312, %dma_wait3A_313] : memref<1000000x32xf32, #tpu.memory_space<hbm>> -> memref<1000000x32xf32, #tpu.memory_space<hbm>>
        tpu.wait_indirect_dma semaphore(%arg8 : memref<!tpu.dma_semaphore, #tpu.memory_space<semaphore_mem>>) src(%dma_wait3A_314 : memref<1000000x32xf32, #tpu.memory_space<hbm>>) dst(%dma_wait3A_308 : memref<80x32xf32, #tpu.memory_space<vmem>>)
        %dma_wait3A_315 = arith.constant 0 : i32
        %dma_wait3A_316 = arith.constant 0 : i32
        %dma_wait3A_317 = arith.constant 240 : i32
        %dma_wait3A_318 = arith.constant 0 : i32
        %dma_wait3A_319 = tpu.memref_slice %arg6[%dma_wait3A_316, %dma_wait3A_317, %dma_wait3A_318] : memref<2x1600x32xf32, #tpu.memory_space<vmem>> -> memref<1x80x32xf32, #tpu.memory_space<vmem>>
        %dma_wait3A_320 = tpu.memref_squeeze %dma_wait3A_319 : memref<1x80x32xf32, #tpu.memory_space<vmem>> -> memref<80x32xf32, #tpu.memory_space<vmem>>
        %dma_wait3A_321 = arith.constant 240 : i32
        %dma_wait3A_322 = tpu.memref_slice %arg5[%dma_wait3A_315, %dma_wait3A_321] : memref<2x1600xi32, #tpu.memory_space<vmem>> -> memref<1x80xi32, #tpu.memory_space<vmem>>
        %dma_wait3A_323 = tpu.memref_squeeze %dma_wait3A_322 : memref<1x80xi32, #tpu.memory_space<vmem>> -> memref<80xi32, #tpu.memory_space<vmem>>
        %dma_wait3A_324 = arith.constant 0 : i32
        %dma_wait3A_325 = arith.constant 0 : i32
        %dma_wait3A_326 = tpu.memref_slice %arg2[%dma_wait3A_324, %dma_wait3A_325] : memref<1000000x32xf32, #tpu.memory_space<hbm>> -> memref<1000000x32xf32, #tpu.memory_space<hbm>>
        tpu.wait_indirect_dma semaphore(%arg8 : memref<!tpu.dma_semaphore, #tpu.memory_space<semaphore_mem>>) src(%dma_wait3A_326 : memref<1000000x32xf32, #tpu.memory_space<hbm>>) dst(%dma_wait3A_320 : memref<80x32xf32, #tpu.memory_space<vmem>>)
        %dma_wait3A_327 = arith.constant 0 : i32
        %dma_wait3A_328 = arith.constant 0 : i32
        %dma_wait3A_329 = arith.constant 320 : i32
        %dma_wait3A_330 = arith.constant 0 : i32
        %dma_wait3A_331 = tpu.memref_slice %arg6[%dma_wait3A_328, %dma_wait3A_329, %dma_wait3A_330] : memref<2x1600x32xf32, #tpu.memory_space<vmem>> -> memref<1x80x32xf32, #tpu.memory_space<vmem>>
        %dma_wait3A_332 = tpu.memref_squeeze %dma_wait3A_331 : memref<1x80x32xf32, #tpu.memory_space<vmem>> -> memref<80x32xf32, #tpu.memory_space<vmem>>
        %dma_wait3A_333 = arith.constant 320 : i32
        %dma_wait3A_334 = tpu.memref_slice %arg5[%dma_wait3A_327, %dma_wait3A_333] : memref<2x1600xi32, #tpu.memory_space<vmem>> -> memref<1x80xi32, #tpu.memory_space<vmem>>
        %dma_wait3A_335 = tpu.memref_squeeze %dma_wait3A_334 : memref<1x80xi32, #tpu.memory_space<vmem>> -> memref<80xi32, #tpu.memory_space<vmem>>
        %dma_wait3A_336 = arith.constant 0 : i32
        %dma_wait3A_337 = arith.constant 0 : i32
        %dma_wait3A_338 = tpu.memref_slice %arg2[%dma_wait3A_336, %dma_wait3A_337] : memref<1000000x32xf32, #tpu.memory_space<hbm>> -> memref<1000000x32xf32, #tpu.memory_space<hbm>>
        tpu.wait_indirect_dma semaphore(%arg8 : memref<!tpu.dma_semaphore, #tpu.memory_space<semaphore_mem>>) src(%dma_wait3A_338 : memref<1000000x32xf32, #tpu.memory_space<hbm>>) dst(%dma_wait3A_332 : memref<80x32xf32, #tpu.memory_space<vmem>>)
        %dma_wait3A_339 = arith.constant 0 : i32
        %dma_wait3A_340 = arith.constant 0 : i32
        %dma_wait3A_341 = arith.constant 400 : i32
        %dma_wait3A_342 = arith.constant 0 : i32
        %dma_wait3A_343 = tpu.memref_slice %arg6[%dma_wait3A_340, %dma_wait3A_341, %dma_wait3A_342] : memref<2x1600x32xf32, #tpu.memory_space<vmem>> -> memref<1x80x32xf32, #tpu.memory_space<vmem>>
        %dma_wait3A_344 = tpu.memref_squeeze %dma_wait3A_343 : memref<1x80x32xf32, #tpu.memory_space<vmem>> -> memref<80x32xf32, #tpu.memory_space<vmem>>
        %dma_wait3A_345 = arith.constant 400 : i32
        %dma_wait3A_346 = tpu.memref_slice %arg5[%dma_wait3A_339, %dma_wait3A_345] : memref<2x1600xi32, #tpu.memory_space<vmem>> -> memref<1x80xi32, #tpu.memory_space<vmem>>
        %dma_wait3A_347 = tpu.memref_squeeze %dma_wait3A_346 : memref<1x80xi32, #tpu.memory_space<vmem>> -> memref<80xi32, #tpu.memory_space<vmem>>
        %dma_wait3A_348 = arith.constant 0 : i32
        %dma_wait3A_349 = arith.constant 0 : i32
        %dma_wait3A_350 = tpu.memref_slice %arg2[%dma_wait3A_348, %dma_wait3A_349] : memref<1000000x32xf32, #tpu.memory_space<hbm>> -> memref<1000000x32xf32, #tpu.memory_space<hbm>>
        tpu.wait_indirect_dma semaphore(%arg8 : memref<!tpu.dma_semaphore, #tpu.memory_space<semaphore_mem>>) src(%dma_wait3A_350 : memref<1000000x32xf32, #tpu.memory_space<hbm>>) dst(%dma_wait3A_344 : memref<80x32xf32, #tpu.memory_space<vmem>>)
        %dma_wait3A_351 = arith.constant 0 : i32
        %dma_wait3A_352 = arith.constant 0 : i32
        %dma_wait3A_353 = arith.constant 480 : i32
        %dma_wait3A_354 = arith.constant 0 : i32
        %dma_wait3A_355 = tpu.memref_slice %arg6[%dma_wait3A_352, %dma_wait3A_353, %dma_wait3A_354] : memref<2x1600x32xf32, #tpu.memory_space<vmem>> -> memref<1x80x32xf32, #tpu.memory_space<vmem>>
        %dma_wait3A_356 = tpu.memref_squeeze %dma_wait3A_355 : memref<1x80x32xf32, #tpu.memory_space<vmem>> -> memref<80x32xf32, #tpu.memory_space<vmem>>
        %dma_wait3A_357 = arith.constant 480 : i32
        %dma_wait3A_358 = tpu.memref_slice %arg5[%dma_wait3A_351, %dma_wait3A_357] : memref<2x1600xi32, #tpu.memory_space<vmem>> -> memref<1x80xi32, #tpu.memory_space<vmem>>
        %dma_wait3A_359 = tpu.memref_squeeze %dma_wait3A_358 : memref<1x80xi32, #tpu.memory_space<vmem>> -> memref<80xi32, #tpu.memory_space<vmem>>
        %dma_wait3A_360 = arith.constant 0 : i32
        %dma_wait3A_361 = arith.constant 0 : i32
        %dma_wait3A_362 = tpu.memref_slice %arg2[%dma_wait3A_360, %dma_wait3A_361] : memref<1000000x32xf32, #tpu.memory_space<hbm>> -> memref<1000000x32xf32, #tpu.memory_space<hbm>>
        tpu.wait_indirect_dma semaphore(%arg8 : memref<!tpu.dma_semaphore, #tpu.memory_space<semaphore_mem>>) src(%dma_wait3A_362 : memref<1000000x32xf32, #tpu.memory_space<hbm>>) dst(%dma_wait3A_356 : memref<80x32xf32, #tpu.memory_space<vmem>>)
        %dma_wait3A_363 = arith.constant 0 : i32
        %dma_wait3A_364 = arith.constant 0 : i32
        %dma_wait3A_365 = arith.constant 560 : i32
        %dma_wait3A_366 = arith.constant 0 : i32
        %dma_wait3A_367 = tpu.memref_slice %arg6[%dma_wait3A_364, %dma_wait3A_365, %dma_wait3A_366] : memref<2x1600x32xf32, #tpu.memory_space<vmem>> -> memref<1x80x32xf32, #tpu.memory_space<vmem>>
        %dma_wait3A_368 = tpu.memref_squeeze %dma_wait3A_367 : memref<1x80x32xf32, #tpu.memory_space<vmem>> -> memref<80x32xf32, #tpu.memory_space<vmem>>
        %dma_wait3A_369 = arith.constant 560 : i32
        %dma_wait3A_370 = tpu.memref_slice %arg5[%dma_wait3A_363, %dma_wait3A_369] : memref<2x1600xi32, #tpu.memory_space<vmem>> -> memref<1x80xi32, #tpu.memory_space<vmem>>
        %dma_wait3A_371 = tpu.memref_squeeze %dma_wait3A_370 : memref<1x80xi32, #tpu.memory_space<vmem>> -> memref<80xi32, #tpu.memory_space<vmem>>
        %dma_wait3A_372 = arith.constant 0 : i32
        %dma_wait3A_373 = arith.constant 0 : i32
        %dma_wait3A_374 = tpu.memref_slice %arg2[%dma_wait3A_372, %dma_wait3A_373] : memref<1000000x32xf32, #tpu.memory_space<hbm>> -> memref<1000000x32xf32, #tpu.memory_space<hbm>>
        tpu.wait_indirect_dma semaphore(%arg8 : memref<!tpu.dma_semaphore, #tpu.memory_space<semaphore_mem>>) src(%dma_wait3A_374 : memref<1000000x32xf32, #tpu.memory_space<hbm>>) dst(%dma_wait3A_368 : memref<80x32xf32, #tpu.memory_space<vmem>>)
        %dma_wait3A_375 = arith.constant 0 : i32
        %dma_wait3A_376 = arith.constant 0 : i32
        %dma_wait3A_377 = arith.constant 640 : i32
        %dma_wait3A_378 = arith.constant 0 : i32
        %dma_wait3A_379 = tpu.memref_slice %arg6[%dma_wait3A_376, %dma_wait3A_377, %dma_wait3A_378] : memref<2x1600x32xf32, #tpu.memory_space<vmem>> -> memref<1x80x32xf32, #tpu.memory_space<vmem>>
        %dma_wait3A_380 = tpu.memref_squeeze %dma_wait3A_379 : memref<1x80x32xf32, #tpu.memory_space<vmem>> -> memref<80x32xf32, #tpu.memory_space<vmem>>
        %dma_wait3A_381 = arith.constant 640 : i32
        %dma_wait3A_382 = tpu.memref_slice %arg5[%dma_wait3A_375, %dma_wait3A_381] : memref<2x1600xi32, #tpu.memory_space<vmem>> -> memref<1x80xi32, #tpu.memory_space<vmem>>
        %dma_wait3A_383 = tpu.memref_squeeze %dma_wait3A_382 : memref<1x80xi32, #tpu.memory_space<vmem>> -> memref<80xi32, #tpu.memory_space<vmem>>
        %dma_wait3A_384 = arith.constant 0 : i32
        %dma_wait3A_385 = arith.constant 0 : i32
        %dma_wait3A_386 = tpu.memref_slice %arg2[%dma_wait3A_384, %dma_wait3A_385] : memref<1000000x32xf32, #tpu.memory_space<hbm>> -> memref<1000000x32xf32, #tpu.memory_space<hbm>>
        tpu.wait_indirect_dma semaphore(%arg8 : memref<!tpu.dma_semaphore, #tpu.memory_space<semaphore_mem>>) src(%dma_wait3A_386 : memref<1000000x32xf32, #tpu.memory_space<hbm>>) dst(%dma_wait3A_380 : memref<80x32xf32, #tpu.memory_space<vmem>>)
        %dma_wait3A_387 = arith.constant 0 : i32
        %dma_wait3A_388 = arith.constant 0 : i32
        %dma_wait3A_389 = arith.constant 720 : i32
        %dma_wait3A_390 = arith.constant 0 : i32
        %dma_wait3A_391 = tpu.memref_slice %arg6[%dma_wait3A_388, %dma_wait3A_389, %dma_wait3A_390] : memref<2x1600x32xf32, #tpu.memory_space<vmem>> -> memref<1x80x32xf32, #tpu.memory_space<vmem>>
        %dma_wait3A_392 = tpu.memref_squeeze %dma_wait3A_391 : memref<1x80x32xf32, #tpu.memory_space<vmem>> -> memref<80x32xf32, #tpu.memory_space<vmem>>
        %dma_wait3A_393 = arith.constant 720 : i32
        %dma_wait3A_394 = tpu.memref_slice %arg5[%dma_wait3A_387, %dma_wait3A_393] : memref<2x1600xi32, #tpu.memory_space<vmem>> -> memref<1x80xi32, #tpu.memory_space<vmem>>
        %dma_wait3A_395 = tpu.memref_squeeze %dma_wait3A_394 : memref<1x80xi32, #tpu.memory_space<vmem>> -> memref<80xi32, #tpu.memory_space<vmem>>
        %dma_wait3A_396 = arith.constant 0 : i32
        %dma_wait3A_397 = arith.constant 0 : i32
        %dma_wait3A_398 = tpu.memref_slice %arg2[%dma_wait3A_396, %dma_wait3A_397] : memref<1000000x32xf32, #tpu.memory_space<hbm>> -> memref<1000000x32xf32, #tpu.memory_space<hbm>>
        tpu.wait_indirect_dma semaphore(%arg8 : memref<!tpu.dma_semaphore, #tpu.memory_space<semaphore_mem>>) src(%dma_wait3A_398 : memref<1000000x32xf32, #tpu.memory_space<hbm>>) dst(%dma_wait3A_392 : memref<80x32xf32, #tpu.memory_space<vmem>>)
        %dma_wait3A_399 = arith.constant 0 : i32
        %dma_wait3A_400 = arith.constant 0 : i32
        %dma_wait3A_401 = arith.constant 800 : i32
        %dma_wait3A_402 = arith.constant 0 : i32
        %dma_wait3A_403 = tpu.memref_slice %arg6[%dma_wait3A_400, %dma_wait3A_401, %dma_wait3A_402] : memref<2x1600x32xf32, #tpu.memory_space<vmem>> -> memref<1x80x32xf32, #tpu.memory_space<vmem>>
        %dma_wait3A_404 = tpu.memref_squeeze %dma_wait3A_403 : memref<1x80x32xf32, #tpu.memory_space<vmem>> -> memref<80x32xf32, #tpu.memory_space<vmem>>
        %dma_wait3A_405 = arith.constant 800 : i32
        %dma_wait3A_406 = tpu.memref_slice %arg5[%dma_wait3A_399, %dma_wait3A_405] : memref<2x1600xi32, #tpu.memory_space<vmem>> -> memref<1x80xi32, #tpu.memory_space<vmem>>
        %dma_wait3A_407 = tpu.memref_squeeze %dma_wait3A_406 : memref<1x80xi32, #tpu.memory_space<vmem>> -> memref<80xi32, #tpu.memory_space<vmem>>
        %dma_wait3A_408 = arith.constant 0 : i32
        %dma_wait3A_409 = arith.constant 0 : i32
        %dma_wait3A_410 = tpu.memref_slice %arg2[%dma_wait3A_408, %dma_wait3A_409] : memref<1000000x32xf32, #tpu.memory_space<hbm>> -> memref<1000000x32xf32, #tpu.memory_space<hbm>>
        tpu.wait_indirect_dma semaphore(%arg8 : memref<!tpu.dma_semaphore, #tpu.memory_space<semaphore_mem>>) src(%dma_wait3A_410 : memref<1000000x32xf32, #tpu.memory_space<hbm>>) dst(%dma_wait3A_404 : memref<80x32xf32, #tpu.memory_space<vmem>>)
        %dma_wait3A_411 = arith.constant 0 : i32
        %dma_wait3A_412 = arith.constant 0 : i32
        %dma_wait3A_413 = arith.constant 880 : i32
        %dma_wait3A_414 = arith.constant 0 : i32
        %dma_wait3A_415 = tpu.memref_slice %arg6[%dma_wait3A_412, %dma_wait3A_413, %dma_wait3A_414] : memref<2x1600x32xf32, #tpu.memory_space<vmem>> -> memref<1x80x32xf32, #tpu.memory_space<vmem>>
        %dma_wait3A_416 = tpu.memref_squeeze %dma_wait3A_415 : memref<1x80x32xf32, #tpu.memory_space<vmem>> -> memref<80x32xf32, #tpu.memory_space<vmem>>
        %dma_wait3A_417 = arith.constant 880 : i32
        %dma_wait3A_418 = tpu.memref_slice %arg5[%dma_wait3A_411, %dma_wait3A_417] : memref<2x1600xi32, #tpu.memory_space<vmem>> -> memref<1x80xi32, #tpu.memory_space<vmem>>
        %dma_wait3A_419 = tpu.memref_squeeze %dma_wait3A_418 : memref<1x80xi32, #tpu.memory_space<vmem>> -> memref<80xi32, #tpu.memory_space<vmem>>
        %dma_wait3A_420 = arith.constant 0 : i32
        %dma_wait3A_421 = arith.constant 0 : i32
        %dma_wait3A_422 = tpu.memref_slice %arg2[%dma_wait3A_420, %dma_wait3A_421] : memref<1000000x32xf32, #tpu.memory_space<hbm>> -> memref<1000000x32xf32, #tpu.memory_space<hbm>>
        tpu.wait_indirect_dma semaphore(%arg8 : memref<!tpu.dma_semaphore, #tpu.memory_space<semaphore_mem>>) src(%dma_wait3A_422 : memref<1000000x32xf32, #tpu.memory_space<hbm>>) dst(%dma_wait3A_416 : memref<80x32xf32, #tpu.memory_space<vmem>>)
        %dma_wait3A_423 = arith.constant 0 : i32
        %dma_wait3A_424 = arith.constant 0 : i32
        %dma_wait3A_425 = arith.constant 960 : i32
        %dma_wait3A_426 = arith.constant 0 : i32
        %dma_wait3A_427 = tpu.memref_slice %arg6[%dma_wait3A_424, %dma_wait3A_425, %dma_wait3A_426] : memref<2x1600x32xf32, #tpu.memory_space<vmem>> -> memref<1x80x32xf32, #tpu.memory_space<vmem>>
        %dma_wait3A_428 = tpu.memref_squeeze %dma_wait3A_427 : memref<1x80x32xf32, #tpu.memory_space<vmem>> -> memref<80x32xf32, #tpu.memory_space<vmem>>
        %dma_wait3A_429 = arith.constant 960 : i32
        %dma_wait3A_430 = tpu.memref_slice %arg5[%dma_wait3A_423, %dma_wait3A_429] : memref<2x1600xi32, #tpu.memory_space<vmem>> -> memref<1x80xi32, #tpu.memory_space<vmem>>
        %dma_wait3A_431 = tpu.memref_squeeze %dma_wait3A_430 : memref<1x80xi32, #tpu.memory_space<vmem>> -> memref<80xi32, #tpu.memory_space<vmem>>
        %dma_wait3A_432 = arith.constant 0 : i32
        %dma_wait3A_433 = arith.constant 0 : i32
        %dma_wait3A_434 = tpu.memref_slice %arg2[%dma_wait3A_432, %dma_wait3A_433] : memref<1000000x32xf32, #tpu.memory_space<hbm>> -> memref<1000000x32xf32, #tpu.memory_space<hbm>>
        tpu.wait_indirect_dma semaphore(%arg8 : memref<!tpu.dma_semaphore, #tpu.memory_space<semaphore_mem>>) src(%dma_wait3A_434 : memref<1000000x32xf32, #tpu.memory_space<hbm>>) dst(%dma_wait3A_428 : memref<80x32xf32, #tpu.memory_space<vmem>>)
        %dma_wait3A_435 = arith.constant 0 : i32
        %dma_wait3A_436 = arith.constant 0 : i32
        %dma_wait3A_437 = arith.constant 1040 : i32
        %dma_wait3A_438 = arith.constant 0 : i32
        %dma_wait3A_439 = tpu.memref_slice %arg6[%dma_wait3A_436, %dma_wait3A_437, %dma_wait3A_438] : memref<2x1600x32xf32, #tpu.memory_space<vmem>> -> memref<1x80x32xf32, #tpu.memory_space<vmem>>
        %dma_wait3A_440 = tpu.memref_squeeze %dma_wait3A_439 : memref<1x80x32xf32, #tpu.memory_space<vmem>> -> memref<80x32xf32, #tpu.memory_space<vmem>>
        %dma_wait3A_441 = arith.constant 1040 : i32
        %dma_wait3A_442 = tpu.memref_slice %arg5[%dma_wait3A_435, %dma_wait3A_441] : memref<2x1600xi32, #tpu.memory_space<vmem>> -> memref<1x80xi32, #tpu.memory_space<vmem>>
        %dma_wait3A_443 = tpu.memref_squeeze %dma_wait3A_442 : memref<1x80xi32, #tpu.memory_space<vmem>> -> memref<80xi32, #tpu.memory_space<vmem>>
        %dma_wait3A_444 = arith.constant 0 : i32
        %dma_wait3A_445 = arith.constant 0 : i32
        %dma_wait3A_446 = tpu.memref_slice %arg2[%dma_wait3A_444, %dma_wait3A_445] : memref<1000000x32xf32, #tpu.memory_space<hbm>> -> memref<1000000x32xf32, #tpu.memory_space<hbm>>
        tpu.wait_indirect_dma semaphore(%arg8 : memref<!tpu.dma_semaphore, #tpu.memory_space<semaphore_mem>>) src(%dma_wait3A_446 : memref<1000000x32xf32, #tpu.memory_space<hbm>>) dst(%dma_wait3A_440 : memref<80x32xf32, #tpu.memory_space<vmem>>)
        %dma_wait3A_447 = arith.constant 0 : i32
        %dma_wait3A_448 = arith.constant 0 : i32
        %dma_wait3A_449 = arith.constant 1120 : i32
        %dma_wait3A_450 = arith.constant 0 : i32
        %dma_wait3A_451 = tpu.memref_slice %arg6[%dma_wait3A_448, %dma_wait3A_449, %dma_wait3A_450] : memref<2x1600x32xf32, #tpu.memory_space<vmem>> -> memref<1x80x32xf32, #tpu.memory_space<vmem>>
        %dma_wait3A_452 = tpu.memref_squeeze %dma_wait3A_451 : memref<1x80x32xf32, #tpu.memory_space<vmem>> -> memref<80x32xf32, #tpu.memory_space<vmem>>
        %dma_wait3A_453 = arith.constant 1120 : i32
        %dma_wait3A_454 = tpu.memref_slice %arg5[%dma_wait3A_447, %dma_wait3A_453] : memref<2x1600xi32, #tpu.memory_space<vmem>> -> memref<1x80xi32, #tpu.memory_space<vmem>>
        %dma_wait3A_455 = tpu.memref_squeeze %dma_wait3A_454 : memref<1x80xi32, #tpu.memory_space<vmem>> -> memref<80xi32, #tpu.memory_space<vmem>>
        %dma_wait3A_456 = arith.constant 0 : i32
        %dma_wait3A_457 = arith.constant 0 : i32
        %dma_wait3A_458 = tpu.memref_slice %arg2[%dma_wait3A_456, %dma_wait3A_457] : memref<1000000x32xf32, #tpu.memory_space<hbm>> -> memref<1000000x32xf32, #tpu.memory_space<hbm>>
        tpu.wait_indirect_dma semaphore(%arg8 : memref<!tpu.dma_semaphore, #tpu.memory_space<semaphore_mem>>) src(%dma_wait3A_458 : memref<1000000x32xf32, #tpu.memory_space<hbm>>) dst(%dma_wait3A_452 : memref<80x32xf32, #tpu.memory_space<vmem>>)
        %dma_wait3A_459 = arith.constant 0 : i32
        %dma_wait3A_460 = arith.constant 0 : i32
        %dma_wait3A_461 = arith.constant 1200 : i32
        %dma_wait3A_462 = arith.constant 0 : i32
        %dma_wait3A_463 = tpu.memref_slice %arg6[%dma_wait3A_460, %dma_wait3A_461, %dma_wait3A_462] : memref<2x1600x32xf32, #tpu.memory_space<vmem>> -> memref<1x80x32xf32, #tpu.memory_space<vmem>>
        %dma_wait3A_464 = tpu.memref_squeeze %dma_wait3A_463 : memref<1x80x32xf32, #tpu.memory_space<vmem>> -> memref<80x32xf32, #tpu.memory_space<vmem>>
        %dma_wait3A_465 = arith.constant 1200 : i32
        %dma_wait3A_466 = tpu.memref_slice %arg5[%dma_wait3A_459, %dma_wait3A_465] : memref<2x1600xi32, #tpu.memory_space<vmem>> -> memref<1x80xi32, #tpu.memory_space<vmem>>
        %dma_wait3A_467 = tpu.memref_squeeze %dma_wait3A_466 : memref<1x80xi32, #tpu.memory_space<vmem>> -> memref<80xi32, #tpu.memory_space<vmem>>
        %dma_wait3A_468 = arith.constant 0 : i32
        %dma_wait3A_469 = arith.constant 0 : i32
        %dma_wait3A_470 = tpu.memref_slice %arg2[%dma_wait3A_468, %dma_wait3A_469] : memref<1000000x32xf32, #tpu.memory_space<hbm>> -> memref<1000000x32xf32, #tpu.memory_space<hbm>>
        tpu.wait_indirect_dma semaphore(%arg8 : memref<!tpu.dma_semaphore, #tpu.memory_space<semaphore_mem>>) src(%dma_wait3A_470 : memref<1000000x32xf32, #tpu.memory_space<hbm>>) dst(%dma_wait3A_464 : memref<80x32xf32, #tpu.memory_space<vmem>>)
        %dma_wait3A_471 = arith.constant 0 : i32
        %dma_wait3A_472 = arith.constant 0 : i32
        %dma_wait3A_473 = arith.constant 1280 : i32
        %dma_wait3A_474 = arith.constant 0 : i32
        %dma_wait3A_475 = tpu.memref_slice %arg6[%dma_wait3A_472, %dma_wait3A_473, %dma_wait3A_474] : memref<2x1600x32xf32, #tpu.memory_space<vmem>> -> memref<1x80x32xf32, #tpu.memory_space<vmem>>
        %dma_wait3A_476 = tpu.memref_squeeze %dma_wait3A_475 : memref<1x80x32xf32, #tpu.memory_space<vmem>> -> memref<80x32xf32, #tpu.memory_space<vmem>>
        %dma_wait3A_477 = arith.constant 1280 : i32
        %dma_wait3A_478 = tpu.memref_slice %arg5[%dma_wait3A_471, %dma_wait3A_477] : memref<2x1600xi32, #tpu.memory_space<vmem>> -> memref<1x80xi32, #tpu.memory_space<vmem>>
        %dma_wait3A_479 = tpu.memref_squeeze %dma_wait3A_478 : memref<1x80xi32, #tpu.memory_space<vmem>> -> memref<80xi32, #tpu.memory_space<vmem>>
        %dma_wait3A_480 = arith.constant 0 : i32
        %dma_wait3A_481 = arith.constant 0 : i32
        %dma_wait3A_482 = tpu.memref_slice %arg2[%dma_wait3A_480, %dma_wait3A_481] : memref<1000000x32xf32, #tpu.memory_space<hbm>> -> memref<1000000x32xf32, #tpu.memory_space<hbm>>
        tpu.wait_indirect_dma semaphore(%arg8 : memref<!tpu.dma_semaphore, #tpu.memory_space<semaphore_mem>>) src(%dma_wait3A_482 : memref<1000000x32xf32, #tpu.memory_space<hbm>>) dst(%dma_wait3A_476 : memref<80x32xf32, #tpu.memory_space<vmem>>)
        %dma_wait3A_483 = arith.constant 0 : i32
        %dma_wait3A_484 = arith.constant 0 : i32
        %dma_wait3A_485 = arith.constant 1360 : i32
        %dma_wait3A_486 = arith.constant 0 : i32
        %dma_wait3A_487 = tpu.memref_slice %arg6[%dma_wait3A_484, %dma_wait3A_485, %dma_wait3A_486] : memref<2x1600x32xf32, #tpu.memory_space<vmem>> -> memref<1x80x32xf32, #tpu.memory_space<vmem>>
        %dma_wait3A_488 = tpu.memref_squeeze %dma_wait3A_487 : memref<1x80x32xf32, #tpu.memory_space<vmem>> -> memref<80x32xf32, #tpu.memory_space<vmem>>
        %dma_wait3A_489 = arith.constant 1360 : i32
        %dma_wait3A_490 = tpu.memref_slice %arg5[%dma_wait3A_483, %dma_wait3A_489] : memref<2x1600xi32, #tpu.memory_space<vmem>> -> memref<1x80xi32, #tpu.memory_space<vmem>>
        %dma_wait3A_491 = tpu.memref_squeeze %dma_wait3A_490 : memref<1x80xi32, #tpu.memory_space<vmem>> -> memref<80xi32, #tpu.memory_space<vmem>>
        %dma_wait3A_492 = arith.constant 0 : i32
        %dma_wait3A_493 = arith.constant 0 : i32
        %dma_wait3A_494 = tpu.memref_slice %arg2[%dma_wait3A_492, %dma_wait3A_493] : memref<1000000x32xf32, #tpu.memory_space<hbm>> -> memref<1000000x32xf32, #tpu.memory_space<hbm>>
        tpu.wait_indirect_dma semaphore(%arg8 : memref<!tpu.dma_semaphore, #tpu.memory_space<semaphore_mem>>) src(%dma_wait3A_494 : memref<1000000x32xf32, #tpu.memory_space<hbm>>) dst(%dma_wait3A_488 : memref<80x32xf32, #tpu.memory_space<vmem>>)
        %dma_wait3A_495 = arith.constant 0 : i32
        %dma_wait3A_496 = arith.constant 0 : i32
        %dma_wait3A_497 = arith.constant 1440 : i32
        %dma_wait3A_498 = arith.constant 0 : i32
        %dma_wait3A_499 = tpu.memref_slice %arg6[%dma_wait3A_496, %dma_wait3A_497, %dma_wait3A_498] : memref<2x1600x32xf32, #tpu.memory_space<vmem>> -> memref<1x80x32xf32, #tpu.memory_space<vmem>>
        %dma_wait3A_500 = tpu.memref_squeeze %dma_wait3A_499 : memref<1x80x32xf32, #tpu.memory_space<vmem>> -> memref<80x32xf32, #tpu.memory_space<vmem>>
        %dma_wait3A_501 = arith.constant 1440 : i32
        %dma_wait3A_502 = tpu.memref_slice %arg5[%dma_wait3A_495, %dma_wait3A_501] : memref<2x1600xi32, #tpu.memory_space<vmem>> -> memref<1x80xi32, #tpu.memory_space<vmem>>
        %dma_wait3A_503 = tpu.memref_squeeze %dma_wait3A_502 : memref<1x80xi32, #tpu.memory_space<vmem>> -> memref<80xi32, #tpu.memory_space<vmem>>
        %dma_wait3A_504 = arith.constant 0 : i32
        %dma_wait3A_505 = arith.constant 0 : i32
        %dma_wait3A_506 = tpu.memref_slice %arg2[%dma_wait3A_504, %dma_wait3A_505] : memref<1000000x32xf32, #tpu.memory_space<hbm>> -> memref<1000000x32xf32, #tpu.memory_space<hbm>>
        tpu.wait_indirect_dma semaphore(%arg8 : memref<!tpu.dma_semaphore, #tpu.memory_space<semaphore_mem>>) src(%dma_wait3A_506 : memref<1000000x32xf32, #tpu.memory_space<hbm>>) dst(%dma_wait3A_500 : memref<80x32xf32, #tpu.memory_space<vmem>>)
        %dma_wait3A_507 = arith.constant 0 : i32
        %dma_wait3A_508 = arith.constant 0 : i32
        %dma_wait3A_509 = arith.constant 1520 : i32
        %dma_wait3A_510 = arith.constant 0 : i32
        %dma_wait3A_511 = tpu.memref_slice %arg6[%dma_wait3A_508, %dma_wait3A_509, %dma_wait3A_510] : memref<2x1600x32xf32, #tpu.memory_space<vmem>> -> memref<1x80x32xf32, #tpu.memory_space<vmem>>
        %dma_wait3A_512 = tpu.memref_squeeze %dma_wait3A_511 : memref<1x80x32xf32, #tpu.memory_space<vmem>> -> memref<80x32xf32, #tpu.memory_space<vmem>>
        %dma_wait3A_513 = arith.constant 1520 : i32
        %dma_wait3A_514 = tpu.memref_slice %arg5[%dma_wait3A_507, %dma_wait3A_513] : memref<2x1600xi32, #tpu.memory_space<vmem>> -> memref<1x80xi32, #tpu.memory_space<vmem>>
        %dma_wait3A_515 = tpu.memref_squeeze %dma_wait3A_514 : memref<1x80xi32, #tpu.memory_space<vmem>> -> memref<80xi32, #tpu.memory_space<vmem>>
        %dma_wait3A_516 = arith.constant 0 : i32
        %dma_wait3A_517 = arith.constant 0 : i32
        %dma_wait3A_518 = tpu.memref_slice %arg2[%dma_wait3A_516, %dma_wait3A_517] : memref<1000000x32xf32, #tpu.memory_space<hbm>> -> memref<1000000x32xf32, #tpu.memory_space<hbm>>
        tpu.wait_indirect_dma semaphore(%arg8 : memref<!tpu.dma_semaphore, #tpu.memory_space<semaphore_mem>>) src(%dma_wait3A_518 : memref<1000000x32xf32, #tpu.memory_space<hbm>>) dst(%dma_wait3A_512 : memref<80x32xf32, #tpu.memory_space<vmem>>)
      } else {
      }
      %eq3A_264 = arith.constant 1 : i32
      %eq3A_265 = arith.cmpi eq, %rem3A_251, %eq3A_264 : i32
      %convert_element_type3A_266 = arith.extui %eq3A_265 : i1 to i32
      %cond3A_267 = arith.constant 0 : i32
      %cond3A_268 = arith.cmpi ne, %convert_element_type3A_266, %cond3A_267 : i32
      scf.if %cond3A_268 {
        %dma_wait3A = arith.constant 1 : i32
        %dma_wait3A_280 = arith.constant 1 : i32
        %dma_wait3A_281 = arith.constant 0 : i32
        %dma_wait3A_282 = arith.constant 0 : i32
        %dma_wait3A_283 = tpu.memref_slice %arg6[%dma_wait3A_280, %dma_wait3A_281, %dma_wait3A_282] : memref<2x1600x32xf32, #tpu.memory_space<vmem>> -> memref<1x80x32xf32, #tpu.memory_space<vmem>>
        %dma_wait3A_284 = tpu.memref_squeeze %dma_wait3A_283 : memref<1x80x32xf32, #tpu.memory_space<vmem>> -> memref<80x32xf32, #tpu.memory_space<vmem>>
        %dma_wait3A_285 = arith.constant 0 : i32
        %dma_wait3A_286 = tpu.memref_slice %arg5[%dma_wait3A, %dma_wait3A_285] : memref<2x1600xi32, #tpu.memory_space<vmem>> -> memref<1x80xi32, #tpu.memory_space<vmem>>
        %dma_wait3A_287 = tpu.memref_squeeze %dma_wait3A_286 : memref<1x80xi32, #tpu.memory_space<vmem>> -> memref<80xi32, #tpu.memory_space<vmem>>
        %dma_wait3A_288 = arith.constant 0 : i32
        %dma_wait3A_289 = arith.constant 0 : i32
        %dma_wait3A_290 = tpu.memref_slice %arg2[%dma_wait3A_288, %dma_wait3A_289] : memref<1000000x32xf32, #tpu.memory_space<hbm>> -> memref<1000000x32xf32, #tpu.memory_space<hbm>>
        tpu.wait_indirect_dma semaphore(%arg9 : memref<!tpu.dma_semaphore, #tpu.memory_space<semaphore_mem>>) src(%dma_wait3A_290 : memref<1000000x32xf32, #tpu.memory_space<hbm>>) dst(%dma_wait3A_284 : memref<80x32xf32, #tpu.memory_space<vmem>>)
        %dma_wait3A_291 = arith.constant 1 : i32
        %dma_wait3A_292 = arith.constant 1 : i32
        %dma_wait3A_293 = arith.constant 80 : i32
        %dma_wait3A_294 = arith.constant 0 : i32
        %dma_wait3A_295 = tpu.memref_slice %arg6[%dma_wait3A_292, %dma_wait3A_293, %dma_wait3A_294] : memref<2x1600x32xf32, #tpu.memory_space<vmem>> -> memref<1x80x32xf32, #tpu.memory_space<vmem>>
        %dma_wait3A_296 = tpu.memref_squeeze %dma_wait3A_295 : memref<1x80x32xf32, #tpu.memory_space<vmem>> -> memref<80x32xf32, #tpu.memory_space<vmem>>
        %dma_wait3A_297 = arith.constant 80 : i32
        %dma_wait3A_298 = tpu.memref_slice %arg5[%dma_wait3A_291, %dma_wait3A_297] : memref<2x1600xi32, #tpu.memory_space<vmem>> -> memref<1x80xi32, #tpu.memory_space<vmem>>
        %dma_wait3A_299 = tpu.memref_squeeze %dma_wait3A_298 : memref<1x80xi32, #tpu.memory_space<vmem>> -> memref<80xi32, #tpu.memory_space<vmem>>
        %dma_wait3A_300 = arith.constant 0 : i32
        %dma_wait3A_301 = arith.constant 0 : i32
        %dma_wait3A_302 = tpu.memref_slice %arg2[%dma_wait3A_300, %dma_wait3A_301] : memref<1000000x32xf32, #tpu.memory_space<hbm>> -> memref<1000000x32xf32, #tpu.memory_space<hbm>>
        tpu.wait_indirect_dma semaphore(%arg9 : memref<!tpu.dma_semaphore, #tpu.memory_space<semaphore_mem>>) src(%dma_wait3A_302 : memref<1000000x32xf32, #tpu.memory_space<hbm>>) dst(%dma_wait3A_296 : memref<80x32xf32, #tpu.memory_space<vmem>>)
        %dma_wait3A_303 = arith.constant 1 : i32
        %dma_wait3A_304 = arith.constant 1 : i32
        %dma_wait3A_305 = arith.constant 160 : i32
        %dma_wait3A_306 = arith.constant 0 : i32
        %dma_wait3A_307 = tpu.memref_slice %arg6[%dma_wait3A_304, %dma_wait3A_305, %dma_wait3A_306] : memref<2x1600x32xf32, #tpu.memory_space<vmem>> -> memref<1x80x32xf32, #tpu.memory_space<vmem>>
        %dma_wait3A_308 = tpu.memref_squeeze %dma_wait3A_307 : memref<1x80x32xf32, #tpu.memory_space<vmem>> -> memref<80x32xf32, #tpu.memory_space<vmem>>
        %dma_wait3A_309 = arith.constant 160 : i32
        %dma_wait3A_310 = tpu.memref_slice %arg5[%dma_wait3A_303, %dma_wait3A_309] : memref<2x1600xi32, #tpu.memory_space<vmem>> -> memref<1x80xi32, #tpu.memory_space<vmem>>
        %dma_wait3A_311 = tpu.memref_squeeze %dma_wait3A_310 : memref<1x80xi32, #tpu.memory_space<vmem>> -> memref<80xi32, #tpu.memory_space<vmem>>
        %dma_wait3A_312 = arith.constant 0 : i32
        %dma_wait3A_313 = arith.constant 0 : i32
        %dma_wait3A_314 = tpu.memref_slice %arg2[%dma_wait3A_312, %dma_wait3A_313] : memref<1000000x32xf32, #tpu.memory_space<hbm>> -> memref<1000000x32xf32, #tpu.memory_space<hbm>>
        tpu.wait_indirect_dma semaphore(%arg9 : memref<!tpu.dma_semaphore, #tpu.memory_space<semaphore_mem>>) src(%dma_wait3A_314 : memref<1000000x32xf32, #tpu.memory_space<hbm>>) dst(%dma_wait3A_308 : memref<80x32xf32, #tpu.memory_space<vmem>>)
        %dma_wait3A_315 = arith.constant 1 : i32
        %dma_wait3A_316 = arith.constant 1 : i32
        %dma_wait3A_317 = arith.constant 240 : i32
        %dma_wait3A_318 = arith.constant 0 : i32
        %dma_wait3A_319 = tpu.memref_slice %arg6[%dma_wait3A_316, %dma_wait3A_317, %dma_wait3A_318] : memref<2x1600x32xf32, #tpu.memory_space<vmem>> -> memref<1x80x32xf32, #tpu.memory_space<vmem>>
        %dma_wait3A_320 = tpu.memref_squeeze %dma_wait3A_319 : memref<1x80x32xf32, #tpu.memory_space<vmem>> -> memref<80x32xf32, #tpu.memory_space<vmem>>
        %dma_wait3A_321 = arith.constant 240 : i32
        %dma_wait3A_322 = tpu.memref_slice %arg5[%dma_wait3A_315, %dma_wait3A_321] : memref<2x1600xi32, #tpu.memory_space<vmem>> -> memref<1x80xi32, #tpu.memory_space<vmem>>
        %dma_wait3A_323 = tpu.memref_squeeze %dma_wait3A_322 : memref<1x80xi32, #tpu.memory_space<vmem>> -> memref<80xi32, #tpu.memory_space<vmem>>
        %dma_wait3A_324 = arith.constant 0 : i32
        %dma_wait3A_325 = arith.constant 0 : i32
        %dma_wait3A_326 = tpu.memref_slice %arg2[%dma_wait3A_324, %dma_wait3A_325] : memref<1000000x32xf32, #tpu.memory_space<hbm>> -> memref<1000000x32xf32, #tpu.memory_space<hbm>>
        tpu.wait_indirect_dma semaphore(%arg9 : memref<!tpu.dma_semaphore, #tpu.memory_space<semaphore_mem>>) src(%dma_wait3A_326 : memref<1000000x32xf32, #tpu.memory_space<hbm>>) dst(%dma_wait3A_320 : memref<80x32xf32, #tpu.memory_space<vmem>>)
        %dma_wait3A_327 = arith.constant 1 : i32
        %dma_wait3A_328 = arith.constant 1 : i32
        %dma_wait3A_329 = arith.constant 320 : i32
        %dma_wait3A_330 = arith.constant 0 : i32
        %dma_wait3A_331 = tpu.memref_slice %arg6[%dma_wait3A_328, %dma_wait3A_329, %dma_wait3A_330] : memref<2x1600x32xf32, #tpu.memory_space<vmem>> -> memref<1x80x32xf32, #tpu.memory_space<vmem>>
        %dma_wait3A_332 = tpu.memref_squeeze %dma_wait3A_331 : memref<1x80x32xf32, #tpu.memory_space<vmem>> -> memref<80x32xf32, #tpu.memory_space<vmem>>
        %dma_wait3A_333 = arith.constant 320 : i32
        %dma_wait3A_334 = tpu.memref_slice %arg5[%dma_wait3A_327, %dma_wait3A_333] : memref<2x1600xi32, #tpu.memory_space<vmem>> -> memref<1x80xi32, #tpu.memory_space<vmem>>
        %dma_wait3A_335 = tpu.memref_squeeze %dma_wait3A_334 : memref<1x80xi32, #tpu.memory_space<vmem>> -> memref<80xi32, #tpu.memory_space<vmem>>
        %dma_wait3A_336 = arith.constant 0 : i32
        %dma_wait3A_337 = arith.constant 0 : i32
        %dma_wait3A_338 = tpu.memref_slice %arg2[%dma_wait3A_336, %dma_wait3A_337] : memref<1000000x32xf32, #tpu.memory_space<hbm>> -> memref<1000000x32xf32, #tpu.memory_space<hbm>>
        tpu.wait_indirect_dma semaphore(%arg9 : memref<!tpu.dma_semaphore, #tpu.memory_space<semaphore_mem>>) src(%dma_wait3A_338 : memref<1000000x32xf32, #tpu.memory_space<hbm>>) dst(%dma_wait3A_332 : memref<80x32xf32, #tpu.memory_space<vmem>>)
        %dma_wait3A_339 = arith.constant 1 : i32
        %dma_wait3A_340 = arith.constant 1 : i32
        %dma_wait3A_341 = arith.constant 400 : i32
        %dma_wait3A_342 = arith.constant 0 : i32
        %dma_wait3A_343 = tpu.memref_slice %arg6[%dma_wait3A_340, %dma_wait3A_341, %dma_wait3A_342] : memref<2x1600x32xf32, #tpu.memory_space<vmem>> -> memref<1x80x32xf32, #tpu.memory_space<vmem>>
        %dma_wait3A_344 = tpu.memref_squeeze %dma_wait3A_343 : memref<1x80x32xf32, #tpu.memory_space<vmem>> -> memref<80x32xf32, #tpu.memory_space<vmem>>
        %dma_wait3A_345 = arith.constant 400 : i32
        %dma_wait3A_346 = tpu.memref_slice %arg5[%dma_wait3A_339, %dma_wait3A_345] : memref<2x1600xi32, #tpu.memory_space<vmem>> -> memref<1x80xi32, #tpu.memory_space<vmem>>
        %dma_wait3A_347 = tpu.memref_squeeze %dma_wait3A_346 : memref<1x80xi32, #tpu.memory_space<vmem>> -> memref<80xi32, #tpu.memory_space<vmem>>
        %dma_wait3A_348 = arith.constant 0 : i32
        %dma_wait3A_349 = arith.constant 0 : i32
        %dma_wait3A_350 = tpu.memref_slice %arg2[%dma_wait3A_348, %dma_wait3A_349] : memref<1000000x32xf32, #tpu.memory_space<hbm>> -> memref<1000000x32xf32, #tpu.memory_space<hbm>>
        tpu.wait_indirect_dma semaphore(%arg9 : memref<!tpu.dma_semaphore, #tpu.memory_space<semaphore_mem>>) src(%dma_wait3A_350 : memref<1000000x32xf32, #tpu.memory_space<hbm>>) dst(%dma_wait3A_344 : memref<80x32xf32, #tpu.memory_space<vmem>>)
        %dma_wait3A_351 = arith.constant 1 : i32
        %dma_wait3A_352 = arith.constant 1 : i32
        %dma_wait3A_353 = arith.constant 480 : i32
        %dma_wait3A_354 = arith.constant 0 : i32
        %dma_wait3A_355 = tpu.memref_slice %arg6[%dma_wait3A_352, %dma_wait3A_353, %dma_wait3A_354] : memref<2x1600x32xf32, #tpu.memory_space<vmem>> -> memref<1x80x32xf32, #tpu.memory_space<vmem>>
        %dma_wait3A_356 = tpu.memref_squeeze %dma_wait3A_355 : memref<1x80x32xf32, #tpu.memory_space<vmem>> -> memref<80x32xf32, #tpu.memory_space<vmem>>
        %dma_wait3A_357 = arith.constant 480 : i32
        %dma_wait3A_358 = tpu.memref_slice %arg5[%dma_wait3A_351, %dma_wait3A_357] : memref<2x1600xi32, #tpu.memory_space<vmem>> -> memref<1x80xi32, #tpu.memory_space<vmem>>
        %dma_wait3A_359 = tpu.memref_squeeze %dma_wait3A_358 : memref<1x80xi32, #tpu.memory_space<vmem>> -> memref<80xi32, #tpu.memory_space<vmem>>
        %dma_wait3A_360 = arith.constant 0 : i32
        %dma_wait3A_361 = arith.constant 0 : i32
        %dma_wait3A_362 = tpu.memref_slice %arg2[%dma_wait3A_360, %dma_wait3A_361] : memref<1000000x32xf32, #tpu.memory_space<hbm>> -> memref<1000000x32xf32, #tpu.memory_space<hbm>>
        tpu.wait_indirect_dma semaphore(%arg9 : memref<!tpu.dma_semaphore, #tpu.memory_space<semaphore_mem>>) src(%dma_wait3A_362 : memref<1000000x32xf32, #tpu.memory_space<hbm>>) dst(%dma_wait3A_356 : memref<80x32xf32, #tpu.memory_space<vmem>>)
        %dma_wait3A_363 = arith.constant 1 : i32
        %dma_wait3A_364 = arith.constant 1 : i32
        %dma_wait3A_365 = arith.constant 560 : i32
        %dma_wait3A_366 = arith.constant 0 : i32
        %dma_wait3A_367 = tpu.memref_slice %arg6[%dma_wait3A_364, %dma_wait3A_365, %dma_wait3A_366] : memref<2x1600x32xf32, #tpu.memory_space<vmem>> -> memref<1x80x32xf32, #tpu.memory_space<vmem>>
        %dma_wait3A_368 = tpu.memref_squeeze %dma_wait3A_367 : memref<1x80x32xf32, #tpu.memory_space<vmem>> -> memref<80x32xf32, #tpu.memory_space<vmem>>
        %dma_wait3A_369 = arith.constant 560 : i32
        %dma_wait3A_370 = tpu.memref_slice %arg5[%dma_wait3A_363, %dma_wait3A_369] : memref<2x1600xi32, #tpu.memory_space<vmem>> -> memref<1x80xi32, #tpu.memory_space<vmem>>
        %dma_wait3A_371 = tpu.memref_squeeze %dma_wait3A_370 : memref<1x80xi32, #tpu.memory_space<vmem>> -> memref<80xi32, #tpu.memory_space<vmem>>
        %dma_wait3A_372 = arith.constant 0 : i32
        %dma_wait3A_373 = arith.constant 0 : i32
        %dma_wait3A_374 = tpu.memref_slice %arg2[%dma_wait3A_372, %dma_wait3A_373] : memref<1000000x32xf32, #tpu.memory_space<hbm>> -> memref<1000000x32xf32, #tpu.memory_space<hbm>>
        tpu.wait_indirect_dma semaphore(%arg9 : memref<!tpu.dma_semaphore, #tpu.memory_space<semaphore_mem>>) src(%dma_wait3A_374 : memref<1000000x32xf32, #tpu.memory_space<hbm>>) dst(%dma_wait3A_368 : memref<80x32xf32, #tpu.memory_space<vmem>>)
        %dma_wait3A_375 = arith.constant 1 : i32
        %dma_wait3A_376 = arith.constant 1 : i32
        %dma_wait3A_377 = arith.constant 640 : i32
        %dma_wait3A_378 = arith.constant 0 : i32
        %dma_wait3A_379 = tpu.memref_slice %arg6[%dma_wait3A_376, %dma_wait3A_377, %dma_wait3A_378] : memref<2x1600x32xf32, #tpu.memory_space<vmem>> -> memref<1x80x32xf32, #tpu.memory_space<vmem>>
        %dma_wait3A_380 = tpu.memref_squeeze %dma_wait3A_379 : memref<1x80x32xf32, #tpu.memory_space<vmem>> -> memref<80x32xf32, #tpu.memory_space<vmem>>
        %dma_wait3A_381 = arith.constant 640 : i32
        %dma_wait3A_382 = tpu.memref_slice %arg5[%dma_wait3A_375, %dma_wait3A_381] : memref<2x1600xi32, #tpu.memory_space<vmem>> -> memref<1x80xi32, #tpu.memory_space<vmem>>
        %dma_wait3A_383 = tpu.memref_squeeze %dma_wait3A_382 : memref<1x80xi32, #tpu.memory_space<vmem>> -> memref<80xi32, #tpu.memory_space<vmem>>
        %dma_wait3A_384 = arith.constant 0 : i32
        %dma_wait3A_385 = arith.constant 0 : i32
        %dma_wait3A_386 = tpu.memref_slice %arg2[%dma_wait3A_384, %dma_wait3A_385] : memref<1000000x32xf32, #tpu.memory_space<hbm>> -> memref<1000000x32xf32, #tpu.memory_space<hbm>>
        tpu.wait_indirect_dma semaphore(%arg9 : memref<!tpu.dma_semaphore, #tpu.memory_space<semaphore_mem>>) src(%dma_wait3A_386 : memref<1000000x32xf32, #tpu.memory_space<hbm>>) dst(%dma_wait3A_380 : memref<80x32xf32, #tpu.memory_space<vmem>>)
        %dma_wait3A_387 = arith.constant 1 : i32
        %dma_wait3A_388 = arith.constant 1 : i32
        %dma_wait3A_389 = arith.constant 720 : i32
        %dma_wait3A_390 = arith.constant 0 : i32
        %dma_wait3A_391 = tpu.memref_slice %arg6[%dma_wait3A_388, %dma_wait3A_389, %dma_wait3A_390] : memref<2x1600x32xf32, #tpu.memory_space<vmem>> -> memref<1x80x32xf32, #tpu.memory_space<vmem>>
        %dma_wait3A_392 = tpu.memref_squeeze %dma_wait3A_391 : memref<1x80x32xf32, #tpu.memory_space<vmem>> -> memref<80x32xf32, #tpu.memory_space<vmem>>
        %dma_wait3A_393 = arith.constant 720 : i32
        %dma_wait3A_394 = tpu.memref_slice %arg5[%dma_wait3A_387, %dma_wait3A_393] : memref<2x1600xi32, #tpu.memory_space<vmem>> -> memref<1x80xi32, #tpu.memory_space<vmem>>
        %dma_wait3A_395 = tpu.memref_squeeze %dma_wait3A_394 : memref<1x80xi32, #tpu.memory_space<vmem>> -> memref<80xi32, #tpu.memory_space<vmem>>
        %dma_wait3A_396 = arith.constant 0 : i32
        %dma_wait3A_397 = arith.constant 0 : i32
        %dma_wait3A_398 = tpu.memref_slice %arg2[%dma_wait3A_396, %dma_wait3A_397] : memref<1000000x32xf32, #tpu.memory_space<hbm>> -> memref<1000000x32xf32, #tpu.memory_space<hbm>>
        tpu.wait_indirect_dma semaphore(%arg9 : memref<!tpu.dma_semaphore, #tpu.memory_space<semaphore_mem>>) src(%dma_wait3A_398 : memref<1000000x32xf32, #tpu.memory_space<hbm>>) dst(%dma_wait3A_392 : memref<80x32xf32, #tpu.memory_space<vmem>>)
        %dma_wait3A_399 = arith.constant 1 : i32
        %dma_wait3A_400 = arith.constant 1 : i32
        %dma_wait3A_401 = arith.constant 800 : i32
        %dma_wait3A_402 = arith.constant 0 : i32
        %dma_wait3A_403 = tpu.memref_slice %arg6[%dma_wait3A_400, %dma_wait3A_401, %dma_wait3A_402] : memref<2x1600x32xf32, #tpu.memory_space<vmem>> -> memref<1x80x32xf32, #tpu.memory_space<vmem>>
        %dma_wait3A_404 = tpu.memref_squeeze %dma_wait3A_403 : memref<1x80x32xf32, #tpu.memory_space<vmem>> -> memref<80x32xf32, #tpu.memory_space<vmem>>
        %dma_wait3A_405 = arith.constant 800 : i32
        %dma_wait3A_406 = tpu.memref_slice %arg5[%dma_wait3A_399, %dma_wait3A_405] : memref<2x1600xi32, #tpu.memory_space<vmem>> -> memref<1x80xi32, #tpu.memory_space<vmem>>
        %dma_wait3A_407 = tpu.memref_squeeze %dma_wait3A_406 : memref<1x80xi32, #tpu.memory_space<vmem>> -> memref<80xi32, #tpu.memory_space<vmem>>
        %dma_wait3A_408 = arith.constant 0 : i32
        %dma_wait3A_409 = arith.constant 0 : i32
        %dma_wait3A_410 = tpu.memref_slice %arg2[%dma_wait3A_408, %dma_wait3A_409] : memref<1000000x32xf32, #tpu.memory_space<hbm>> -> memref<1000000x32xf32, #tpu.memory_space<hbm>>
        tpu.wait_indirect_dma semaphore(%arg9 : memref<!tpu.dma_semaphore, #tpu.memory_space<semaphore_mem>>) src(%dma_wait3A_410 : memref<1000000x32xf32, #tpu.memory_space<hbm>>) dst(%dma_wait3A_404 : memref<80x32xf32, #tpu.memory_space<vmem>>)
        %dma_wait3A_411 = arith.constant 1 : i32
        %dma_wait3A_412 = arith.constant 1 : i32
        %dma_wait3A_413 = arith.constant 880 : i32
        %dma_wait3A_414 = arith.constant 0 : i32
        %dma_wait3A_415 = tpu.memref_slice %arg6[%dma_wait3A_412, %dma_wait3A_413, %dma_wait3A_414] : memref<2x1600x32xf32, #tpu.memory_space<vmem>> -> memref<1x80x32xf32, #tpu.memory_space<vmem>>
        %dma_wait3A_416 = tpu.memref_squeeze %dma_wait3A_415 : memref<1x80x32xf32, #tpu.memory_space<vmem>> -> memref<80x32xf32, #tpu.memory_space<vmem>>
        %dma_wait3A_417 = arith.constant 880 : i32
        %dma_wait3A_418 = tpu.memref_slice %arg5[%dma_wait3A_411, %dma_wait3A_417] : memref<2x1600xi32, #tpu.memory_space<vmem>> -> memref<1x80xi32, #tpu.memory_space<vmem>>
        %dma_wait3A_419 = tpu.memref_squeeze %dma_wait3A_418 : memref<1x80xi32, #tpu.memory_space<vmem>> -> memref<80xi32, #tpu.memory_space<vmem>>
        %dma_wait3A_420 = arith.constant 0 : i32
        %dma_wait3A_421 = arith.constant 0 : i32
        %dma_wait3A_422 = tpu.memref_slice %arg2[%dma_wait3A_420, %dma_wait3A_421] : memref<1000000x32xf32, #tpu.memory_space<hbm>> -> memref<1000000x32xf32, #tpu.memory_space<hbm>>
        tpu.wait_indirect_dma semaphore(%arg9 : memref<!tpu.dma_semaphore, #tpu.memory_space<semaphore_mem>>) src(%dma_wait3A_422 : memref<1000000x32xf32, #tpu.memory_space<hbm>>) dst(%dma_wait3A_416 : memref<80x32xf32, #tpu.memory_space<vmem>>)
        %dma_wait3A_423 = arith.constant 1 : i32
        %dma_wait3A_424 = arith.constant 1 : i32
        %dma_wait3A_425 = arith.constant 960 : i32
        %dma_wait3A_426 = arith.constant 0 : i32
        %dma_wait3A_427 = tpu.memref_slice %arg6[%dma_wait3A_424, %dma_wait3A_425, %dma_wait3A_426] : memref<2x1600x32xf32, #tpu.memory_space<vmem>> -> memref<1x80x32xf32, #tpu.memory_space<vmem>>
        %dma_wait3A_428 = tpu.memref_squeeze %dma_wait3A_427 : memref<1x80x32xf32, #tpu.memory_space<vmem>> -> memref<80x32xf32, #tpu.memory_space<vmem>>
        %dma_wait3A_429 = arith.constant 960 : i32
        %dma_wait3A_430 = tpu.memref_slice %arg5[%dma_wait3A_423, %dma_wait3A_429] : memref<2x1600xi32, #tpu.memory_space<vmem>> -> memref<1x80xi32, #tpu.memory_space<vmem>>
        %dma_wait3A_431 = tpu.memref_squeeze %dma_wait3A_430 : memref<1x80xi32, #tpu.memory_space<vmem>> -> memref<80xi32, #tpu.memory_space<vmem>>
        %dma_wait3A_432 = arith.constant 0 : i32
        %dma_wait3A_433 = arith.constant 0 : i32
        %dma_wait3A_434 = tpu.memref_slice %arg2[%dma_wait3A_432, %dma_wait3A_433] : memref<1000000x32xf32, #tpu.memory_space<hbm>> -> memref<1000000x32xf32, #tpu.memory_space<hbm>>
        tpu.wait_indirect_dma semaphore(%arg9 : memref<!tpu.dma_semaphore, #tpu.memory_space<semaphore_mem>>) src(%dma_wait3A_434 : memref<1000000x32xf32, #tpu.memory_space<hbm>>) dst(%dma_wait3A_428 : memref<80x32xf32, #tpu.memory_space<vmem>>)
        %dma_wait3A_435 = arith.constant 1 : i32
        %dma_wait3A_436 = arith.constant 1 : i32
        %dma_wait3A_437 = arith.constant 1040 : i32
        %dma_wait3A_438 = arith.constant 0 : i32
        %dma_wait3A_439 = tpu.memref_slice %arg6[%dma_wait3A_436, %dma_wait3A_437, %dma_wait3A_438] : memref<2x1600x32xf32, #tpu.memory_space<vmem>> -> memref<1x80x32xf32, #tpu.memory_space<vmem>>
        %dma_wait3A_440 = tpu.memref_squeeze %dma_wait3A_439 : memref<1x80x32xf32, #tpu.memory_space<vmem>> -> memref<80x32xf32, #tpu.memory_space<vmem>>
        %dma_wait3A_441 = arith.constant 1040 : i32
        %dma_wait3A_442 = tpu.memref_slice %arg5[%dma_wait3A_435, %dma_wait3A_441] : memref<2x1600xi32, #tpu.memory_space<vmem>> -> memref<1x80xi32, #tpu.memory_space<vmem>>
        %dma_wait3A_443 = tpu.memref_squeeze %dma_wait3A_442 : memref<1x80xi32, #tpu.memory_space<vmem>> -> memref<80xi32, #tpu.memory_space<vmem>>
        %dma_wait3A_444 = arith.constant 0 : i32
        %dma_wait3A_445 = arith.constant 0 : i32
        %dma_wait3A_446 = tpu.memref_slice %arg2[%dma_wait3A_444, %dma_wait3A_445] : memref<1000000x32xf32, #tpu.memory_space<hbm>> -> memref<1000000x32xf32, #tpu.memory_space<hbm>>
        tpu.wait_indirect_dma semaphore(%arg9 : memref<!tpu.dma_semaphore, #tpu.memory_space<semaphore_mem>>) src(%dma_wait3A_446 : memref<1000000x32xf32, #tpu.memory_space<hbm>>) dst(%dma_wait3A_440 : memref<80x32xf32, #tpu.memory_space<vmem>>)
        %dma_wait3A_447 = arith.constant 1 : i32
        %dma_wait3A_448 = arith.constant 1 : i32
        %dma_wait3A_449 = arith.constant 1120 : i32
        %dma_wait3A_450 = arith.constant 0 : i32
        %dma_wait3A_451 = tpu.memref_slice %arg6[%dma_wait3A_448, %dma_wait3A_449, %dma_wait3A_450] : memref<2x1600x32xf32, #tpu.memory_space<vmem>> -> memref<1x80x32xf32, #tpu.memory_space<vmem>>
        %dma_wait3A_452 = tpu.memref_squeeze %dma_wait3A_451 : memref<1x80x32xf32, #tpu.memory_space<vmem>> -> memref<80x32xf32, #tpu.memory_space<vmem>>
        %dma_wait3A_453 = arith.constant 1120 : i32
        %dma_wait3A_454 = tpu.memref_slice %arg5[%dma_wait3A_447, %dma_wait3A_453] : memref<2x1600xi32, #tpu.memory_space<vmem>> -> memref<1x80xi32, #tpu.memory_space<vmem>>
        %dma_wait3A_455 = tpu.memref_squeeze %dma_wait3A_454 : memref<1x80xi32, #tpu.memory_space<vmem>> -> memref<80xi32, #tpu.memory_space<vmem>>
        %dma_wait3A_456 = arith.constant 0 : i32
        %dma_wait3A_457 = arith.constant 0 : i32
        %dma_wait3A_458 = tpu.memref_slice %arg2[%dma_wait3A_456, %dma_wait3A_457] : memref<1000000x32xf32, #tpu.memory_space<hbm>> -> memref<1000000x32xf32, #tpu.memory_space<hbm>>
        tpu.wait_indirect_dma semaphore(%arg9 : memref<!tpu.dma_semaphore, #tpu.memory_space<semaphore_mem>>) src(%dma_wait3A_458 : memref<1000000x32xf32, #tpu.memory_space<hbm>>) dst(%dma_wait3A_452 : memref<80x32xf32, #tpu.memory_space<vmem>>)
        %dma_wait3A_459 = arith.constant 1 : i32
        %dma_wait3A_460 = arith.constant 1 : i32
        %dma_wait3A_461 = arith.constant 1200 : i32
        %dma_wait3A_462 = arith.constant 0 : i32
        %dma_wait3A_463 = tpu.memref_slice %arg6[%dma_wait3A_460, %dma_wait3A_461, %dma_wait3A_462] : memref<2x1600x32xf32, #tpu.memory_space<vmem>> -> memref<1x80x32xf32, #tpu.memory_space<vmem>>
        %dma_wait3A_464 = tpu.memref_squeeze %dma_wait3A_463 : memref<1x80x32xf32, #tpu.memory_space<vmem>> -> memref<80x32xf32, #tpu.memory_space<vmem>>
        %dma_wait3A_465 = arith.constant 1200 : i32
        %dma_wait3A_466 = tpu.memref_slice %arg5[%dma_wait3A_459, %dma_wait3A_465] : memref<2x1600xi32, #tpu.memory_space<vmem>> -> memref<1x80xi32, #tpu.memory_space<vmem>>
        %dma_wait3A_467 = tpu.memref_squeeze %dma_wait3A_466 : memref<1x80xi32, #tpu.memory_space<vmem>> -> memref<80xi32, #tpu.memory_space<vmem>>
        %dma_wait3A_468 = arith.constant 0 : i32
        %dma_wait3A_469 = arith.constant 0 : i32
        %dma_wait3A_470 = tpu.memref_slice %arg2[%dma_wait3A_468, %dma_wait3A_469] : memref<1000000x32xf32, #tpu.memory_space<hbm>> -> memref<1000000x32xf32, #tpu.memory_space<hbm>>
        tpu.wait_indirect_dma semaphore(%arg9 : memref<!tpu.dma_semaphore, #tpu.memory_space<semaphore_mem>>) src(%dma_wait3A_470 : memref<1000000x32xf32, #tpu.memory_space<hbm>>) dst(%dma_wait3A_464 : memref<80x32xf32, #tpu.memory_space<vmem>>)
        %dma_wait3A_471 = arith.constant 1 : i32
        %dma_wait3A_472 = arith.constant 1 : i32
        %dma_wait3A_473 = arith.constant 1280 : i32
        %dma_wait3A_474 = arith.constant 0 : i32
        %dma_wait3A_475 = tpu.memref_slice %arg6[%dma_wait3A_472, %dma_wait3A_473, %dma_wait3A_474] : memref<2x1600x32xf32, #tpu.memory_space<vmem>> -> memref<1x80x32xf32, #tpu.memory_space<vmem>>
        %dma_wait3A_476 = tpu.memref_squeeze %dma_wait3A_475 : memref<1x80x32xf32, #tpu.memory_space<vmem>> -> memref<80x32xf32, #tpu.memory_space<vmem>>
        %dma_wait3A_477 = arith.constant 1280 : i32
        %dma_wait3A_478 = tpu.memref_slice %arg5[%dma_wait3A_471, %dma_wait3A_477] : memref<2x1600xi32, #tpu.memory_space<vmem>> -> memref<1x80xi32, #tpu.memory_space<vmem>>
        %dma_wait3A_479 = tpu.memref_squeeze %dma_wait3A_478 : memref<1x80xi32, #tpu.memory_space<vmem>> -> memref<80xi32, #tpu.memory_space<vmem>>
        %dma_wait3A_480 = arith.constant 0 : i32
        %dma_wait3A_481 = arith.constant 0 : i32
        %dma_wait3A_482 = tpu.memref_slice %arg2[%dma_wait3A_480, %dma_wait3A_481] : memref<1000000x32xf32, #tpu.memory_space<hbm>> -> memref<1000000x32xf32, #tpu.memory_space<hbm>>
        tpu.wait_indirect_dma semaphore(%arg9 : memref<!tpu.dma_semaphore, #tpu.memory_space<semaphore_mem>>) src(%dma_wait3A_482 : memref<1000000x32xf32, #tpu.memory_space<hbm>>) dst(%dma_wait3A_476 : memref<80x32xf32, #tpu.memory_space<vmem>>)
        %dma_wait3A_483 = arith.constant 1 : i32
        %dma_wait3A_484 = arith.constant 1 : i32
        %dma_wait3A_485 = arith.constant 1360 : i32
        %dma_wait3A_486 = arith.constant 0 : i32
        %dma_wait3A_487 = tpu.memref_slice %arg6[%dma_wait3A_484, %dma_wait3A_485, %dma_wait3A_486] : memref<2x1600x32xf32, #tpu.memory_space<vmem>> -> memref<1x80x32xf32, #tpu.memory_space<vmem>>
        %dma_wait3A_488 = tpu.memref_squeeze %dma_wait3A_487 : memref<1x80x32xf32, #tpu.memory_space<vmem>> -> memref<80x32xf32, #tpu.memory_space<vmem>>
        %dma_wait3A_489 = arith.constant 1360 : i32
        %dma_wait3A_490 = tpu.memref_slice %arg5[%dma_wait3A_483, %dma_wait3A_489] : memref<2x1600xi32, #tpu.memory_space<vmem>> -> memref<1x80xi32, #tpu.memory_space<vmem>>
        %dma_wait3A_491 = tpu.memref_squeeze %dma_wait3A_490 : memref<1x80xi32, #tpu.memory_space<vmem>> -> memref<80xi32, #tpu.memory_space<vmem>>
        %dma_wait3A_492 = arith.constant 0 : i32
        %dma_wait3A_493 = arith.constant 0 : i32
        %dma_wait3A_494 = tpu.memref_slice %arg2[%dma_wait3A_492, %dma_wait3A_493] : memref<1000000x32xf32, #tpu.memory_space<hbm>> -> memref<1000000x32xf32, #tpu.memory_space<hbm>>
        tpu.wait_indirect_dma semaphore(%arg9 : memref<!tpu.dma_semaphore, #tpu.memory_space<semaphore_mem>>) src(%dma_wait3A_494 : memref<1000000x32xf32, #tpu.memory_space<hbm>>) dst(%dma_wait3A_488 : memref<80x32xf32, #tpu.memory_space<vmem>>)
        %dma_wait3A_495 = arith.constant 1 : i32
        %dma_wait3A_496 = arith.constant 1 : i32
        %dma_wait3A_497 = arith.constant 1440 : i32
        %dma_wait3A_498 = arith.constant 0 : i32
        %dma_wait3A_499 = tpu.memref_slice %arg6[%dma_wait3A_496, %dma_wait3A_497, %dma_wait3A_498] : memref<2x1600x32xf32, #tpu.memory_space<vmem>> -> memref<1x80x32xf32, #tpu.memory_space<vmem>>
        %dma_wait3A_500 = tpu.memref_squeeze %dma_wait3A_499 : memref<1x80x32xf32, #tpu.memory_space<vmem>> -> memref<80x32xf32, #tpu.memory_space<vmem>>
        %dma_wait3A_501 = arith.constant 1440 : i32
        %dma_wait3A_502 = tpu.memref_slice %arg5[%dma_wait3A_495, %dma_wait3A_501] : memref<2x1600xi32, #tpu.memory_space<vmem>> -> memref<1x80xi32, #tpu.memory_space<vmem>>
        %dma_wait3A_503 = tpu.memref_squeeze %dma_wait3A_502 : memref<1x80xi32, #tpu.memory_space<vmem>> -> memref<80xi32, #tpu.memory_space<vmem>>
        %dma_wait3A_504 = arith.constant 0 : i32
        %dma_wait3A_505 = arith.constant 0 : i32
        %dma_wait3A_506 = tpu.memref_slice %arg2[%dma_wait3A_504, %dma_wait3A_505] : memref<1000000x32xf32, #tpu.memory_space<hbm>> -> memref<1000000x32xf32, #tpu.memory_space<hbm>>
        tpu.wait_indirect_dma semaphore(%arg9 : memref<!tpu.dma_semaphore, #tpu.memory_space<semaphore_mem>>) src(%dma_wait3A_506 : memref<1000000x32xf32, #tpu.memory_space<hbm>>) dst(%dma_wait3A_500 : memref<80x32xf32, #tpu.memory_space<vmem>>)
        %dma_wait3A_507 = arith.constant 1 : i32
        %dma_wait3A_508 = arith.constant 1 : i32
        %dma_wait3A_509 = arith.constant 1520 : i32
        %dma_wait3A_510 = arith.constant 0 : i32
        %dma_wait3A_511 = tpu.memref_slice %arg6[%dma_wait3A_508, %dma_wait3A_509, %dma_wait3A_510] : memref<2x1600x32xf32, #tpu.memory_space<vmem>> -> memref<1x80x32xf32, #tpu.memory_space<vmem>>
        %dma_wait3A_512 = tpu.memref_squeeze %dma_wait3A_511 : memref<1x80x32xf32, #tpu.memory_space<vmem>> -> memref<80x32xf32, #tpu.memory_space<vmem>>
        %dma_wait3A_513 = arith.constant 1520 : i32
        %dma_wait3A_514 = tpu.memref_slice %arg5[%dma_wait3A_507, %dma_wait3A_513] : memref<2x1600xi32, #tpu.memory_space<vmem>> -> memref<1x80xi32, #tpu.memory_space<vmem>>
        %dma_wait3A_515 = tpu.memref_squeeze %dma_wait3A_514 : memref<1x80xi32, #tpu.memory_space<vmem>> -> memref<80xi32, #tpu.memory_space<vmem>>
        %dma_wait3A_516 = arith.constant 0 : i32
        %dma_wait3A_517 = arith.constant 0 : i32
        %dma_wait3A_518 = tpu.memref_slice %arg2[%dma_wait3A_516, %dma_wait3A_517] : memref<1000000x32xf32, #tpu.memory_space<hbm>> -> memref<1000000x32xf32, #tpu.memory_space<hbm>>
        tpu.wait_indirect_dma semaphore(%arg9 : memref<!tpu.dma_semaphore, #tpu.memory_space<semaphore_mem>>) src(%dma_wait3A_518 : memref<1000000x32xf32, #tpu.memory_space<hbm>>) dst(%dma_wait3A_512 : memref<80x32xf32, #tpu.memory_space<vmem>>)
      } else {
      }
      %scan3A_269 = arith.constant 0 : i32
      %scan3A_270 = arith.constant 0 : i32
      %scan3A_271 = arith.constant 8 : i32
      %scan3A_272 = arith.addi %scan3A_270, %scan3A_271 : i32
      %scan3A_273 = arith.constant 1 : i32
      scf.for %scan3A_280 = %scan3A_270 to %scan3A_272 step %scan3A_273  : i32 {
        %mul3A_281 = arith.constant 200 : i32
        %mul3A_282 = arith.muli %scan3A_280, %mul3A_281 : i32
        %broadcast_in_dim3A = arith.constant 0.000000e+00 : f32
        %broadcast_in_dim3A_283 = vector.broadcast %broadcast_in_dim3A : f32 to vector<16xf32>
        %scan3A_284 = arith.constant 0 : i32
        %scan3A_285 = arith.constant 100 : i32
        %scan3A_286 = arith.addi %scan3A_284, %scan3A_285 : i32
        %scan3A_287 = arith.constant 4 : i32
        %scan3A_288:4 = scf.for %scan3A_305 = %scan3A_284 to %scan3A_286 step %scan3A_287 iter_args(%scan3A_306 = %broadcast_in_dim3A_283, %scan3A_307 = %broadcast_in_dim3A_283, %scan3A_308 = %broadcast_in_dim3A_283, %scan3A_309 = %broadcast_in_dim3A_283) -> (vector<16xf32>, vector<16xf32>, vector<16xf32>, vector<16xf32>)  : i32 {
          %mul3A_310 = arith.constant 2 : i32
          %mul3A_311 = arith.muli %mul3A_310, %scan3A_305 : i32
          %add3A_312 = arith.addi %mul3A_282, %mul3A_311 : i32
          %get3A = arith.index_cast %rem3A_251 : i32 to index
          %get3A_313 = arith.index_cast %add3A_312 : i32 to index
          %get3A_314 = arith.constant 0 : index
          %get3A_315 = tpu.vector_load %arg6[%get3A, %get3A_313, %get3A_314] {strides = array<i32>} : memref<2x1600x32xf32, #tpu.memory_space<vmem>>, vector<1x1x16xf32>,
          %get3A_316 = vector.shape_cast %get3A_315 : vector<1x1x16xf32> to vector<16xf32>
          %add3A_317 = arith.addf %scan3A_306, %get3A_316 : vector<16xf32>
          %get3A_318 = arith.index_cast %rem3A_251 : i32 to index
          %get3A_319 = arith.index_cast %add3A_312 : i32 to index
          %get3A_320 = arith.constant 16 : index
          %get3A_321 = tpu.vector_load %arg6[%get3A_318, %get3A_319, %get3A_320] {strides = array<i32>} : memref<2x1600x32xf32, #tpu.memory_space<vmem>>, vector<1x1x16xf32>,
          %get3A_322 = vector.shape_cast %get3A_321 : vector<1x1x16xf32> to vector<16xf32>
          %add3A_323 = arith.addf %scan3A_307, %get3A_322 : vector<16xf32>
          %add3A_324 = arith.constant 1 : i32
          %add3A_325 = arith.addi %add3A_312, %add3A_324 : i32
          %get3A_326 = arith.index_cast %rem3A_251 : i32 to index
          %get3A_327 = arith.index_cast %add3A_325 : i32 to index
          %get3A_328 = arith.constant 0 : index
          %get3A_329 = tpu.vector_load %arg6[%get3A_326, %get3A_327, %get3A_328] {strides = array<i32>} : memref<2x1600x32xf32, #tpu.memory_space<vmem>>, vector<1x1x16xf32>,
          %get3A_330 = vector.shape_cast %get3A_329 : vector<1x1x16xf32> to vector<16xf32>
          %add3A_331 = arith.addf %scan3A_308, %get3A_330 : vector<16xf32>
          %add3A_332 = arith.constant 1 : i32
          %add3A_333 = arith.addi %add3A_312, %add3A_332 : i32
          %get3A_334 = arith.index_cast %rem3A_251 : i32 to index
          %get3A_335 = arith.index_cast %add3A_333 : i32 to index
          %get3A_336 = arith.constant 16 : index
          %get3A_337 = tpu.vector_load %arg6[%get3A_334, %get3A_335, %get3A_336] {strides = array<i32>} : memref<2x1600x32xf32, #tpu.memory_space<vmem>>, vector<1x1x16xf32>,
          %get3A_338 = vector.shape_cast %get3A_337 : vector<1x1x16xf32> to vector<16xf32>
          %add3A_339 = arith.addf %scan3A_309, %get3A_338 : vector<16xf32>
          %scan3A_340 = arith.constant 1 : i32
          %scan3A_341 = arith.addi %scan3A_305, %scan3A_340 : i32
          %mul3A_342 = arith.constant 2 : i32
          %mul3A_343 = arith.muli %mul3A_342, %scan3A_341 : i32
          %add3A_344 = arith.addi %mul3A_282, %mul3A_343 : i32
          %get3A_345 = arith.index_cast %rem3A_251 : i32 to index
          %get3A_346 = arith.index_cast %add3A_344 : i32 to index
          %get3A_347 = arith.constant 0 : index
          %get3A_348 = tpu.vector_load %arg6[%get3A_345, %get3A_346, %get3A_347] {strides = array<i32>} : memref<2x1600x32xf32, #tpu.memory_space<vmem>>, vector<1x1x16xf32>,
          %get3A_349 = vector.shape_cast %get3A_348 : vector<1x1x16xf32> to vector<16xf32>
          %add3A_350 = arith.addf %add3A_317, %get3A_349 : vector<16xf32>
          %get3A_351 = arith.index_cast %rem3A_251 : i32 to index
          %get3A_352 = arith.index_cast %add3A_344 : i32 to index
          %get3A_353 = arith.constant 16 : index
          %get3A_354 = tpu.vector_load %arg6[%get3A_351, %get3A_352, %get3A_353] {strides = array<i32>} : memref<2x1600x32xf32, #tpu.memory_space<vmem>>, vector<1x1x16xf32>,
          %get3A_355 = vector.shape_cast %get3A_354 : vector<1x1x16xf32> to vector<16xf32>
          %add3A_356 = arith.addf %add3A_323, %get3A_355 : vector<16xf32>
          %add3A_357 = arith.constant 1 : i32
          %add3A_358 = arith.addi %add3A_344, %add3A_357 : i32
          %get3A_359 = arith.index_cast %rem3A_251 : i32 to index
          %get3A_360 = arith.index_cast %add3A_358 : i32 to index
          %get3A_361 = arith.constant 0 : index
          %get3A_362 = tpu.vector_load %arg6[%get3A_359, %get3A_360, %get3A_361] {strides = array<i32>} : memref<2x1600x32xf32, #tpu.memory_space<vmem>>, vector<1x1x16xf32>,
          %get3A_363 = vector.shape_cast %get3A_362 : vector<1x1x16xf32> to vector<16xf32>
          %add3A_364 = arith.addf %add3A_331, %get3A_363 : vector<16xf32>
          %add3A_365 = arith.constant 1 : i32
          %add3A_366 = arith.addi %add3A_344, %add3A_365 : i32
          %get3A_367 = arith.index_cast %rem3A_251 : i32 to index
          %get3A_368 = arith.index_cast %add3A_366 : i32 to index
          %get3A_369 = arith.constant 16 : index
          %get3A_370 = tpu.vector_load %arg6[%get3A_367, %get3A_368, %get3A_369] {strides = array<i32>} : memref<2x1600x32xf32, #tpu.memory_space<vmem>>, vector<1x1x16xf32>,
          %get3A_371 = vector.shape_cast %get3A_370 : vector<1x1x16xf32> to vector<16xf32>
          %add3A_372 = arith.addf %add3A_339, %get3A_371 : vector<16xf32>
          %scan3A_373 = arith.constant 2 : i32
          %scan3A_374 = arith.addi %scan3A_305, %scan3A_373 : i32
          %mul3A_375 = arith.constant 2 : i32
          %mul3A_376 = arith.muli %mul3A_375, %scan3A_374 : i32
          %add3A_377 = arith.addi %mul3A_282, %mul3A_376 : i32
          %get3A_378 = arith.index_cast %rem3A_251 : i32 to index
          %get3A_379 = arith.index_cast %add3A_377 : i32 to index
          %get3A_380 = arith.constant 0 : index
          %get3A_381 = tpu.vector_load %arg6[%get3A_378, %get3A_379, %get3A_380] {strides = array<i32>} : memref<2x1600x32xf32, #tpu.memory_space<vmem>>, vector<1x1x16xf32>,
          %get3A_382 = vector.shape_cast %get3A_381 : vector<1x1x16xf32> to vector<16xf32>
          %add3A_383 = arith.addf %add3A_350, %get3A_382 : vector<16xf32>
          %get3A_384 = arith.index_cast %rem3A_251 : i32 to index
          %get3A_385 = arith.index_cast %add3A_377 : i32 to index
          %get3A_386 = arith.constant 16 : index
          %get3A_387 = tpu.vector_load %arg6[%get3A_384, %get3A_385, %get3A_386] {strides = array<i32>} : memref<2x1600x32xf32, #tpu.memory_space<vmem>>, vector<1x1x16xf32>,
          %get3A_388 = vector.shape_cast %get3A_387 : vector<1x1x16xf32> to vector<16xf32>
          %add3A_389 = arith.addf %add3A_356, %get3A_388 : vector<16xf32>
          %add3A_390 = arith.constant 1 : i32
          %add3A_391 = arith.addi %add3A_377, %add3A_390 : i32
          %get3A_392 = arith.index_cast %rem3A_251 : i32 to index
          %get3A_393 = arith.index_cast %add3A_391 : i32 to index
          %get3A_394 = arith.constant 0 : index
          %get3A_395 = tpu.vector_load %arg6[%get3A_392, %get3A_393, %get3A_394] {strides = array<i32>} : memref<2x1600x32xf32, #tpu.memory_space<vmem>>, vector<1x1x16xf32>,
          %get3A_396 = vector.shape_cast %get3A_395 : vector<1x1x16xf32> to vector<16xf32>
          %add3A_397 = arith.addf %add3A_364, %get3A_396 : vector<16xf32>
          %add3A_398 = arith.constant 1 : i32
          %add3A_399 = arith.addi %add3A_377, %add3A_398 : i32
          %get3A_400 = arith.index_cast %rem3A_251 : i32 to index
          %get3A_401 = arith.index_cast %add3A_399 : i32 to index
          %get3A_402 = arith.constant 16 : index
          %get3A_403 = tpu.vector_load %arg6[%get3A_400, %get3A_401, %get3A_402] {strides = array<i32>} : memref<2x1600x32xf32, #tpu.memory_space<vmem>>, vector<1x1x16xf32>,
          %get3A_404 = vector.shape_cast %get3A_403 : vector<1x1x16xf32> to vector<16xf32>
          %add3A_405 = arith.addf %add3A_372, %get3A_404 : vector<16xf32>
          %scan3A_406 = arith.constant 3 : i32
          %scan3A_407 = arith.addi %scan3A_305, %scan3A_406 : i32
          %mul3A_408 = arith.constant 2 : i32
          %mul3A_409 = arith.muli %mul3A_408, %scan3A_407 : i32
          %add3A_410 = arith.addi %mul3A_282, %mul3A_409 : i32
          %get3A_411 = arith.index_cast %rem3A_251 : i32 to index
          %get3A_412 = arith.index_cast %add3A_410 : i32 to index
          %get3A_413 = arith.constant 0 : index
          %get3A_414 = tpu.vector_load %arg6[%get3A_411, %get3A_412, %get3A_413] {strides = array<i32>} : memref<2x1600x32xf32, #tpu.memory_space<vmem>>, vector<1x1x16xf32>,
          %get3A_415 = vector.shape_cast %get3A_414 : vector<1x1x16xf32> to vector<16xf32>
          %add3A_416 = arith.addf %add3A_383, %get3A_415 : vector<16xf32>
          %get3A_417 = arith.index_cast %rem3A_251 : i32 to index
          %get3A_418 = arith.index_cast %add3A_410 : i32 to index
          %get3A_419 = arith.constant 16 : index
          %get3A_420 = tpu.vector_load %arg6[%get3A_417, %get3A_418, %get3A_419] {strides = array<i32>} : memref<2x1600x32xf32, #tpu.memory_space<vmem>>, vector<1x1x16xf32>,
          %get3A_421 = vector.shape_cast %get3A_420 : vector<1x1x16xf32> to vector<16xf32>
          %add3A_422 = arith.addf %add3A_389, %get3A_421 : vector<16xf32>
          %add3A_423 = arith.constant 1 : i32
          %add3A_424 = arith.addi %add3A_410, %add3A_423 : i32
          %get3A_425 = arith.index_cast %rem3A_251 : i32 to index
          %get3A_426 = arith.index_cast %add3A_424 : i32 to index
          %get3A_427 = arith.constant 0 : index
          %get3A_428 = tpu.vector_load %arg6[%get3A_425, %get3A_426, %get3A_427] {strides = array<i32>} : memref<2x1600x32xf32, #tpu.memory_space<vmem>>, vector<1x1x16xf32>,
          %get3A_429 = vector.shape_cast %get3A_428 : vector<1x1x16xf32> to vector<16xf32>
          %add3A_430 = arith.addf %add3A_397, %get3A_429 : vector<16xf32>
          %add3A_431 = arith.constant 1 : i32
          %add3A_432 = arith.addi %add3A_410, %add3A_431 : i32
          %get3A_433 = arith.index_cast %rem3A_251 : i32 to index
          %get3A_434 = arith.index_cast %add3A_432 : i32 to index
          %get3A_435 = arith.constant 16 : index
          %get3A_436 = tpu.vector_load %arg6[%get3A_433, %get3A_434, %get3A_435] {strides = array<i32>} : memref<2x1600x32xf32, #tpu.memory_space<vmem>>, vector<1x1x16xf32>,
          %get3A_437 = vector.shape_cast %get3A_436 : vector<1x1x16xf32> to vector<16xf32>
          %add3A_438 = arith.addf %add3A_405, %get3A_437 : vector<16xf32>
          scf.yield %add3A_416, %add3A_422, %add3A_430, %add3A_438 : vector<16xf32>, vector<16xf32>, vector<16xf32>, vector<16xf32>
        }
        %scan3A_289 = arith.constant 100 : i32
        %add3A_290 = arith.addf %scan3A_288#0, %scan3A_288#2 : vector<16xf32>
        %mul3A_291 = vector.broadcast %scan3A_244 : f32 to vector<16xf32>
        %mul3A_292 = arith.mulf %add3A_290, %mul3A_291 : vector<16xf32>
        %swap3A = arith.index_cast %scan3A_280 : i32 to index
        %swap3A_293 = arith.constant 0 : index
        %swap3A_294 = tpu.vector_load %arg7[%swap3A, %swap3A_293] {strides = array<i32>} : memref<8x32xf32, #tpu.memory_space<vmem>>, vector<1x16xf32>,
        %swap3A_295 = vector.shape_cast %swap3A_294 : vector<1x16xf32> to vector<16xf32>
        %swap3A_296 = vector.shape_cast %mul3A_292 : vector<16xf32> to vector<1x16xf32>
        tpu.vector_store %arg7[%swap3A, %swap3A_293], %swap3A_296 {strides = array<i32>} : memref<8x32xf32, #tpu.memory_space<vmem>>, vector<1x16xf32>,
        %add3A_297 = arith.addf %scan3A_288#1, %scan3A_288#3 : vector<16xf32>
        %mul3A_298 = vector.broadcast %scan3A_244 : f32 to vector<16xf32>
        %mul3A_299 = arith.mulf %add3A_297, %mul3A_298 : vector<16xf32>
        %swap3A_300 = arith.index_cast %scan3A_280 : i32 to index
        %swap3A_301 = arith.constant 16 : index
        %swap3A_302 = tpu.vector_load %arg7[%swap3A_300, %swap3A_301] {strides = array<i32>} : memref<8x32xf32, #tpu.memory_space<vmem>>, vector<1x16xf32>,
        %swap3A_303 = vector.shape_cast %swap3A_302 : vector<1x16xf32> to vector<16xf32>
        %swap3A_304 = vector.shape_cast %mul3A_299 : vector<16xf32> to vector<1x16xf32>
        tpu.vector_store %arg7[%swap3A_300, %swap3A_301], %swap3A_304 {strides = array<i32>} : memref<8x32xf32, #tpu.memory_space<vmem>>, vector<1x16xf32>,
      }
      %scan3A_274 = arith.constant 8 : i32
      %mul3A_275 = arith.constant 512 : i32
      %mul3A_276 = arith.muli %add3A, %mul3A_275 : i32
      %mul3A_277 = arith.constant 8 : i32
      %mul3A_278 = arith.muli %scan3A_250, %mul3A_277 : i32
      %add3A_279 = arith.addi %mul3A_276, %mul3A_278 : i32
      "tpu.region"() ({
        %run_scoped3A_280 = tpu.sem_alloc : memref<!tpu.dma_semaphore, #tpu.memory_space<semaphore_mem>>
        %dma_start3A_281 = arith.constant 0 : i32
        %dma_start3A_282 = tpu.memref_slice %arg4[%add3A_279, %dma_start3A_281] : memref<16384x32xf32, #tpu.memory_space<hbm>> -> memref<8x32xf32, #tpu.memory_space<hbm>>
        %dma_start3A_283 = arith.constant 0 : i32
        %dma_start3A_284 = tpu.memref_slice %arg4[%add3A_279, %dma_start3A_283] : memref<16384x32xf32, #tpu.memory_space<hbm>> -> memref<8x32xf32, #tpu.memory_space<hbm>>
        tpu.enqueue_dma source(%arg7 : memref<8x32xf32, #tpu.memory_space<vmem>>) target(%dma_start3A_284 : memref<8x32xf32, #tpu.memory_space<hbm>>) target_semaphore(%run_scoped3A_280 : memref<!tpu.dma_semaphore, #tpu.memory_space<semaphore_mem>>)
        %dma_wait3A = arith.constant 0 : i32
        %dma_wait3A_285 = tpu.memref_slice %arg4[%add3A_279, %dma_wait3A] : memref<16384x32xf32, #tpu.memory_space<hbm>> -> memref<8x32xf32, #tpu.memory_space<hbm>>
        %dma_wait3A_286 = arith.constant 0 : i32
        %dma_wait3A_287 = tpu.memref_slice %arg4[%add3A_279, %dma_wait3A_286] : memref<16384x32xf32, #tpu.memory_space<hbm>> -> memref<8x32xf32, #tpu.memory_space<hbm>>
        tpu.wait_dma2 semaphore(%run_scoped3A_280 : memref<!tpu.dma_semaphore, #tpu.memory_space<semaphore_mem>>) src(%arg7 : memref<8x32xf32, #tpu.memory_space<vmem>>) dst(%dma_wait3A_287 : memref<8x32xf32, #tpu.memory_space<hbm>>)
        tpu.yield
      }) : () -> ()
    }
    %scan3A_249 = arith.constant 64 : i32
    return
  }
}

module attributes {stable_mosaic.version = 14 : i64} {
  func.func @_transpose_body(%arg0: i32, %arg1: memref<32x1000000xf32, #tpu.memory_space<any>>, %arg2: memref<32x64xf32, #tpu.memory_space<vmem>>, %arg3: memref<250000x128xf32, #tpu.memory_space<any>>, %arg4: memref<2x32x8192xf32, #tpu.memory_space<vmem>>, %arg5: memref<2x2048x128xf32, #tpu.memory_space<vmem>>, %arg6: memref<2x!tpu.dma_semaphore, #tpu.memory_space<semaphore_mem>>, %arg7: memref<2x!tpu.dma_semaphore, #tpu.memory_space<semaphore_mem>>) attributes {dimension_semantics = [#tpu.dimension_semantics<arbitrary>], iteration_bounds = array<i64: 123>, scalar_prefetch = 0 : i64, scratch_operands = 4 : i64, tpu.core_type = #tpu.core_type<tc>, window_params = [{}, {pipeline_mode = #tpu.pipeline_mode<synchronous>, transform_indices = @transform_1, window_bounds = array<i64: 32, 64>}, {}]} {
    %rem3A = arith.constant 2 : i32
    %rem3A_0 = arith.remsi %arg0, %rem3A : i32
    %add3A = arith.constant 1 : i32
    %add3A_1 = arith.addi %arg0, %add3A : i32
    %rem3A_2 = arith.constant 2 : i32
    %rem3A_3 = arith.remsi %add3A_1, %rem3A_2 : i32
    %eq3A = arith.constant 0 : i32
    %eq3A_4 = arith.cmpi eq, %arg0, %eq3A : i32
    %convert_element_type3A = arith.extui %eq3A_4 : i1 to i32
    %cond3A = arith.constant 0 : i32
    %cond3A_5 = arith.cmpi ne, %convert_element_type3A, %cond3A : i32
    scf.if %cond3A_5 {
      %dma_start3A = arith.constant 0 : i32
      %dma_start3A_26 = arith.constant 0 : i32
      %dma_start3A_27 = tpu.memref_slice %arg6[%dma_start3A_26] : memref<2x!tpu.dma_semaphore, #tpu.memory_space<semaphore_mem>> -> memref<1x!tpu.dma_semaphore, #tpu.memory_space<semaphore_mem>>
      %dma_start3A_28 = tpu.memref_squeeze %dma_start3A_27 : memref<1x!tpu.dma_semaphore, #tpu.memory_space<semaphore_mem>> -> memref<!tpu.dma_semaphore, #tpu.memory_space<semaphore_mem>>
      %dma_start3A_29 = arith.constant 0 : i32
      %dma_start3A_30 = arith.constant 0 : i32
      %dma_start3A_31 = tpu.memref_slice %arg4[%dma_start3A, %dma_start3A_29, %dma_start3A_30] : memref<2x32x8192xf32, #tpu.memory_space<vmem>> -> memref<1x32x8192xf32, #tpu.memory_space<vmem>>
      %dma_start3A_32 = tpu.memref_squeeze %dma_start3A_31 : memref<1x32x8192xf32, #tpu.memory_space<vmem>> -> memref<32x8192xf32, #tpu.memory_space<vmem>>
      %dma_start3A_33 = arith.constant 0 : i32
      %dma_start3A_34 = arith.constant 0 : i32
      %dma_start3A_35 = tpu.memref_slice %arg1[%dma_start3A_33, %dma_start3A_34] : memref<32x1000000xf32, #tpu.memory_space<any>> -> memref<32x8192xf32, #tpu.memory_space<any>>
      tpu.enqueue_dma source(%dma_start3A_35 : memref<32x8192xf32, #tpu.memory_space<any>>) target(%dma_start3A_32 : memref<32x8192xf32, #tpu.memory_space<vmem>>) target_semaphore(%dma_start3A_28 : memref<!tpu.dma_semaphore, #tpu.memory_space<semaphore_mem>>)
    } else {
    }
    %add3A_6 = arith.constant 1 : i32
    %add3A_7 = arith.addi %arg0, %add3A_6 : i32
    %lt3A = arith.constant 122 : i32
    %lt3A_8 = arith.cmpi slt, %add3A_7, %lt3A : i32
    %convert_element_type3A_9 = arith.extui %lt3A_8 : i1 to i32
    %cond3A_10 = arith.constant 0 : i32
    %cond3A_11 = arith.cmpi ne, %convert_element_type3A_9, %cond3A_10 : i32
    scf.if %cond3A_11 {
      %add3A_26 = arith.constant 1 : i32
      %add3A_27 = arith.addi %arg0, %add3A_26 : i32
      %mul3A = arith.constant 8192 : i32
      %mul3A_28 = arith.muli %add3A_27, %mul3A : i32
      %dma_start3A = tpu.memref_slice %arg6[%rem3A_3] : memref<2x!tpu.dma_semaphore, #tpu.memory_space<semaphore_mem>> -> memref<1x!tpu.dma_semaphore, #tpu.memory_space<semaphore_mem>>
      %dma_start3A_29 = tpu.memref_squeeze %dma_start3A : memref<1x!tpu.dma_semaphore, #tpu.memory_space<semaphore_mem>> -> memref<!tpu.dma_semaphore, #tpu.memory_space<semaphore_mem>>
      %dma_start3A_30 = arith.constant 0 : i32
      %dma_start3A_31 = arith.constant 0 : i32
      %dma_start3A_32 = tpu.memref_slice %arg4[%rem3A_3, %dma_start3A_30, %dma_start3A_31] : memref<2x32x8192xf32, #tpu.memory_space<vmem>> -> memref<1x32x8192xf32, #tpu.memory_space<vmem>>
      %dma_start3A_33 = tpu.memref_squeeze %dma_start3A_32 : memref<1x32x8192xf32, #tpu.memory_space<vmem>> -> memref<32x8192xf32, #tpu.memory_space<vmem>>
      %dma_start3A_34 = arith.constant 0 : i32
      %dma_start3A_35 = tpu.memref_slice %arg1[%dma_start3A_34, %mul3A_28] : memref<32x1000000xf32, #tpu.memory_space<any>> -> memref<32x8192xf32, #tpu.memory_space<any>>
      tpu.enqueue_dma source(%dma_start3A_35 : memref<32x8192xf32, #tpu.memory_space<any>>) target(%dma_start3A_33 : memref<32x8192xf32, #tpu.memory_space<vmem>>) target_semaphore(%dma_start3A_29 : memref<!tpu.dma_semaphore, #tpu.memory_space<semaphore_mem>>)
    } else {
    }
    %ge3A = arith.constant 2 : i32
    %ge3A_12 = arith.cmpi sge, %arg0, %ge3A : i32
    %convert_element_type3A_13 = arith.extui %ge3A_12 : i1 to i32
    %cond3A_14 = arith.constant 0 : i32
    %cond3A_15 = arith.cmpi ne, %convert_element_type3A_13, %cond3A_14 : i32
    scf.if %cond3A_15 {
      %dma_wait3A = tpu.memref_slice %arg7[%rem3A_0] : memref<2x!tpu.dma_semaphore, #tpu.memory_space<semaphore_mem>> -> memref<1x!tpu.dma_semaphore, #tpu.memory_space<semaphore_mem>>
      %dma_wait3A_26 = tpu.memref_squeeze %dma_wait3A : memref<1x!tpu.dma_semaphore, #tpu.memory_space<semaphore_mem>> -> memref<!tpu.dma_semaphore, #tpu.memory_space<semaphore_mem>>
      %dma_wait3A_27 = arith.constant 0 : i32
      %dma_wait3A_28 = arith.constant 0 : i32
      %dma_wait3A_29 = tpu.memref_slice %arg3[%dma_wait3A_27, %dma_wait3A_28] : memref<250000x128xf32, #tpu.memory_space<any>> -> memref<2048x128xf32, #tpu.memory_space<any>>
      %dma_wait3A_30 = arith.constant 0 : i32
      %dma_wait3A_31 = arith.constant 0 : i32
      %dma_wait3A_32 = tpu.memref_slice %arg5[%rem3A_0, %dma_wait3A_30, %dma_wait3A_31] : memref<2x2048x128xf32, #tpu.memory_space<vmem>> -> memref<1x2048x128xf32, #tpu.memory_space<vmem>>
      %dma_wait3A_33 = tpu.memref_squeeze %dma_wait3A_32 : memref<1x2048x128xf32, #tpu.memory_space<vmem>> -> memref<2048x128xf32, #tpu.memory_space<vmem>>
      tpu.wait_dma2 semaphore(%dma_wait3A_26 : memref<!tpu.dma_semaphore, #tpu.memory_space<semaphore_mem>>) src(%dma_wait3A_33 : memref<2048x128xf32, #tpu.memory_space<vmem>>) dst(%dma_wait3A_29 : memref<2048x128xf32, #tpu.memory_space<any>>)
    } else {
    }
    %lt3A_16 = arith.constant 122 : i32
    %lt3A_17 = arith.cmpi slt, %arg0, %lt3A_16 : i32
    %convert_element_type3A_18 = arith.extui %lt3A_17 : i1 to i32
    %cond3A_19 = arith.constant 0 : i32
    %cond3A_20 = arith.cmpi ne, %convert_element_type3A_18, %cond3A_19 : i32
    scf.if %cond3A_20 {
      %mul3A = arith.constant 8192 : i32
      %mul3A_26 = arith.muli %arg0, %mul3A : i32
      %dma_wait3A = tpu.memref_slice %arg6[%rem3A_0] : memref<2x!tpu.dma_semaphore, #tpu.memory_space<semaphore_mem>> -> memref<1x!tpu.dma_semaphore, #tpu.memory_space<semaphore_mem>>
      %dma_wait3A_27 = tpu.memref_squeeze %dma_wait3A : memref<1x!tpu.dma_semaphore, #tpu.memory_space<semaphore_mem>> -> memref<!tpu.dma_semaphore, #tpu.memory_space<semaphore_mem>>
      %dma_wait3A_28 = arith.constant 0 : i32
      %dma_wait3A_29 = arith.constant 0 : i32
      %dma_wait3A_30 = tpu.memref_slice %arg4[%rem3A_0, %dma_wait3A_28, %dma_wait3A_29] : memref<2x32x8192xf32, #tpu.memory_space<vmem>> -> memref<1x32x8192xf32, #tpu.memory_space<vmem>>
      %dma_wait3A_31 = tpu.memref_squeeze %dma_wait3A_30 : memref<1x32x8192xf32, #tpu.memory_space<vmem>> -> memref<32x8192xf32, #tpu.memory_space<vmem>>
      %dma_wait3A_32 = arith.constant 0 : i32
      %dma_wait3A_33 = tpu.memref_slice %arg1[%dma_wait3A_32, %mul3A_26] : memref<32x1000000xf32, #tpu.memory_space<any>> -> memref<32x8192xf32, #tpu.memory_space<any>>
      tpu.wait_dma2 semaphore(%dma_wait3A_27 : memref<!tpu.dma_semaphore, #tpu.memory_space<semaphore_mem>>) src(%dma_wait3A_33 : memref<32x8192xf32, #tpu.memory_space<any>>) dst(%dma_wait3A_31 : memref<32x8192xf32, #tpu.memory_space<vmem>>)
      %get3A = arith.index_cast %rem3A_0 : i32 to index
      %get3A_34 = arith.constant 0 : index
      %get3A_35 = arith.constant 0 : index
      %get3A_36 = vector.load %arg4[%get3A, %get3A_34, %get3A_35] : memref<2x32x8192xf32, #tpu.memory_space<vmem>>, vector<1x32x1024xf32>
      %get3A_37 = vector.shape_cast %get3A_36 : vector<1x32x1024xf32> to vector<32x1024xf32>
      %transpose3A = tpu.transpose %get3A_37, [1, 0] : vector<32x1024xf32> -> vector<1024x32xf32>
      %swap3A = arith.index_cast %rem3A_0 : i32 to index
      %swap3A_38 = arith.constant 0 : index
      %swap3A_39 = arith.constant 0 : index
      %swap3A_40 = vector.load %arg5[%swap3A, %swap3A_38, %swap3A_39] : memref<2x2048x128xf32, #tpu.memory_space<vmem>>, vector<1x1024x32xf32>
      %swap3A_41 = vector.shape_cast %swap3A_40 : vector<1x1024x32xf32> to vector<1024x32xf32>
      %swap3A_42 = vector.shape_cast %transpose3A : vector<1024x32xf32> to vector<1x1024x32xf32>
      tpu.vector_store %arg5[%swap3A, %swap3A_38, %swap3A_39], %swap3A_42 {strides = array<i32>} : memref<2x2048x128xf32, #tpu.memory_space<vmem>>, vector<1x1024x32xf32>,
      %get3A_43 = arith.index_cast %rem3A_0 : i32 to index
      %get3A_44 = arith.constant 0 : index
      %get3A_45 = arith.constant 1024 : index
      %get3A_46 = vector.load %arg4[%get3A_43, %get3A_44, %get3A_45] : memref<2x32x8192xf32, #tpu.memory_space<vmem>>, vector<1x32x1024xf32>
      %get3A_47 = vector.shape_cast %get3A_46 : vector<1x32x1024xf32> to vector<32x1024xf32>
      %transpose3A_48 = tpu.transpose %get3A_47, [1, 0] : vector<32x1024xf32> -> vector<1024x32xf32>
      %swap3A_49 = arith.index_cast %rem3A_0 : i32 to index
      %swap3A_50 = arith.constant 1024 : index
      %swap3A_51 = arith.constant 0 : index
      %swap3A_52 = vector.load %arg5[%swap3A_49, %swap3A_50, %swap3A_51] : memref<2x2048x128xf32, #tpu.memory_space<vmem>>, vector<1x1024x32xf32>
      %swap3A_53 = vector.shape_cast %swap3A_52 : vector<1x1024x32xf32> to vector<1024x32xf32>
      %swap3A_54 = vector.shape_cast %transpose3A_48 : vector<1024x32xf32> to vector<1x1024x32xf32>
      tpu.vector_store %arg5[%swap3A_49, %swap3A_50, %swap3A_51], %swap3A_54 {strides = array<i32>} : memref<2x2048x128xf32, #tpu.memory_space<vmem>>, vector<1x1024x32xf32>,
      %get3A_55 = arith.index_cast %rem3A_0 : i32 to index
      %get3A_56 = arith.constant 0 : index
      %get3A_57 = arith.constant 2048 : index
      %get3A_58 = vector.load %arg4[%get3A_55, %get3A_56, %get3A_57] : memref<2x32x8192xf32, #tpu.memory_space<vmem>>, vector<1x32x1024xf32>
      %get3A_59 = vector.shape_cast %get3A_58 : vector<1x32x1024xf32> to vector<32x1024xf32>
      %transpose3A_60 = tpu.transpose %get3A_59, [1, 0] : vector<32x1024xf32> -> vector<1024x32xf32>
      %swap3A_61 = arith.index_cast %rem3A_0 : i32 to index
      %swap3A_62 = arith.constant 0 : index
      %swap3A_63 = arith.constant 32 : index
      %swap3A_64 = vector.load %arg5[%swap3A_61, %swap3A_62, %swap3A_63] : memref<2x2048x128xf32, #tpu.memory_space<vmem>>, vector<1x1024x32xf32>
      %swap3A_65 = vector.shape_cast %swap3A_64 : vector<1x1024x32xf32> to vector<1024x32xf32>
      %swap3A_66 = vector.shape_cast %transpose3A_60 : vector<1024x32xf32> to vector<1x1024x32xf32>
      tpu.vector_store %arg5[%swap3A_61, %swap3A_62, %swap3A_63], %swap3A_66 {strides = array<i32>} : memref<2x2048x128xf32, #tpu.memory_space<vmem>>, vector<1x1024x32xf32>,
      %get3A_67 = arith.index_cast %rem3A_0 : i32 to index
      %get3A_68 = arith.constant 0 : index
      %get3A_69 = arith.constant 3072 : index
      %get3A_70 = vector.load %arg4[%get3A_67, %get3A_68, %get3A_69] : memref<2x32x8192xf32, #tpu.memory_space<vmem>>, vector<1x32x1024xf32>
      %get3A_71 = vector.shape_cast %get3A_70 : vector<1x32x1024xf32> to vector<32x1024xf32>
      %transpose3A_72 = tpu.transpose %get3A_71, [1, 0] : vector<32x1024xf32> -> vector<1024x32xf32>
      %swap3A_73 = arith.index_cast %rem3A_0 : i32 to index
      %swap3A_74 = arith.constant 1024 : index
      %swap3A_75 = arith.constant 32 : index
      %swap3A_76 = vector.load %arg5[%swap3A_73, %swap3A_74, %swap3A_75] : memref<2x2048x128xf32, #tpu.memory_space<vmem>>, vector<1x1024x32xf32>
      %swap3A_77 = vector.shape_cast %swap3A_76 : vector<1x1024x32xf32> to vector<1024x32xf32>
      %swap3A_78 = vector.shape_cast %transpose3A_72 : vector<1024x32xf32> to vector<1x1024x32xf32>
      tpu.vector_store %arg5[%swap3A_73, %swap3A_74, %swap3A_75], %swap3A_78 {strides = array<i32>} : memref<2x2048x128xf32, #tpu.memory_space<vmem>>, vector<1x1024x32xf32>,
      %get3A_79 = arith.index_cast %rem3A_0 : i32 to index
      %get3A_80 = arith.constant 0 : index
      %get3A_81 = arith.constant 4096 : index
      %get3A_82 = vector.load %arg4[%get3A_79, %get3A_80, %get3A_81] : memref<2x32x8192xf32, #tpu.memory_space<vmem>>, vector<1x32x1024xf32>
      %get3A_83 = vector.shape_cast %get3A_82 : vector<1x32x1024xf32> to vector<32x1024xf32>
      %transpose3A_84 = tpu.transpose %get3A_83, [1, 0] : vector<32x1024xf32> -> vector<1024x32xf32>
      %swap3A_85 = arith.index_cast %rem3A_0 : i32 to index
      %swap3A_86 = arith.constant 0 : index
      %swap3A_87 = arith.constant 64 : index
      %swap3A_88 = vector.load %arg5[%swap3A_85, %swap3A_86, %swap3A_87] : memref<2x2048x128xf32, #tpu.memory_space<vmem>>, vector<1x1024x32xf32>
      %swap3A_89 = vector.shape_cast %swap3A_88 : vector<1x1024x32xf32> to vector<1024x32xf32>
      %swap3A_90 = vector.shape_cast %transpose3A_84 : vector<1024x32xf32> to vector<1x1024x32xf32>
      tpu.vector_store %arg5[%swap3A_85, %swap3A_86, %swap3A_87], %swap3A_90 {strides = array<i32>} : memref<2x2048x128xf32, #tpu.memory_space<vmem>>, vector<1x1024x32xf32>,
      %get3A_91 = arith.index_cast %rem3A_0 : i32 to index
      %get3A_92 = arith.constant 0 : index
      %get3A_93 = arith.constant 5120 : index
      %get3A_94 = vector.load %arg4[%get3A_91, %get3A_92, %get3A_93] : memref<2x32x8192xf32, #tpu.memory_space<vmem>>, vector<1x32x1024xf32>
      %get3A_95 = vector.shape_cast %get3A_94 : vector<1x32x1024xf32> to vector<32x1024xf32>
      %transpose3A_96 = tpu.transpose %get3A_95, [1, 0] : vector<32x1024xf32> -> vector<1024x32xf32>
      %swap3A_97 = arith.index_cast %rem3A_0 : i32 to index
      %swap3A_98 = arith.constant 1024 : index
      %swap3A_99 = arith.constant 64 : index
      %swap3A_100 = vector.load %arg5[%swap3A_97, %swap3A_98, %swap3A_99] : memref<2x2048x128xf32, #tpu.memory_space<vmem>>, vector<1x1024x32xf32>
      %swap3A_101 = vector.shape_cast %swap3A_100 : vector<1x1024x32xf32> to vector<1024x32xf32>
      %swap3A_102 = vector.shape_cast %transpose3A_96 : vector<1024x32xf32> to vector<1x1024x32xf32>
      tpu.vector_store %arg5[%swap3A_97, %swap3A_98, %swap3A_99], %swap3A_102 {strides = array<i32>} : memref<2x2048x128xf32, #tpu.memory_space<vmem>>, vector<1x1024x32xf32>,
      %get3A_103 = arith.index_cast %rem3A_0 : i32 to index
      %get3A_104 = arith.constant 0 : index
      %get3A_105 = arith.constant 6144 : index
      %get3A_106 = vector.load %arg4[%get3A_103, %get3A_104, %get3A_105] : memref<2x32x8192xf32, #tpu.memory_space<vmem>>, vector<1x32x1024xf32>
      %get3A_107 = vector.shape_cast %get3A_106 : vector<1x32x1024xf32> to vector<32x1024xf32>
      %transpose3A_108 = tpu.transpose %get3A_107, [1, 0] : vector<32x1024xf32> -> vector<1024x32xf32>
      %swap3A_109 = arith.index_cast %rem3A_0 : i32 to index
      %swap3A_110 = arith.constant 0 : index
      %swap3A_111 = arith.constant 96 : index
      %swap3A_112 = vector.load %arg5[%swap3A_109, %swap3A_110, %swap3A_111] : memref<2x2048x128xf32, #tpu.memory_space<vmem>>, vector<1x1024x32xf32>
      %swap3A_113 = vector.shape_cast %swap3A_112 : vector<1x1024x32xf32> to vector<1024x32xf32>
      %swap3A_114 = vector.shape_cast %transpose3A_108 : vector<1024x32xf32> to vector<1x1024x32xf32>
      tpu.vector_store %arg5[%swap3A_109, %swap3A_110, %swap3A_111], %swap3A_114 {strides = array<i32>} : memref<2x2048x128xf32, #tpu.memory_space<vmem>>, vector<1x1024x32xf32>,
      %get3A_115 = arith.index_cast %rem3A_0 : i32 to index
      %get3A_116 = arith.constant 0 : index
      %get3A_117 = arith.constant 7168 : index
      %get3A_118 = vector.load %arg4[%get3A_115, %get3A_116, %get3A_117] : memref<2x32x8192xf32, #tpu.memory_space<vmem>>, vector<1x32x1024xf32>
      %get3A_119 = vector.shape_cast %get3A_118 : vector<1x32x1024xf32> to vector<32x1024xf32>
      %transpose3A_120 = tpu.transpose %get3A_119, [1, 0] : vector<32x1024xf32> -> vector<1024x32xf32>
      %swap3A_121 = arith.index_cast %rem3A_0 : i32 to index
      %swap3A_122 = arith.constant 1024 : index
      %swap3A_123 = arith.constant 96 : index
      %swap3A_124 = vector.load %arg5[%swap3A_121, %swap3A_122, %swap3A_123] : memref<2x2048x128xf32, #tpu.memory_space<vmem>>, vector<1x1024x32xf32>
      %swap3A_125 = vector.shape_cast %swap3A_124 : vector<1x1024x32xf32> to vector<1024x32xf32>
      %swap3A_126 = vector.shape_cast %transpose3A_120 : vector<1024x32xf32> to vector<1x1024x32xf32>
      tpu.vector_store %arg5[%swap3A_121, %swap3A_122, %swap3A_123], %swap3A_126 {strides = array<i32>} : memref<2x2048x128xf32, #tpu.memory_space<vmem>>, vector<1x1024x32xf32>,
      %mul3A_127 = arith.constant 2048 : i32
      %mul3A_128 = arith.muli %arg0, %mul3A_127 : i32
      %dma_start3A = tpu.memref_slice %arg7[%rem3A_0] : memref<2x!tpu.dma_semaphore, #tpu.memory_space<semaphore_mem>> -> memref<1x!tpu.dma_semaphore, #tpu.memory_space<semaphore_mem>>
      %dma_start3A_129 = tpu.memref_squeeze %dma_start3A : memref<1x!tpu.dma_semaphore, #tpu.memory_space<semaphore_mem>> -> memref<!tpu.dma_semaphore, #tpu.memory_space<semaphore_mem>>
      %dma_start3A_130 = arith.constant 0 : i32
      %dma_start3A_131 = tpu.memref_slice %arg3[%mul3A_128, %dma_start3A_130] : memref<250000x128xf32, #tpu.memory_space<any>> -> memref<2048x128xf32, #tpu.memory_space<any>>
      %dma_start3A_132 = arith.constant 0 : i32
      %dma_start3A_133 = arith.constant 0 : i32
      %dma_start3A_134 = tpu.memref_slice %arg5[%rem3A_0, %dma_start3A_132, %dma_start3A_133] : memref<2x2048x128xf32, #tpu.memory_space<vmem>> -> memref<1x2048x128xf32, #tpu.memory_space<vmem>>
      %dma_start3A_135 = tpu.memref_squeeze %dma_start3A_134 : memref<1x2048x128xf32, #tpu.memory_space<vmem>> -> memref<2048x128xf32, #tpu.memory_space<vmem>>
      tpu.enqueue_dma source(%dma_start3A_135 : memref<2048x128xf32, #tpu.memory_space<vmem>>) target(%dma_start3A_131 : memref<2048x128xf32, #tpu.memory_space<any>>) target_semaphore(%dma_start3A_129 : memref<!tpu.dma_semaphore, #tpu.memory_space<semaphore_mem>>)
    } else {
    }
    %eq3A_21 = arith.constant 122 : i32
    %eq3A_22 = arith.cmpi eq, %arg0, %eq3A_21 : i32
    %convert_element_type3A_23 = arith.extui %eq3A_22 : i1 to i32
    %cond3A_24 = arith.constant 0 : i32
    %cond3A_25 = arith.cmpi ne, %convert_element_type3A_23, %cond3A_24 : i32
    scf.if %cond3A_25 {
      %dma_start3A = tpu.memref_slice %arg6[%rem3A_0] : memref<2x!tpu.dma_semaphore, #tpu.memory_space<semaphore_mem>> -> memref<1x!tpu.dma_semaphore, #tpu.memory_space<semaphore_mem>>
      %dma_start3A_26 = tpu.memref_squeeze %dma_start3A : memref<1x!tpu.dma_semaphore, #tpu.memory_space<semaphore_mem>> -> memref<!tpu.dma_semaphore, #tpu.memory_space<semaphore_mem>>
      %dma_start3A_27 = arith.constant 0 : i32
      %dma_start3A_28 = arith.constant 0 : i32
      %dma_start3A_29 = tpu.memref_slice %arg4[%rem3A_0, %dma_start3A_27, %dma_start3A_28] : memref<2x32x8192xf32, #tpu.memory_space<vmem>> -> memref<1x32x512xf32, #tpu.memory_space<vmem>>
      %dma_start3A_30 = tpu.memref_squeeze %dma_start3A_29 : memref<1x32x512xf32, #tpu.memory_space<vmem>> -> memref<32x512xf32, #tpu.memory_space<vmem>>
      %dma_start3A_31 = arith.constant 0 : i32
      %dma_start3A_32 = arith.constant 999424 : i32
      %dma_start3A_33 = tpu.memref_slice %arg1[%dma_start3A_31, %dma_start3A_32] : memref<32x1000000xf32, #tpu.memory_space<any>> -> memref<32x512xf32, #tpu.memory_space<any>>
      tpu.enqueue_dma source(%dma_start3A_33 : memref<32x512xf32, #tpu.memory_space<any>>) target(%dma_start3A_30 : memref<32x512xf32, #tpu.memory_space<vmem>>) target_semaphore(%dma_start3A_26 : memref<!tpu.dma_semaphore, #tpu.memory_space<semaphore_mem>>)
      %dma_wait3A = tpu.memref_slice %arg6[%rem3A_0] : memref<2x!tpu.dma_semaphore, #tpu.memory_space<semaphore_mem>> -> memref<1x!tpu.dma_semaphore, #tpu.memory_space<semaphore_mem>>
      %dma_wait3A_34 = tpu.memref_squeeze %dma_wait3A : memref<1x!tpu.dma_semaphore, #tpu.memory_space<semaphore_mem>> -> memref<!tpu.dma_semaphore, #tpu.memory_space<semaphore_mem>>
      %dma_wait3A_35 = arith.constant 0 : i32
      %dma_wait3A_36 = arith.constant 0 : i32
      %dma_wait3A_37 = tpu.memref_slice %arg4[%rem3A_0, %dma_wait3A_35, %dma_wait3A_36] : memref<2x32x8192xf32, #tpu.memory_space<vmem>> -> memref<1x32x512xf32, #tpu.memory_space<vmem>>
      %dma_wait3A_38 = tpu.memref_squeeze %dma_wait3A_37 : memref<1x32x512xf32, #tpu.memory_space<vmem>> -> memref<32x512xf32, #tpu.memory_space<vmem>>
      %dma_wait3A_39 = arith.constant 0 : i32
      %dma_wait3A_40 = arith.constant 999424 : i32
      %dma_wait3A_41 = tpu.memref_slice %arg1[%dma_wait3A_39, %dma_wait3A_40] : memref<32x1000000xf32, #tpu.memory_space<any>> -> memref<32x512xf32, #tpu.memory_space<any>>
      tpu.wait_dma2 semaphore(%dma_wait3A_34 : memref<!tpu.dma_semaphore, #tpu.memory_space<semaphore_mem>>) src(%dma_wait3A_41 : memref<32x512xf32, #tpu.memory_space<any>>) dst(%dma_wait3A_38 : memref<32x512xf32, #tpu.memory_space<vmem>>)
      %get3A = arith.index_cast %rem3A_0 : i32 to index
      %get3A_42 = arith.constant 0 : index
      %get3A_43 = arith.constant 0 : index
      %get3A_44 = vector.load %arg4[%get3A, %get3A_42, %get3A_43] : memref<2x32x8192xf32, #tpu.memory_space<vmem>>, vector<1x32x512xf32>
      %get3A_45 = vector.shape_cast %get3A_44 : vector<1x32x512xf32> to vector<32x512xf32>
      %transpose3A = tpu.transpose %get3A_45, [1, 0] : vector<32x512xf32> -> vector<512x32xf32>
      %slice3A = vector.extract_strided_slice %transpose3A {offsets = [0, 0], sizes = [128, 32], strides = [1, 1]} : vector<512x32xf32> to vector<128x32xf32>
      %swap3A = arith.index_cast %rem3A_0 : i32 to index
      %swap3A_46 = arith.constant 0 : index
      %swap3A_47 = arith.constant 0 : index
      %swap3A_48 = vector.load %arg5[%swap3A, %swap3A_46, %swap3A_47] : memref<2x2048x128xf32, #tpu.memory_space<vmem>>, vector<1x128x32xf32>
      %swap3A_49 = vector.shape_cast %swap3A_48 : vector<1x128x32xf32> to vector<128x32xf32>
      %swap3A_50 = vector.shape_cast %slice3A : vector<128x32xf32> to vector<1x128x32xf32>
      tpu.vector_store %arg5[%swap3A, %swap3A_46, %swap3A_47], %swap3A_50 {strides = array<i32>} : memref<2x2048x128xf32, #tpu.memory_space<vmem>>, vector<1x128x32xf32>,
      %slice3A_51 = vector.extract_strided_slice %transpose3A {offsets = [128, 0], sizes = [128, 32], strides = [1, 1]} : vector<512x32xf32> to vector<128x32xf32>
      %swap3A_52 = arith.index_cast %rem3A_0 : i32 to index
      %swap3A_53 = arith.constant 0 : index
      %swap3A_54 = arith.constant 32 : index
      %swap3A_55 = vector.load %arg5[%swap3A_52, %swap3A_53, %swap3A_54] : memref<2x2048x128xf32, #tpu.memory_space<vmem>>, vector<1x128x32xf32>
      %swap3A_56 = vector.shape_cast %swap3A_55 : vector<1x128x32xf32> to vector<128x32xf32>
      %swap3A_57 = vector.shape_cast %slice3A_51 : vector<128x32xf32> to vector<1x128x32xf32>
      tpu.vector_store %arg5[%swap3A_52, %swap3A_53, %swap3A_54], %swap3A_57 {strides = array<i32>} : memref<2x2048x128xf32, #tpu.memory_space<vmem>>, vector<1x128x32xf32>,
      %slice3A_58 = vector.extract_strided_slice %transpose3A {offsets = [256, 0], sizes = [128, 32], strides = [1, 1]} : vector<512x32xf32> to vector<128x32xf32>
      %swap3A_59 = arith.index_cast %rem3A_0 : i32 to index
      %swap3A_60 = arith.constant 0 : index
      %swap3A_61 = arith.constant 64 : index
      %swap3A_62 = vector.load %arg5[%swap3A_59, %swap3A_60, %swap3A_61] : memref<2x2048x128xf32, #tpu.memory_space<vmem>>, vector<1x128x32xf32>
      %swap3A_63 = vector.shape_cast %swap3A_62 : vector<1x128x32xf32> to vector<128x32xf32>
      %swap3A_64 = vector.shape_cast %slice3A_58 : vector<128x32xf32> to vector<1x128x32xf32>
      tpu.vector_store %arg5[%swap3A_59, %swap3A_60, %swap3A_61], %swap3A_64 {strides = array<i32>} : memref<2x2048x128xf32, #tpu.memory_space<vmem>>, vector<1x128x32xf32>,
      %slice3A_65 = vector.extract_strided_slice %transpose3A {offsets = [384, 0], sizes = [128, 32], strides = [1, 1]} : vector<512x32xf32> to vector<128x32xf32>
      %swap3A_66 = arith.index_cast %rem3A_0 : i32 to index
      %swap3A_67 = arith.constant 0 : index
      %swap3A_68 = arith.constant 96 : index
      %swap3A_69 = vector.load %arg5[%swap3A_66, %swap3A_67, %swap3A_68] : memref<2x2048x128xf32, #tpu.memory_space<vmem>>, vector<1x128x32xf32>
      %swap3A_70 = vector.shape_cast %swap3A_69 : vector<1x128x32xf32> to vector<128x32xf32>
      %swap3A_71 = vector.shape_cast %slice3A_65 : vector<128x32xf32> to vector<1x128x32xf32>
      tpu.vector_store %arg5[%swap3A_66, %swap3A_67, %swap3A_68], %swap3A_71 {strides = array<i32>} : memref<2x2048x128xf32, #tpu.memory_space<vmem>>, vector<1x128x32xf32>,
      %get3A_72 = arith.constant 0 : index
      %get3A_73 = arith.constant 0 : index
      %get3A_74 = vector.load %arg2[%get3A_72, %get3A_73] : memref<32x64xf32, #tpu.memory_space<vmem>>, vector<32x64xf32>
      %transpose3A_75 = tpu.transpose %get3A_74, [1, 0] : vector<32x64xf32> -> vector<64x32xf32>
      %slice3A_76 = vector.extract_strided_slice %transpose3A_75 {offsets = [0, 0], sizes = [16, 32], strides = [1, 1]} : vector<64x32xf32> to vector<16x32xf32>
      %swap3A_77 = arith.index_cast %rem3A_0 : i32 to index
      %swap3A_78 = arith.constant 128 : index
      %swap3A_79 = arith.constant 0 : index
      %swap3A_80 = vector.load %arg5[%swap3A_77, %swap3A_78, %swap3A_79] : memref<2x2048x128xf32, #tpu.memory_space<vmem>>, vector<1x16x32xf32>
      %swap3A_81 = vector.shape_cast %swap3A_80 : vector<1x16x32xf32> to vector<16x32xf32>
      %swap3A_82 = vector.shape_cast %slice3A_76 : vector<16x32xf32> to vector<1x16x32xf32>
      tpu.vector_store %arg5[%swap3A_77, %swap3A_78, %swap3A_79], %swap3A_82 {strides = array<i32>} : memref<2x2048x128xf32, #tpu.memory_space<vmem>>, vector<1x16x32xf32>,
      %slice3A_83 = vector.extract_strided_slice %transpose3A_75 {offsets = [16, 0], sizes = [16, 32], strides = [1, 1]} : vector<64x32xf32> to vector<16x32xf32>
      %swap3A_84 = arith.index_cast %rem3A_0 : i32 to index
      %swap3A_85 = arith.constant 128 : index
      %swap3A_86 = arith.constant 32 : index
      %swap3A_87 = vector.load %arg5[%swap3A_84, %swap3A_85, %swap3A_86] : memref<2x2048x128xf32, #tpu.memory_space<vmem>>, vector<1x16x32xf32>
      %swap3A_88 = vector.shape_cast %swap3A_87 : vector<1x16x32xf32> to vector<16x32xf32>
      %swap3A_89 = vector.shape_cast %slice3A_83 : vector<16x32xf32> to vector<1x16x32xf32>
      tpu.vector_store %arg5[%swap3A_84, %swap3A_85, %swap3A_86], %swap3A_89 {strides = array<i32>} : memref<2x2048x128xf32, #tpu.memory_space<vmem>>, vector<1x16x32xf32>,
      %slice3A_90 = vector.extract_strided_slice %transpose3A_75 {offsets = [32, 0], sizes = [16, 32], strides = [1, 1]} : vector<64x32xf32> to vector<16x32xf32>
      %swap3A_91 = arith.index_cast %rem3A_0 : i32 to index
      %swap3A_92 = arith.constant 128 : index
      %swap3A_93 = arith.constant 64 : index
      %swap3A_94 = vector.load %arg5[%swap3A_91, %swap3A_92, %swap3A_93] : memref<2x2048x128xf32, #tpu.memory_space<vmem>>, vector<1x16x32xf32>
      %swap3A_95 = vector.shape_cast %swap3A_94 : vector<1x16x32xf32> to vector<16x32xf32>
      %swap3A_96 = vector.shape_cast %slice3A_90 : vector<16x32xf32> to vector<1x16x32xf32>
      tpu.vector_store %arg5[%swap3A_91, %swap3A_92, %swap3A_93], %swap3A_96 {strides = array<i32>} : memref<2x2048x128xf32, #tpu.memory_space<vmem>>, vector<1x16x32xf32>,
      %slice3A_97 = vector.extract_strided_slice %transpose3A_75 {offsets = [48, 0], sizes = [16, 32], strides = [1, 1]} : vector<64x32xf32> to vector<16x32xf32>
      %swap3A_98 = arith.index_cast %rem3A_0 : i32 to index
      %swap3A_99 = arith.constant 128 : index
      %swap3A_100 = arith.constant 96 : index
      %swap3A_101 = vector.load %arg5[%swap3A_98, %swap3A_99, %swap3A_100] : memref<2x2048x128xf32, #tpu.memory_space<vmem>>, vector<1x16x32xf32>
      %swap3A_102 = vector.shape_cast %swap3A_101 : vector<1x16x32xf32> to vector<16x32xf32>
      %swap3A_103 = vector.shape_cast %slice3A_97 : vector<16x32xf32> to vector<1x16x32xf32>
      tpu.vector_store %arg5[%swap3A_98, %swap3A_99, %swap3A_100], %swap3A_103 {strides = array<i32>} : memref<2x2048x128xf32, #tpu.memory_space<vmem>>, vector<1x16x32xf32>,
      %dma_start3A_104 = tpu.memref_slice %arg7[%rem3A_0] : memref<2x!tpu.dma_semaphore, #tpu.memory_space<semaphore_mem>> -> memref<1x!tpu.dma_semaphore, #tpu.memory_space<semaphore_mem>>
      %dma_start3A_105 = tpu.memref_squeeze %dma_start3A_104 : memref<1x!tpu.dma_semaphore, #tpu.memory_space<semaphore_mem>> -> memref<!tpu.dma_semaphore, #tpu.memory_space<semaphore_mem>>
      %dma_start3A_106 = arith.constant 249856 : i32
      %dma_start3A_107 = arith.constant 0 : i32
      %dma_start3A_108 = tpu.memref_slice %arg3[%dma_start3A_106, %dma_start3A_107] : memref<250000x128xf32, #tpu.memory_space<any>> -> memref<144x128xf32, #tpu.memory_space<any>>
      %dma_start3A_109 = arith.constant 0 : i32
      %dma_start3A_110 = arith.constant 0 : i32
      %dma_start3A_111 = tpu.memref_slice %arg5[%rem3A_0, %dma_start3A_109, %dma_start3A_110] : memref<2x2048x128xf32, #tpu.memory_space<vmem>> -> memref<1x144x128xf32, #tpu.memory_space<vmem>>
      %dma_start3A_112 = tpu.memref_squeeze %dma_start3A_111 : memref<1x144x128xf32, #tpu.memory_space<vmem>> -> memref<144x128xf32, #tpu.memory_space<vmem>>
      tpu.enqueue_dma source(%dma_start3A_112 : memref<144x128xf32, #tpu.memory_space<vmem>>) target(%dma_start3A_108 : memref<144x128xf32, #tpu.memory_space<any>>) target_semaphore(%dma_start3A_105 : memref<!tpu.dma_semaphore, #tpu.memory_space<semaphore_mem>>)
      %dma_wait3A_113 = tpu.memref_slice %arg7[%rem3A_0] : memref<2x!tpu.dma_semaphore, #tpu.memory_space<semaphore_mem>> -> memref<1x!tpu.dma_semaphore, #tpu.memory_space<semaphore_mem>>
      %dma_wait3A_114 = tpu.memref_squeeze %dma_wait3A_113 : memref<1x!tpu.dma_semaphore, #tpu.memory_space<semaphore_mem>> -> memref<!tpu.dma_semaphore, #tpu.memory_space<semaphore_mem>>
      %dma_wait3A_115 = arith.constant 249856 : i32
      %dma_wait3A_116 = arith.constant 0 : i32
      %dma_wait3A_117 = tpu.memref_slice %arg3[%dma_wait3A_115, %dma_wait3A_116] : memref<250000x128xf32, #tpu.memory_space<any>> -> memref<144x128xf32, #tpu.memory_space<any>>
      %dma_wait3A_118 = arith.constant 0 : i32
      %dma_wait3A_119 = arith.constant 0 : i32
      %dma_wait3A_120 = tpu.memref_slice %arg5[%rem3A_0, %dma_wait3A_118, %dma_wait3A_119] : memref<2x2048x128xf32, #tpu.memory_space<vmem>> -> memref<1x144x128xf32, #tpu.memory_space<vmem>>
      %dma_wait3A_121 = tpu.memref_squeeze %dma_wait3A_120 : memref<1x144x128xf32, #tpu.memory_space<vmem>> -> memref<144x128xf32, #tpu.memory_space<vmem>>
      tpu.wait_dma2 semaphore(%dma_wait3A_114 : memref<!tpu.dma_semaphore, #tpu.memory_space<semaphore_mem>>) src(%dma_wait3A_121 : memref<144x128xf32, #tpu.memory_space<vmem>>) dst(%dma_wait3A_117 : memref<144x128xf32, #tpu.memory_space<any>>)
      %dma_wait3A_122 = tpu.memref_slice %arg7[%rem3A_3] : memref<2x!tpu.dma_semaphore, #tpu.memory_space<semaphore_mem>> -> memref<1x!tpu.dma_semaphore, #tpu.memory_space<semaphore_mem>>
      %dma_wait3A_123 = tpu.memref_squeeze %dma_wait3A_122 : memref<1x!tpu.dma_semaphore, #tpu.memory_space<semaphore_mem>> -> memref<!tpu.dma_semaphore, #tpu.memory_space<semaphore_mem>>
      %dma_wait3A_124 = arith.constant 0 : i32
      %dma_wait3A_125 = arith.constant 0 : i32
      %dma_wait3A_126 = tpu.memref_slice %arg3[%dma_wait3A_124, %dma_wait3A_125] : memref<250000x128xf32, #tpu.memory_space<any>> -> memref<2048x128xf32, #tpu.memory_space<any>>
      %dma_wait3A_127 = arith.constant 0 : i32
      %dma_wait3A_128 = arith.constant 0 : i32
      %dma_wait3A_129 = tpu.memref_slice %arg5[%rem3A_3, %dma_wait3A_127, %dma_wait3A_128] : memref<2x2048x128xf32, #tpu.memory_space<vmem>> -> memref<1x2048x128xf32, #tpu.memory_space<vmem>>
      %dma_wait3A_130 = tpu.memref_squeeze %dma_wait3A_129 : memref<1x2048x128xf32, #tpu.memory_space<vmem>> -> memref<2048x128xf32, #tpu.memory_space<vmem>>
      tpu.wait_dma2 semaphore(%dma_wait3A_123 : memref<!tpu.dma_semaphore, #tpu.memory_space<semaphore_mem>>) src(%dma_wait3A_130 : memref<2048x128xf32, #tpu.memory_space<vmem>>) dst(%dma_wait3A_126 : memref<2048x128xf32, #tpu.memory_space<any>>)
    } else {
    }
    return
  }
  func.func @transform_1(%arg0: i32) -> (i32, i32) {
    %c0_i32 = arith.constant 0 : i32
    %c0_i32_0 = arith.constant 0 : i32
    %c0_i32_1 = arith.constant 0 : i32
    return %c0_i32, %c0_i32_0 : i32, i32
  }
}

module attributes {stable_mosaic.version = 14 : i64} {
  func.func @_head_body(%arg0: memref<16384x32xf32, #tpu.memory_space<vmem>>, %arg1: memref<2x32xf32, #tpu.memory_space<vmem>>, %arg2: memref<2xf32, #tpu.memory_space<smem>>, %arg3: memref<16384x1xi32, #tpu.memory_space<vmem>>, %arg4: memref<16384x2xf32, #tpu.memory_space<vmem>>, %arg5: memref<1x1xf32, #tpu.memory_space<smem>>) attributes {dimension_semantics = [], scalar_prefetch = 0 : i64, scratch_operands = 0 : i64, tpu.core_type = #tpu.core_type<tc>} {
    %get3A = arith.constant 0 : index
    %get3A_0 = arith.constant 0 : index
    %get3A_1 = vector.load %arg0[%get3A, %get3A_0] : memref<16384x32xf32, #tpu.memory_space<vmem>>, vector<16384x32xf32>
    %get3A_2 = arith.constant 0 : index
    %get3A_3 = arith.constant 0 : index
    %get3A_4 = vector.load %arg1[%get3A_2, %get3A_3] : memref<2x32xf32, #tpu.memory_space<vmem>>, vector<2x32xf32>
    %slice3A = vector.extract_strided_slice %get3A_4 {offsets = [0, 0], sizes = [1, 32], strides = [1, 1]} : vector<2x32xf32> to vector<1x32xf32>
    %mul3A = vector.broadcast %slice3A : vector<1x32xf32> to vector<16384x32xf32>
    %mul3A_5 = arith.mulf %get3A_1, %mul3A : vector<16384x32xf32>
    %reduce_sum3A = arith.constant dense<0.000000e+00> : vector<16384xf32>
    %reduce_sum3A_6 = vector.multi_reduction <add>, %mul3A_5, %reduce_sum3A [1] : vector<16384x32xf32> to vector<16384xf32>
    %broadcast_in_dim3A = vector.shape_cast %reduce_sum3A_6 : vector<16384xf32> to vector<16384x1xf32>
    %get3A_7 = arith.constant 0 : index
    %get3A_8 = memref.load %arg2[%get3A_7] : memref<2xf32, #tpu.memory_space<smem>>
    %add3A = vector.broadcast %get3A_8 : f32 to vector<16384x1xf32>
    %add3A_9 = arith.addf %broadcast_in_dim3A, %add3A : vector<16384x1xf32>
    %slice3A_10 = vector.extract_strided_slice %get3A_4 {offsets = [1, 0], sizes = [1, 32], strides = [1, 1]} : vector<2x32xf32> to vector<1x32xf32>
    %mul3A_11 = vector.broadcast %slice3A_10 : vector<1x32xf32> to vector<16384x32xf32>
    %mul3A_12 = arith.mulf %get3A_1, %mul3A_11 : vector<16384x32xf32>
    %reduce_sum3A_13 = arith.constant dense<0.000000e+00> : vector<16384xf32>
    %reduce_sum3A_14 = vector.multi_reduction <add>, %mul3A_12, %reduce_sum3A_13 [1] : vector<16384x32xf32> to vector<16384xf32>
    %broadcast_in_dim3A_15 = vector.shape_cast %reduce_sum3A_14 : vector<16384xf32> to vector<16384x1xf32>
    %get3A_16 = arith.constant 1 : index
    %get3A_17 = memref.load %arg2[%get3A_16] : memref<2xf32, #tpu.memory_space<smem>>
    %add3A_18 = vector.broadcast %get3A_17 : f32 to vector<16384x1xf32>
    %add3A_19 = arith.addf %broadcast_in_dim3A_15, %add3A_18 : vector<16384x1xf32>
    %concatenate3A = tpu.concatenate %add3A_9, %add3A_19 in 1 : vector<16384x1xf32>, vector<16384x1xf32> -> vector<16384x2xf32>
    %swap3A = arith.constant 0 : index
    %swap3A_20 = arith.constant 0 : index
    %swap3A_21 = vector.load %arg4[%swap3A, %swap3A_20] : memref<16384x2xf32, #tpu.memory_space<vmem>>, vector<16384x2xf32>
    tpu.vector_store %arg4[%swap3A, %swap3A_20], %concatenate3A {strides = array<i32>} : memref<16384x2xf32, #tpu.memory_space<vmem>>, vector<16384x2xf32>,
    %max3A = arith.maximumf %add3A_9, %add3A_19 : vector<16384x1xf32>
    %sub3A = arith.subf %add3A_9, %max3A : vector<16384x1xf32>
    %exp3A = math.exp %sub3A : vector<16384x1xf32>
    %sub3A_22 = arith.subf %add3A_19, %max3A : vector<16384x1xf32>
    %exp3A_23 = math.exp %sub3A_22 : vector<16384x1xf32>
    %add3A_24 = arith.addf %exp3A, %exp3A_23 : vector<16384x1xf32>
    %log3A = math.log %add3A_24 : vector<16384x1xf32>
    %add3A_25 = arith.addf %max3A, %log3A : vector<16384x1xf32>
    %get3A_26 = arith.constant 0 : index
    %get3A_27 = arith.constant 0 : index
    %get3A_28 = vector.load %arg3[%get3A_26, %get3A_27] : memref<16384x1xi32, #tpu.memory_space<vmem>>, vector<16384x1xi32>
    %eq3A = arith.constant 0 : i32
    %eq3A_29 = vector.broadcast %eq3A : i32 to vector<16384x1xi32>
    %eq3A_30 = arith.cmpi eq, %get3A_28, %eq3A_29 : vector<16384x1xi32>
    %select_n3A = arith.select %eq3A_30, %add3A_9, %add3A_19 : vector<16384x1xi1>, vector<16384x1xf32>
    %sub3A_31 = arith.subf %select_n3A, %add3A_25 : vector<16384x1xf32>
    %reduce_sum3A_32 = vector.shape_cast %sub3A_31 : vector<16384x1xf32> to vector<1x16384x1xf32>
    %reduce_sum3A_33 = arith.constant dense<0.000000e+00> : vector<1xf32>
    %reduce_sum3A_34 = vector.multi_reduction <add>, %reduce_sum3A_32, %reduce_sum3A_33 [1, 2] : vector<1x16384x1xf32> to vector<1xf32>
    %reduce_sum3A_35 = vector.shape_cast %reduce_sum3A_34 : vector<1xf32> to vector<1x1x1xf32>
    %reduce_sum3A_36 = vector.extract %reduce_sum3A_35[0, 0, 0] : f32 from vector<1x1x1xf32>
    %div3A = arith.constant 1.638400e+04 : f32
    %div3A_37 = arith.divf %reduce_sum3A_36, %div3A : f32
    %neg3A = arith.constant 0.000000e+00 : f32
    %neg3A_38 = arith.subf %neg3A, %div3A_37 : f32
    %swap3A_39 = arith.constant 0 : index
    %swap3A_40 = arith.constant 0 : index
    %swap3A_41 = memref.load %arg5[%swap3A_39, %swap3A_40] : memref<1x1xf32, #tpu.memory_space<smem>>
    memref.store %neg3A_38, %arg5[%swap3A_39, %swap3A_40] : memref<1x1xf32, #tpu.memory_space<smem>>
    return
  }
}

</mosaic_0001>

<sc_bundles>
// kernel: kernel.5.cloned.1.call-start
scs
__scs_entry_jumppad:
0x0: {  	(pc) =	sbr.rel $0x88, $3  }
0x1: {  	(tag) =	ssettag $0x0;
	lr =	simm.s32 $0x1  }
0x2: {  	[smem:$0x3F9C] =	sst lr;
	_ =	strace $0xD0000000  }
0x3: {  	_ = 	snop  }
0x4: {  	_ = 	snop  }
0x5: {  	_ = 	snop  }
0x6: {  	_ = 	snop  }
0x7: {  	_ = 	snop  }
__scs_overlays_trampoline_lowered:
0x8: {  	[smem:$0x3FAB] =	sst s0  }
0x9: {  	[smem:$0x3FAC] =	sst s1  }
0xa: {  	[smem:$0x3FAD] =	sst s2  }
0xb: {  	[smem:$0x3FAE] =	sst s3  }
0xc: {  	[smem:$0x3FAF] =	sst s4  }
0xd: {  	[smem:$0x3FB0] =	sst s5  }
0xe: {  	[smem:$0x3FB1] =	sst s6  }
0xf: {  	[smem:$0x3FB2] =	sst s7  }
0x10: {  	[smem:$0x3FB3] =	sst s8  }
0x11: {  	[smem:$0x3FB4] =	sst s9;
	s0 =	simm.s32 @!p0 $0x0  }
0x12: {  	s1 =	sld [smem:$0x3F9A];
	s0 =	simm.s32 @p0 $0x1  }
0x13: {  	[smem:$0x3FB5] =	sst s0;
	s0 =	simm.s32 @!p1 $0x0  }
0x14: {  	s2 =	sld [smem:$0x3F99];
	s0 =	simm.s32 @p1 $0x1  }
0x15: {  	[smem:$0x3FB6] =	sst s0;
	s0 =	simm.s32 @!p2 $0x0  }
0x16: {  	s3 =	sld [smem:$0x3FDB];
	s0 =	simm.s32 @p2 $0x1  }
0x17: {  	s4 =	simm.s32 $0x1BF5;
	[smem:$0x3FB8] =	sst s0  }
0x18: {  	s0 =	sld [smem:$0x3F9B];
	_ =	swait.ge [sflag:s4], $0x0  }
0x19: {  	s7 =	sld [smem:$0x3F9C]  }
0x1a: {  	s8 =	sadd.s32 $0xFFFFE003, lr  }
0x1b: {  	s9 =	sadd.s32 $0xFFFFFEF7, lr;
	s5 =	simm.s32 $0xFFFFFFFF;
	p2 =	slt.u32 s8, $0xFFFFF086  }
0x1c: {  	p1 =	slt.u32 s9, $0xF7A;
	s5 =	simm.s32 @!p2 $0x0  }
0x1d: {  	s5 =	simm.s32 @p1 $0x1;
	p0 =	seq.s32 s7, s2  }
0x1e: {  	s7 =	smul.u32 @!p0 $0xF7A, s2;
	p2 =	seq.s32 @!p0 s5, $0x0  }
0x1f: {  	s9 =	smul.u32 $0xF7A, s1;
	s8 =	simm.s32 @!p0 $0x1BF5;
	p2 =	por !p2, p0  }
0x20: {  	[sflag:s8] =	ssyncset.s32 @!p0 $0xFFFFF086;
	s6 =	sadd.s32 @!p0 s3, s7;
	s7 =	simm.s32 @!p0 $0x108  }
0x21: {  	s3 =	sadd.s32 s3, s9;
	s6 =	sadd.s32 @!p0 $0x88, s6;
	s7 =	simm.s32 @p2 $0x1082  }
0x22: {  	[simem:s7], [sflag:s8] =	dma.local @!p0 [hbm:s6], $0xF7A  }
0x23: {  	s9 =	sor.u32 $0xD0000000, s2;
	s6 =	simm.s32 $0x108;
	_ =	swait.ge @!p0 [sflag:s8], $0x0  }
0x24: {  	s3 =	sadd.s32 $0x88, s3;
	s6 =	simm.s32 @!p1 $0x1082;
	[sflag:s4] =	ssyncset.s32 $0xFFFFF086  }
0x25: {  	[simem:s6], [sflag:s4] =	dma.local [hbm:s3], $0xF7A  }
0x26: {  	[smem:$0x3F9C] =	sst s1;
	(tag) =	ssettag s2;
	_ =	strace s9  }
0x27: {  	s1 =	sld [smem:$0x3FAC]  }
0x28: {  	s2 =	sld [smem:$0x3FAD]  }
0x29: {  	s4 =	sld [smem:$0x3FAF]  }
0x2a: {  	p0 =	seq.s32 s5, $0x0;
	s5 =	sld [smem:$0x3FB0]  }
0x2b: {  	s6 =	sld [smem:$0x3FB1]  }
0x2c: {  	s7 =	sld [smem:$0x3FB2]  }
0x2d: {  	s3 =	simm.s32 $0x108;
	s8 =	sld [smem:$0x3FB3]  }
0x2e: {  	s3 =	simm.s32 @!p0 $0x1082;
	s9 =	sld [smem:$0x3FB4]  }
0x2f: {  	lr =	sadd.s32 s0, s3;
	s0 =	sld [smem:$0x3FAB]  }
0x30: {  	s3 =	sld [smem:$0x3FAE]  }
0x31: {  	[smem:$0x3FB7] =	sst s10  }
0x32: {  	s10 =	sld [smem:$0x3FB5];
	_ =	sdelay $0x3  }
0x33: {  	p0 =	seq.s32 s10, $0x1;
	s10 =	sld [smem:$0x3FB7];
	_ =	sdelay $0x3  }
0x34: {  	[smem:$0x3FB7] =	sst s10  }
0x35: {  	s10 =	sld [smem:$0x3FB6];
	_ =	sdelay $0x3  }
0x36: {  	p1 =	seq.s32 s10, $0x1;
	s10 =	sld [smem:$0x3FB7];
	_ =	sdelay $0x3  }
0x37: {  	[smem:$0x3FB7] =	sst s10  }
0x38: {  	s10 =	sld [smem:$0x3FB8]  }
0x39: {  	_ = 	snop;
	(pc) =	sbr.ind lr, $3  }
0x3a: {  	_ = 	snop  }
0x3b: {  	_ = 	snop  }
0x3c: {  	p2 =	seq.s32 s10, $0x1;
	s10 =	sld [smem:$0x3FB7]  }
0x3d: {  	_ =	shalt  }
0x3e: {  	_ =	shalt  }
0x3f: {  	_ =	shalt  }
0x40: {  	_ =	shalt  }
0x41: {  	_ =	shalt  }
0x42: {  	_ =	shalt  }
0x43: {  	_ =	shalt  }
0x44: {  	_ =	shalt  }
0x45: {  	_ =	shalt  }
0x46: {  	_ =	shalt  }
0x47: {  	_ =	shalt  }
0x48: {  	_ =	shalt  }
0x49: {  	_ =	shalt  }
0x4a: {  	_ =	shalt  }
0x4b: {  	_ =	shalt  }
0x4c: {  	_ =	shalt  }
0x4d: {  	_ =	shalt  }
0x4e: {  	_ =	shalt  }
0x4f: {  	_ =	shalt  }
0x50: {  	_ =	shalt  }
0x51: {  	_ =	shalt  }
0x52: {  	_ =	shalt  }
0x53: {  	_ =	shalt  }
0x54: {  	_ =	shalt  }
0x55: {  	_ =	shalt  }
0x56: {  	_ =	shalt  }
0x57: {  	_ =	shalt  }
0x58: {  	_ =	shalt  }
0x59: {  	_ =	shalt  }
0x5a: {  	_ =	shalt  }
0x5b: {  	_ =	shalt  }
0x5c: {  	_ =	shalt  }
0x5d: {  	_ =	shalt  }
0x5e: {  	_ =	shalt  }
0x5f: {  	_ =	shalt  }
0x60: {  	_ =	shalt  }
0x61: {  	_ =	shalt  }
0x62: {  	_ =	shalt  }
0x63: {  	_ =	shalt  }
0x64: {  	_ =	shalt  }
0x65: {  	_ =	shalt  }
0x66: {  	_ =	shalt  }
0x67: {  	_ =	shalt  }
0x68: {  	_ =	shalt  }
0x69: {  	_ =	shalt  }
0x6a: {  	_ =	shalt  }
0x6b: {  	_ =	shalt  }
0x6c: {  	_ =	shalt  }
0x6d: {  	_ =	shalt  }
0x6e: {  	_ =	shalt  }
0x6f: {  	_ =	shalt  }
0x70: {  	_ =	shalt  }
0x71: {  	_ =	shalt  }
0x72: {  	_ =	shalt  }
0x73: {  	_ =	shalt  }
0x74: {  	_ =	shalt  }
0x75: {  	_ =	shalt  }
0x76: {  	_ =	shalt  }
0x77: {  	_ =	shalt  }
0x78: {  	_ =	shalt  }
0x79: {  	_ =	shalt  }
0x7a: {  	_ =	shalt  }
0x7b: {  	_ =	shalt  }
0x7c: {  	_ =	shalt  }
0x7d: {  	_ =	shalt  }
0x7e: {  	_ =	shalt  }
0x7f: {  	_ =	shalt  }
0x80: {  	_ =	shalt  }
0x81: {  	_ =	shalt  }
0x82: {  	_ =	shalt  }
0x83: {  	_ =	shalt  }
0x84: {  	_ =	shalt  }
0x85: {  	_ =	shalt  }
0x86: {  	_ =	shalt  }
0x87: {  	_ =	shalt  }
.Lfunc_end0:
.L_simem_size_0:
called_computation_lowered:
.L_overlay_start_0:
0x88: {  	s2 =	sld [smem:$0x3FD9]  }
0x89: {  	s3 =	sld [smem:$0x3FFE];
	_ =	sdelay $0x1  }
0x8a: {  	s1 =	srdreg.scid  }
0x8b: {  	s0 =	sand.u32 $0x1, s1  }
0x8c: {  	s16 =	sshll.u32 s0, $0xA;
	s2 =	sadd.s32 s3, s2  }
0x8d: {  	s2 =	sadd.s32 s2, s16  }
0x8e: {  	[smem:$0x3FC3] =	sst s2  }
0x8f: {  	_ = 	snop  }
0x90: {  	(tm) =	ssettm $0x1  }
0x91: {  	s17 =	sld [smem:$0x3FFB];
	_ =	sdelay $0x3  }
0x92: {  	_ =	strace s17  }
0x93: {  	s2 =	sld [smem:$0x3FFC];
	_ =	sdelay $0x3  }
0x94: {  	_ =	strace s2  }
0x95: {  	s2 =	sld [smem:$0x3FFD];
	_ =	sdelay $0x3  }
0x96: {  	_ =	strace s2  }
0x97: {  	_ =	strace $0x8FFFFFFF  }
0x98: {  	s18 =	sld [smem:$0x3FDB];
	_ =	sdelay $0x1  }
0x99: {  	s19 =	simm.s32 $_scs_section_size  }
0x9a: {  	s4 =	simm.s32 $_size__tile_overlayer_lowered;
	s5 =	simm.s32 $_tile_overlayer_lowered  }
0x9b: {  	s22 =	simm.s32 $0x1BFF;
	s21 =	sshll.u32 s5, $0x1;
	s2 =	sadd.s32 s19, s18  }
0x9c: {  	s6 =	simm.s32 $0x0;
	s20 =	sshll.u32 s4, $0x1;
	s4 =	sadd.s32 s21, s2  }
0x9d: {  	[timem:s6], [sflag:s22] =	dma.local [hbm:s4], s20  }
0x9e: {  	_ =	swait.ge [sflag:s22], s20  }
0x9f: {  	s3 =	ssub.s32 $0x0, s20;
	[sflag:s22] =	ssyncset.done $0x0  }
0xa0: {  	[sflag:s22] =	ssyncadd.s32 s3;
	_ =	sdelay $0x1  }
0xa1: {  	s23 =	simm.s32 $0x1B8B  }
0xa2: {  	_ =	swait.ge [sflag:s23], $0x1  }
0xa3: {  	[sflag:s23] =	ssyncset.done $0x0  }
0xa4: {  	s25 =	simm.s32 $0x1B8E;
	s24 =	sld [smem:$0x3FFE];
	[sflag:s23] =	ssyncadd.s32 $0xFFFFFFFF  }
0xa5: {  	s26 =	simm.s32 $execute0_lowered;
	[smem:$0x3FD2] =	sst s25  }
0xa6: {  	s4 =	sshll.u32 s26, $0x1;
	_ =	strace $0x80000046;
	[dreg:$0x1] =	wrdreg $0xFFFFFFFF  }
0xa7: {  	s28 =	simm.s32 $_size_execute0_lowered;
	s2 =	sadd.s32 s2, s4;
	[dreg:$0x0] =	wrdreg $0x0  }
0xa8: {  	s4 =	sshll.u32 s28, $0x1;
	[dreg:$0x2] =	wrdreg s2  }
0xa9: {  	[dreg:$0x3] =	wrdreg s4  }
0xaa: {  	[dreg:$0x4] =	wrdreg $0xC0  }
0xab: {  	_ =	task [dreg:s6], $0x5FFFF  }
0xac: {  	[dreg:$0x1] =	wrdreg $0xFFFFFFFF  }
0xad: {  	[dreg:$0x0] =	wrdreg $0x60  }
0xae: {  	[dreg:$0x2] =	wrdreg s24  }
0xaf: {  	[dreg:$0x3] =	wrdreg $0x9  }
0xb0: {  	_ =	task.clear_ibuf [dreg:s6], $0x4FFFF;
	_ =	strace $0x90000046  }
0xb1: {  	s29 =	simm.s32 $0x9;
	_ =	strace $0x80000048  }
0xb2: {  	_ =	swait.ge [sflag:s29], $0x1  }
0xb3: {  	[sflag:s29] =	ssyncadd.s32 $0xFFFFFFFF  }
0xb4: {  	_ =	strace $0x90000048  }
0xb5: {  	_ =	sfence  }
0xb6: {  	s30 =	sld [smem:$0x0];
	_ =	sdelay $0x2  }
0xb7: {  	s31 =	sshll.u32 s1, $0xD;
	s1 =	sshrl.u32 s1, $0x2  }
0xb8: {  	s3 =	sand.u32 $0x4000, s31;
	s1 =	sadd.s32 s1, s30  }
0xb9: {  	s0 =	sor.u32 s3, s0;
	s1 =	sshll.u32 s1, $0x11  }
0xba: {  	s0 =	sor.u32 s1, s0  }
0xbb: {  	s0 =	sadd.s32 $0x8F2B, s0  }
0xbc: {  	[sflag:s0] =	ssyncadd.remote.s32 $0x1  }
0xbd: {  	_ =	sfence.sel $0xFFFF  }
0xbe: {  	[dreg:$0x0] =	wrdreg $0xFFFFFFFF;
	(pc) =	sbr.abs _section_cstart, $3  }
0xbf: {  	[dreg:$0x1] =	wrdreg $0xFFFFFFFF  }
0xc0: {  	_ =	task.clear_ibuf [dreg:s6], $0x2FFFF;
	_ =	strace $0x9FFFFFFF  }
0xc1: {  	(tm) =	ssettm $0x7FFFFFFF  }
tec
execute0_lowered:
.L_overlay_start_1:
0x0: {  	(tag) =	ssettag $0x1  }
0x1: {  	s0 =	rddreg [dreg:$0x0]  }
0x2: {  	s1 =	srdreg.scid;
	s3 =	stileid.u32;
	s2 =	simm.s32 $0x0  }
0x3: {  	s9 =	simm.s32 $0x3;
	s10 =	simm.s32 $0x50;
	s18 =	simm.s32 $0xAC80  }
0x4: {  	s19 =	simm.s32 $0x550;
	s20 =	simm.s32 $0xB680;
	s21 =	simm.s32 $0x5A0  }
0x5: {  	s22 =	simm.s32 $0xC080;
	s23 =	simm.s32 $0x5F0;
	s24 =	simm.s32 $0xCA80  }
0x6: {  	s25 =	simm.s32 $0x19C80;
	s31 =	simm.s32 $0x17480;
	s11 =	simm.s32 $0xB90  }
0x7: {  	s28 =	simm.s32 $0x17E80;
	s12 =	simm.s32 $0xBE0;
	s13 =	simm.s32 $0xC30  }
0x8: {  	s30 =	simm.s32 $0x19280;
	s14 =	simm.s32 $0x0;
	s1 =	sand.u32 $0x1, s1  }
0x9: {  	s3 =	sshll.u32 s3, $0x1;
	[smem:$0x7FF] =	sst s2;
	s4 =	sadd.s32 $0x64C00, s0  }
0xa: {  	s5 =	sadd.s32 $0xC00, s0;
	s6 =	sor.u32 s1, s3;
	s1 =	ssub.s32 $0x2, s1  }
0xb: {  	s3 =	smul.u32 $0x19000, s6;
	s6 =	sshll.u32 s6, $0xB;
	s7 =	sshrl.u32 s1, $0x1  }
0xc: {  	_ =	strace $0x80000047;
	s0 =	sadd.s32 s6, s0;
	s1 =	ssub.s32 s1, s7  }
0xd: {  	s8 =	sshrl.u32 s3, $0x3;
	s7 =	sadd.s32 $0x435600, s0;
	s29 =	smax.u32 s1, $0x1  }
0xe: {  	s0 =	simm.s32 $0x18880;
	s26 =	sadd.s32 s5, s8;
	[dreg:$0x3] =	wrdreg s29  }
0xf: {  	s8 =	simm.s32 $0xB40;
	[dreg:$0x2] =	wrdreg s26;
	s26 =	simm.s32 $0x640  }
.LBB2_1:
0x10: {  	s1 =	rddreg [dreg:$0x2]  }
0x11: {  	[tilespmem:s2], [sflag:$0x3] =	stream.linear.gather [hbm4b:s1+s2], $0x640, $0x38;
	[tilespmem:$0x19D80] =	vst v63  }
0x12: {  	_ =	swait.ge [sflag:s9], $0x640  }
0x13: {  	[sflag:s9] =	ssyncset.done $0x0  }
0x14: {  	s6 =	simm.s32 $0xC80;
	[sflag:s9] =	ssyncadd.s32 $0xFFFFF9C0  }
0x15: {  	[tilespmem:s6], [sflag:$0x1] =	stream.indirect.gather [hbm4b:s4+s10], $0x20, s2, s10, $0xb8;
	[tilespmem:$0x19D80] =	vst v63  }
0x16: {  	s15 =	simm.s32 $0x1680  }
0x17: {  	[tilespmem:s15], [sflag:$0x1] =	stream.indirect.gather [hbm4b:s4+s10], $0x20, s10, s10, $0xb8;
	[tilespmem:$0x19D80] =	vst v63  }
0x18: {  	s16 =	simm.s32 $0xA0;
	s6 =	simm.s32 $0x2080  }
0x19: {  	[tilespmem:s6], [sflag:$0x1] =	stream.indirect.gather [hbm4b:s4+s10], $0x20, s16, s10, $0xb8;
	[tilespmem:$0x19D80] =	vst v63  }
0x1a: {  	s17 =	simm.s32 $0xF0;
	s29 =	simm.s32 $0x2A80  }
0x1b: {  	[tilespmem:s29], [sflag:$0x1] =	stream.indirect.gather [hbm4b:s4+s10], $0x20, s17, s10, $0xb8;
	[tilespmem:$0x19D80] =	vst v63  }
0x1c: {  	s15 =	simm.s32 $0x140;
	s16 =	simm.s32 $0x3480  }
0x1d: {  	[tilespmem:s16], [sflag:$0x1] =	stream.indirect.gather [hbm4b:s4+s10], $0x20, s15, s10, $0xb8;
	[tilespmem:$0x19D80] =	vst v63  }
0x1e: {  	s17 =	simm.s32 $0x190;
	s29 =	simm.s32 $0x3E80  }
0x1f: {  	[tilespmem:s29], [sflag:$0x1] =	stream.indirect.gather [hbm4b:s4+s10], $0x20, s17, s10, $0xb8;
	[tilespmem:$0x19D80] =	vst v63  }
0x20: {  	s15 =	simm.s32 $0x1E0;
	s16 =	simm.s32 $0x4880  }
0x21: {  	[tilespmem:s16], [sflag:$0x1] =	stream.indirect.gather [hbm4b:s4+s10], $0x20, s15, s10, $0xb8;
	[tilespmem:$0x19D80] =	vst v63  }
0x22: {  	s17 =	simm.s32 $0x230;
	s29 =	simm.s32 $0x5280  }
0x23: {  	[tilespmem:s29], [sflag:$0x1] =	stream.indirect.gather [hbm4b:s4+s10], $0x20, s17, s10, $0xb8;
	[tilespmem:$0x19D80] =	vst v63  }
0x24: {  	s15 =	simm.s32 $0x280;
	s16 =	simm.s32 $0x5C80  }
0x25: {  	[tilespmem:s16], [sflag:$0x1] =	stream.indirect.gather [hbm4b:s4+s10], $0x20, s15, s10, $0xb8;
	[tilespmem:$0x19D80] =	vst v63  }
0x26: {  	s17 =	simm.s32 $0x2D0;
	s29 =	simm.s32 $0x6680  }
0x27: {  	[tilespmem:s29], [sflag:$0x1] =	stream.indirect.gather [hbm4b:s4+s10], $0x20, s17, s10, $0xb8;
	[tilespmem:$0x19D80] =	vst v63  }
0x28: {  	s15 =	simm.s32 $0x320;
	s16 =	simm.s32 $0x7080  }
0x29: {  	[tilespmem:s16], [sflag:$0x1] =	stream.indirect.gather [hbm4b:s4+s10], $0x20, s15, s10, $0xb8;
	[tilespmem:$0x19D80] =	vst v63  }
0x2a: {  	s17 =	simm.s32 $0x370;
	s29 =	simm.s32 $0x7A80  }
0x2b: {  	[tilespmem:s29], [sflag:$0x1] =	stream.indirect.gather [hbm4b:s4+s10], $0x20, s17, s10, $0xb8;
	[tilespmem:$0x19D80] =	vst v63  }
0x2c: {  	s15 =	simm.s32 $0x3C0;
	s16 =	simm.s32 $0x8480  }
0x2d: {  	[tilespmem:s16], [sflag:$0x1] =	stream.indirect.gather [hbm4b:s4+s10], $0x20, s15, s10, $0xb8;
	[tilespmem:$0x19D80] =	vst v63  }
0x2e: {  	s17 =	simm.s32 $0x410;
	s29 =	simm.s32 $0x8E80  }
0x2f: {  	[tilespmem:s29], [sflag:$0x1] =	stream.indirect.gather [hbm4b:s4+s10], $0x20, s17, s10, $0xb8;
	[tilespmem:$0x19D80] =	vst v63  }
0x30: {  	s6 =	simm.s32 $0x460;
	s15 =	simm.s32 $0x9880  }
0x31: {  	[tilespmem:s15], [sflag:$0x1] =	stream.indirect.gather [hbm4b:s4+s10], $0x20, s6, s10, $0xb8;
	[tilespmem:$0x19D80] =	vst v63  }
0x32: {  	s16 =	simm.s32 $0x4B0;
	s17 =	simm.s32 $0xA280  }
0x33: {  	[tilespmem:s17], [sflag:$0x1] =	stream.indirect.gather [hbm4b:s4+s10], $0x20, s16, s10, $0xb8;
	[tilespmem:$0x19D80] =	vst v63  }
0x34: {  	s29 =	simm.s32 $0x500  }
0x35: {  	[tilespmem:s18], [sflag:$0x1] =	stream.indirect.gather [hbm4b:s4+s10], $0x20, s29, s10, $0xb8;
	[tilespmem:$0x19D80] =	vst v63  }
0x36: {  	_ = 	snop  }
0x37: {  	[tilespmem:s20], [sflag:$0x1] =	stream.indirect.gather [hbm4b:s4+s10], $0x20, s19, s10, $0xb8;
	[tilespmem:$0x19D80] =	vst v63  }
0x38: {  	_ = 	snop  }
0x39: {  	[tilespmem:s22], [sflag:$0x1] =	stream.indirect.gather [hbm4b:s4+s10], $0x20, s21, s10, $0xb8;
	[tilespmem:$0x19D80] =	vst v63  }
0x3a: {  	s1 =	simm.s32 $0x0  }
0x3b: {  	[tilespmem:s24], [sflag:$0x1] =	stream.indirect.gather [hbm4b:s4+s10], $0x20, s23, s10, $0xb8;
	[tilespmem:$0x19D80] =	vst v63  }
.LBB2_2:
0x3c: {  	p0 =	seq.s32 s1, $0x3F  }
.Ltmp0:
0x3d: {  	_ = 	snop;
	(pc) =	sbr.rel @p0 .LBB2_8-.Ltmp0, $2  }
0x3e: {  	_ =	sdelay $0x2  }
0x3f: {  	s15 =	sadd.s32 $0x1, s1  }
0x40: {  	s16 =	sand.u32 $0x1, s15  }
0x41: {  	s6 =	smul.u32 $0x640, s15;
	p0 =	seq.s32 s16, $0x0  }
.Ltmp1:
0x42: {  	_ = 	snop;
	(pc) =	sbr.rel @p0 .LBB2_5-.Ltmp1, $4  }
0x43: {  	_ = 	snop  }
0x44: {  	s6 =	sadd.s32 s3, s6  }
0x45: {  	s6 =	sshrl.u32 s6, $0x3  }
0x46: {  	s6 =	sadd.s32 s5, s6  }
0x47: {  	[tilespmem:s26], [sflag:$0x3] =	stream.linear.gather [hbm4b:s6+s2], $0x640, $0x38;
	[tilespmem:$0x19D80] =	vst v63  }
0x48: {  	_ =	swait.ge [sflag:s9], $0x640  }
0x49: {  	[sflag:s9] =	ssyncset.done $0x0  }
0x4a: {  	s17 =	simm.s32 $0xD480;
	[sflag:s9] =	ssyncadd.s32 $0xFFFFF9C0  }
0x4b: {  	[tilespmem:s17], [sflag:$0x2] =	stream.indirect.gather [hbm4b:s4+s10], $0x20, s26, s10, $0xb8;
	[tilespmem:$0x19D80] =	vst v63  }
0x4c: {  	s29 =	simm.s32 $0x690;
	s16 =	simm.s32 $0xDE80  }
0x4d: {  	[tilespmem:s16], [sflag:$0x2] =	stream.indirect.gather [hbm4b:s4+s10], $0x20, s29, s10, $0xb8;
	[tilespmem:$0x19D80] =	vst v63  }
0x4e: {  	s17 =	simm.s32 $0x6E0;
	s29 =	simm.s32 $0xE880  }
0x4f: {  	[tilespmem:s29], [sflag:$0x2] =	stream.indirect.gather [hbm4b:s4+s10], $0x20, s17, s10, $0xb8;
	[tilespmem:$0x19D80] =	vst v63  }
0x50: {  	s17 =	simm.s32 $0x730;
	s29 =	simm.s32 $0xF280  }
0x51: {  	[tilespmem:s29], [sflag:$0x2] =	stream.indirect.gather [hbm4b:s4+s10], $0x20, s17, s10, $0xb8;
	[tilespmem:$0x19D80] =	vst v63  }
0x52: {  	s17 =	simm.s32 $0x780;
	s29 =	simm.s32 $0xFC80  }
0x53: {  	[tilespmem:s29], [sflag:$0x2] =	stream.indirect.gather [hbm4b:s4+s10], $0x20, s17, s10, $0xb8;
	[tilespmem:$0x19D80] =	vst v63  }
0x54: {  	s17 =	simm.s32 $0x7D0;
	s29 =	simm.s32 $0x10680  }
0x55: {  	[tilespmem:s29], [sflag:$0x2] =	stream.indirect.gather [hbm4b:s4+s10], $0x20, s17, s10, $0xb8;
	[tilespmem:$0x19D80] =	vst v63  }
0x56: {  	s17 =	simm.s32 $0x820;
	s29 =	simm.s32 $0x11080  }
0x57: {  	[tilespmem:s29], [sflag:$0x2] =	stream.indirect.gather [hbm4b:s4+s10], $0x20, s17, s10, $0xb8;
	[tilespmem:$0x19D80] =	vst v63  }
0x58: {  	s17 =	simm.s32 $0x870;
	s29 =	simm.s32 $0x11A80  }
0x59: {  	[tilespmem:s29], [sflag:$0x2] =	stream.indirect.gather [hbm4b:s4+s10], $0x20, s17, s10, $0xb8;
	[tilespmem:$0x19D80] =	vst v63  }
0x5a: {  	s17 =	simm.s32 $0x8C0;
	s29 =	simm.s32 $0x12480  }
0x5b: {  	[tilespmem:s29], [sflag:$0x2] =	stream.indirect.gather [hbm4b:s4+s10], $0x20, s17, s10, $0xb8;
	[tilespmem:$0x19D80] =	vst v63  }
0x5c: {  	s17 =	simm.s32 $0x910;
	s29 =	simm.s32 $0x12E80  }
0x5d: {  	[tilespmem:s29], [sflag:$0x2] =	stream.indirect.gather [hbm4b:s4+s10], $0x20, s17, s10, $0xb8;
	[tilespmem:$0x19D80] =	vst v63  }
0x5e: {  	s17 =	simm.s32 $0x960;
	s29 =	simm.s32 $0x13880  }
0x5f: {  	[tilespmem:s29], [sflag:$0x2] =	stream.indirect.gather [hbm4b:s4+s10], $0x20, s17, s10, $0xb8;
	[tilespmem:$0x19D80] =	vst v63  }
0x60: {  	s17 =	simm.s32 $0x9B0;
	s29 =	simm.s32 $0x14280  }
0x61: {  	[tilespmem:s29], [sflag:$0x2] =	stream.indirect.gather [hbm4b:s4+s10], $0x20, s17, s10, $0xb8;
	[tilespmem:$0x19D80] =	vst v63  }
0x62: {  	s17 =	simm.s32 $0xA00;
	s29 =	simm.s32 $0x14C80  }
0x63: {  	[tilespmem:s29], [sflag:$0x2] =	stream.indirect.gather [hbm4b:s4+s10], $0x20, s17, s10, $0xb8;
	[tilespmem:$0x19D80] =	vst v63  }
0x64: {  	s17 =	simm.s32 $0xA50;
	s29 =	simm.s32 $0x15680  }
0x65: {  	[tilespmem:s29], [sflag:$0x2] =	stream.indirect.gather [hbm4b:s4+s10], $0x20, s17, s10, $0xb8;
	[tilespmem:$0x19D80] =	vst v63  }
0x66: {  	s17 =	simm.s32 $0xAA0;
	s29 =	simm.s32 $0x16080  }
0x67: {  	[tilespmem:s29], [sflag:$0x2] =	stream.indirect.gather [hbm4b:s4+s10], $0x20, s17, s10, $0xb8;
	[tilespmem:$0x19D80] =	vst v63  }
0x68: {  	s17 =	simm.s32 $0xAF0;
	s29 =	simm.s32 $0x16A80  }
0x69: {  	[tilespmem:s29], [sflag:$0x2] =	stream.indirect.gather [hbm4b:s4+s10], $0x20, s17, s10, $0xb8;
	[tilespmem:$0x19D80] =	vst v63  }
0x6a: {  	_ = 	snop  }
0x6b: {  	[tilespmem:s31], [sflag:$0x2] =	stream.indirect.gather [hbm4b:s4+s10], $0x20, s8, s10, $0xb8;
	[tilespmem:$0x19D80] =	vst v63  }
0x6c: {  	_ = 	snop  }
0x6d: {  	[tilespmem:s28], [sflag:$0x2] =	stream.indirect.gather [hbm4b:s4+s10], $0x20, s11, s10, $0xb8;
	[tilespmem:$0x19D80] =	vst v63  }
.Ltmp2:
0x6e: {  	_ = 	snop;
	(pc) =	sbr.rel .LBB2_6-.Ltmp2, $4  }
0x6f: {  	_ = 	snop  }
0x70: {  	[tilespmem:s0], [sflag:$0x2] =	stream.indirect.gather [hbm4b:s4+s10], $0x20, s12, s10, $0xb8;
	[tilespmem:$0x19D80] =	vst v63  }
0x71: {  	_ = 	snop  }
0x72: {  	[tilespmem:s30], [sflag:$0x2] =	stream.indirect.gather [hbm4b:s4+s10], $0x20, s13, s10, $0xb8;
	[tilespmem:$0x19D80] =	vst v63  }
.LBB2_5:
0x73: {  	[tilespmem:s2], [sflag:$0x3] =	stream.linear.gather [hbm4b:s6+s2], $0x640, $0x38;
	[tilespmem:$0x19D80] =	vst v63  }
0x74: {  	_ =	swait.ge [sflag:s9], $0x640  }
0x75: {  	[sflag:s9] =	ssyncset.done $0x0  }
0x76: {  	s16 =	simm.s32 $0xC80;
	[sflag:s9] =	ssyncadd.s32 $0xFFFFF9C0  }
0x77: {  	[tilespmem:s16], [sflag:$0x1] =	stream.indirect.gather [hbm4b:s4+s10], $0x20, s2, s10, $0xb8;
	[tilespmem:$0x19D80] =	vst v63  }
0x78: {  	s17 =	simm.s32 $0x1680  }
0x79: {  	[tilespmem:s17], [sflag:$0x1] =	stream.indirect.gather [hbm4b:s4+s10], $0x20, s10, s10, $0xb8;
	[tilespmem:$0x19D80] =	vst v63  }
0x7a: {  	s29 =	simm.s32 $0xA0;
	s16 =	simm.s32 $0x2080  }
0x7b: {  	[tilespmem:s16], [sflag:$0x1] =	stream.indirect.gather [hbm4b:s4+s10], $0x20, s29, s10, $0xb8;
	[tilespmem:$0x19D80] =	vst v63  }
0x7c: {  	s17 =	simm.s32 $0xF0;
	s29 =	simm.s32 $0x2A80  }
0x7d: {  	[tilespmem:s29], [sflag:$0x1] =	stream.indirect.gather [hbm4b:s4+s10], $0x20, s17, s10, $0xb8;
	[tilespmem:$0x19D80] =	vst v63  }
0x7e: {  	s17 =	simm.s32 $0x140;
	s29 =	simm.s32 $0x3480  }
0x7f: {  	[tilespmem:s29], [sflag:$0x1] =	stream.indirect.gather [hbm4b:s4+s10], $0x20, s17, s10, $0xb8;
	[tilespmem:$0x19D80] =	vst v63  }
0x80: {  	s17 =	simm.s32 $0x190;
	s29 =	simm.s32 $0x3E80  }
0x81: {  	[tilespmem:s29], [sflag:$0x1] =	stream.indirect.gather [hbm4b:s4+s10], $0x20, s17, s10, $0xb8;
	[tilespmem:$0x19D80] =	vst v63  }
0x82: {  	s17 =	simm.s32 $0x1E0;
	s29 =	simm.s32 $0x4880  }
0x83: {  	[tilespmem:s29], [sflag:$0x1] =	stream.indirect.gather [hbm4b:s4+s10], $0x20, s17, s10, $0xb8;
	[tilespmem:$0x19D80] =	vst v63  }
0x84: {  	s17 =	simm.s32 $0x230;
	s29 =	simm.s32 $0x5280  }
0x85: {  	[tilespmem:s29], [sflag:$0x1] =	stream.indirect.gather [hbm4b:s4+s10], $0x20, s17, s10, $0xb8;
	[tilespmem:$0x19D80] =	vst v63  }
0x86: {  	s17 =	simm.s32 $0x280;
	s29 =	simm.s32 $0x5C80  }
0x87: {  	[tilespmem:s29], [sflag:$0x1] =	stream.indirect.gather [hbm4b:s4+s10], $0x20, s17, s10, $0xb8;
	[tilespmem:$0x19D80] =	vst v63  }
0x88: {  	s17 =	simm.s32 $0x2D0;
	s29 =	simm.s32 $0x6680  }
0x89: {  	[tilespmem:s29], [sflag:$0x1] =	stream.indirect.gather [hbm4b:s4+s10], $0x20, s17, s10, $0xb8;
	[tilespmem:$0x19D80] =	vst v63  }
0x8a: {  	s17 =	simm.s32 $0x320;
	s29 =	simm.s32 $0x7080  }
0x8b: {  	[tilespmem:s29], [sflag:$0x1] =	stream.indirect.gather [hbm4b:s4+s10], $0x20, s17, s10, $0xb8;
	[tilespmem:$0x19D80] =	vst v63  }
0x8c: {  	s17 =	simm.s32 $0x370;
	s29 =	simm.s32 $0x7A80  }
0x8d: {  	[tilespmem:s29], [sflag:$0x1] =	stream.indirect.gather [hbm4b:s4+s10], $0x20, s17, s10, $0xb8;
	[tilespmem:$0x19D80] =	vst v63  }
0x8e: {  	s17 =	simm.s32 $0x3C0;
	s29 =	simm.s32 $0x8480  }
0x8f: {  	[tilespmem:s29], [sflag:$0x1] =	stream.indirect.gather [hbm4b:s4+s10], $0x20, s17, s10, $0xb8;
	[tilespmem:$0x19D80] =	vst v63  }
0x90: {  	s17 =	simm.s32 $0x410;
	s29 =	simm.s32 $0x8E80  }
0x91: {  	[tilespmem:s29], [sflag:$0x1] =	stream.indirect.gather [hbm4b:s4+s10], $0x20, s17, s10, $0xb8;
	[tilespmem:$0x19D80] =	vst v63  }
0x92: {  	s17 =	simm.s32 $0x460;
	s29 =	simm.s32 $0x9880  }
0x93: {  	[tilespmem:s29], [sflag:$0x1] =	stream.indirect.gather [hbm4b:s4+s10], $0x20, s17, s10, $0xb8;
	[tilespmem:$0x19D80] =	vst v63  }
0x94: {  	s16 =	simm.s32 $0x4B0;
	s17 =	simm.s32 $0xA280  }
0x95: {  	[tilespmem:s17], [sflag:$0x1] =	stream.indirect.gather [hbm4b:s4+s10], $0x20, s16, s10, $0xb8;
	[tilespmem:$0x19D80] =	vst v63  }
0x96: {  	s29 =	simm.s32 $0x500  }
0x97: {  	[tilespmem:s18], [sflag:$0x1] =	stream.indirect.gather [hbm4b:s4+s10], $0x20, s29, s10, $0xb8;
	[tilespmem:$0x19D80] =	vst v63  }
0x98: {  	_ = 	snop  }
0x99: {  	[tilespmem:s20], [sflag:$0x1] =	stream.indirect.gather [hbm4b:s4+s10], $0x20, s19, s10, $0xb8;
	[tilespmem:$0x19D80] =	vst v63  }
0x9a: {  	_ = 	snop  }
0x9b: {  	[tilespmem:s22], [sflag:$0x1] =	stream.indirect.gather [hbm4b:s4+s10], $0x20, s21, s10, $0xb8;
	[tilespmem:$0x19D80] =	vst v63  }
0x9c: {  	_ = 	snop  }
0x9d: {  	[tilespmem:s24], [sflag:$0x1] =	stream.indirect.gather [hbm4b:s4+s10], $0x20, s23, s10, $0xb8;
	[tilespmem:$0x19D80] =	vst v63  }
.LBB2_6:
0x9e: {  	s6 =	sand.u32 $0x1, s1  }
0x9f: {  	p0 =	seq.s32 s6, $0x0  }
.Ltmp3:
0xa0: {  	_ = 	snop;
	(pc) =	sbr.rel @p0 .LBB2_7-.Ltmp3, $1  }
0xa1: {  	_ =	sdelay $0x3  }
.LBB2_8:
.Ltmp4:
0xa2: {  	(pc) =	sbr.rel .LBB2_9-.Ltmp4, $2  }
0xa3: {  	_ =	sdelay $0x2  }
0xa4: {  	s6 =	simm.s32 $0xC800;
	s16 =	simm.s32 $0x2  }
.LBB2_7:
0xa5: {  	s6 =	simm.s32 $0x0;
	s16 =	simm.s32 $0x1  }
.LBB2_9:
0xa6: {  	_ =	swait.ge [sflag:s16], $0xA00  }
0xa7: {  	[sflag:s16] =	ssyncset.done $0x0  }
0xa8: {  	[sflag:s16] =	ssyncadd.s32 $0xFFFFF600  }
0xa9: {  	_ =	swait.ge [sflag:s16], $0xA00  }
0xaa: {  	[sflag:s16] =	ssyncset.done $0x0  }
0xab: {  	[sflag:s16] =	ssyncadd.s32 $0xFFFFF600  }
0xac: {  	_ =	swait.ge [sflag:s16], $0xA00  }
0xad: {  	[sflag:s16] =	ssyncset.done $0x0  }
0xae: {  	[sflag:s16] =	ssyncadd.s32 $0xFFFFF600  }
0xaf: {  	_ =	swait.ge [sflag:s16], $0xA00  }
0xb0: {  	[sflag:s16] =	ssyncset.done $0x0  }
0xb1: {  	[sflag:s16] =	ssyncadd.s32 $0xFFFFF600  }
0xb2: {  	_ =	swait.ge [sflag:s16], $0xA00  }
0xb3: {  	[sflag:s16] =	ssyncset.done $0x0  }
0xb4: {  	[sflag:s16] =	ssyncadd.s32 $0xFFFFF600  }
0xb5: {  	_ =	swait.ge [sflag:s16], $0xA00  }
0xb6: {  	[sflag:s16] =	ssyncset.done $0x0  }
0xb7: {  	[sflag:s16] =	ssyncadd.s32 $0xFFFFF600  }
0xb8: {  	_ =	swait.ge [sflag:s16], $0xA00  }
0xb9: {  	[sflag:s16] =	ssyncset.done $0x0  }
0xba: {  	[sflag:s16] =	ssyncadd.s32 $0xFFFFF600  }
0xbb: {  	_ =	swait.ge [sflag:s16], $0xA00  }
0xbc: {  	[sflag:s16] =	ssyncset.done $0x0  }
0xbd: {  	[sflag:s16] =	ssyncadd.s32 $0xFFFFF600  }
0xbe: {  	_ =	swait.ge [sflag:s16], $0xA00  }
0xbf: {  	[sflag:s16] =	ssyncset.done $0x0  }
0xc0: {  	[sflag:s16] =	ssyncadd.s32 $0xFFFFF600  }
0xc1: {  	_ =	swait.ge [sflag:s16], $0xA00  }
0xc2: {  	[sflag:s16] =	ssyncset.done $0x0  }
0xc3: {  	[sflag:s16] =	ssyncadd.s32 $0xFFFFF600  }
0xc4: {  	_ =	swait.ge [sflag:s16], $0xA00  }
0xc5: {  	[sflag:s16] =	ssyncset.done $0x0  }
0xc6: {  	[sflag:s16] =	ssyncadd.s32 $0xFFFFF600  }
0xc7: {  	_ =	swait.ge [sflag:s16], $0xA00  }
0xc8: {  	[sflag:s16] =	ssyncset.done $0x0  }
0xc9: {  	[sflag:s16] =	ssyncadd.s32 $0xFFFFF600  }
0xca: {  	_ =	swait.ge [sflag:s16], $0xA00  }
0xcb: {  	[sflag:s16] =	ssyncset.done $0x0  }
0xcc: {  	[sflag:s16] =	ssyncadd.s32 $0xFFFFF600  }
0xcd: {  	_ =	swait.ge [sflag:s16], $0xA00  }
0xce: {  	[sflag:s16] =	ssyncset.done $0x0  }
0xcf: {  	[sflag:s16] =	ssyncadd.s32 $0xFFFFF600  }
0xd0: {  	_ =	swait.ge [sflag:s16], $0xA00  }
0xd1: {  	[sflag:s16] =	ssyncset.done $0x0  }
0xd2: {  	[sflag:s16] =	ssyncadd.s32 $0xFFFFF600  }
0xd3: {  	_ =	swait.ge [sflag:s16], $0xA00  }
0xd4: {  	[sflag:s16] =	ssyncset.done $0x0  }
0xd5: {  	[sflag:s16] =	ssyncadd.s32 $0xFFFFF600  }
0xd6: {  	_ =	swait.ge [sflag:s16], $0xA00  }
0xd7: {  	[sflag:s16] =	ssyncset.done $0x0  }
0xd8: {  	[sflag:s16] =	ssyncadd.s32 $0xFFFFF600  }
0xd9: {  	_ =	swait.ge [sflag:s16], $0xA00  }
0xda: {  	[sflag:s16] =	ssyncset.done $0x0  }
0xdb: {  	[sflag:s16] =	ssyncadd.s32 $0xFFFFF600  }
0xdc: {  	_ =	swait.ge [sflag:s16], $0xA00  }
0xdd: {  	[sflag:s16] =	ssyncset.done $0x0  }
0xde: {  	[sflag:s16] =	ssyncadd.s32 $0xFFFFF600  }
0xdf: {  	_ =	swait.ge [sflag:s16], $0xA00  }
0xe0: {  	[sflag:s16] =	ssyncset.done $0x0  }
0xe1: {  	s6 =	sadd.s32 $0xD00, s6;
	[sflag:s16] =	ssyncadd.s32 $0xFFFFF600;
	s16 =	simm.s32 $0x0  }
.LBB2_10:
0xe2: {  	v0 =	vld [tilespmem:s6+$0x40]  }
0xe3: {  	v1 =	vld [tilespmem:s6+$0x50]  }
0xe4: {  	v2 =	vld [tilespmem:s6+$0x0]  }
0xe5: {  	v3 =	vld [tilespmem:s6+$0x10]  }
0xe6: {  	v9 =	vld [tilespmem:s6+$0xFFFFFFC0]  }
0xe7: {  	v12 =	vld [tilespmem:s6+$0xFFFFFFD0]  }
0xe8: {  	v5 =	vld [tilespmem:s6+$0xFFFFFF80]  }
0xe9: {  	v7 =	vld [tilespmem:s6+$0xFFFFFF90]  }
0xea: {  	v10 =	vld [tilespmem:s6+$0xFFFFFFA0]  }
0xeb: {  	v11 =	vld [tilespmem:s6+$0xFFFFFFB0]  }
0xec: {  	v6 =	vld [tilespmem:s6+$0xFFFFFFE0]  }
0xed: {  	v8 =	vld [tilespmem:s6+$0xFFFFFFF0]  }
0xee: {  	v13 =	vimm.f32 $0.0e+00;
	v4 =	vld [tilespmem:s6+$0x20]  }
0xef: {  	v14 =	vadd.f32 v5, v13;
	v15 =	vadd.f32 v7, v13;
	v7 =	vld [tilespmem:s6+$0x30]  }
0xf0: {  	v10 =	vadd.f32 v10, v13;
	v11 =	vadd.f32 v11, v13;
	v5 =	vld [tilespmem:s6+$0x60]  }
0xf1: {  	s29 =	simm.s32 $0x0;
	s17 =	sadd.s32 $0x100, s6;
	v13 =	vadd.f32 v9, v14;
	v12 =	vadd.f32 v12, v15;
	v9 =	vld [tilespmem:s6+$0x70]  }
.LBB2_11:
0xf2: {  	v14 =	vld [tilespmem:s17+$0x40];
	v6 =	vadd.f32 v6, v10;
	v8 =	vadd.f32 v8, v11  }
0xf3: {  	v10 =	vld [tilespmem:s17+$0x50];
	v11 =	vadd.f32 v2, v13;
	v12 =	vadd.f32 v3, v12  }
0xf4: {  	v2 =	vld [tilespmem:s17+$0x0];
	v4 =	vadd.f32 v4, v6;
	v6 =	vadd.f32 v7, v8  }
0xf5: {  	v3 =	vld [tilespmem:s17+$0x10];
	v7 =	vadd.f32 v0, v11;
	v11 =	vadd.f32 v1, v12  }
0xf6: {  	v12 =	vld [tilespmem:s17+$0xFFFFFFC0];
	v5 =	vadd.f32 v5, v4;
	v9 =	vadd.f32 v9, v6  }
0xf7: {  	v15 =	vld [tilespmem:s17+$0xFFFFFFD0];
	v0 =	vmov v14  }
0xf8: {  	v13 =	vld [tilespmem:s17+$0xFFFFFF80];
	v1 =	vmov v10  }
0xf9: {  	v10 =	vld [tilespmem:s17+$0xFFFFFF90]  }
0xfa: {  	v14 =	vld [tilespmem:s17+$0xFFFFFFA0]  }
0xfb: {  	s29 =	sadd.s32 $0x4, s29;
	v16 =	vld [tilespmem:s17+$0xFFFFFFB0]  }
0xfc: {  	p0 =	slt.u32 s29, $0x60;
	v6 =	vld [tilespmem:s17+$0xFFFFFFE0]  }
.Ltmp5:
0xfd: {  	v8 =	vld [tilespmem:s17+$0xFFFFFFF0];
	(pc) =	sbr.rel @p0 .LBB2_11-.Ltmp5, $4  }
0xfe: {  	v4 =	vld [tilespmem:s17+$0x20]  }
0xff: {  	v13 =	vadd.f32 v13, v7;
	v17 =	vadd.f32 v10, v11;
	v7 =	vld [tilespmem:s17+$0x30]  }
0x100: {  	v10 =	vadd.f32 v14, v5;
	v11 =	vadd.f32 v16, v9;
	v5 =	vld [tilespmem:s17+$0x60]  }
0x101: {  	v13 =	vadd.f32 v12, v13;
	v12 =	vadd.f32 v15, v17;
	v9 =	vld [tilespmem:s17+$0x70];
	s17 =	sadd.s32 $0x100, s17  }
0x102: {  	v6 =	vadd.f32 v6, v10  }
0x103: {  	v8 =	vadd.f32 v8, v11  }
0x104: {  	v2 =	vadd.f32 v2, v13;
	v4 =	vadd.f32 v4, v6  }
0x105: {  	v3 =	vadd.f32 v3, v12;
	v61 =	vadd.f32 v7, v8  }
0x106: {  	v0 =	vadd.f32 v0, v2;
	v62 =	vadd.f32 v5, v4  }
0x107: {  	s17 =	sshll.u32 s16, $0x5;
	s16 =	sadd.s32 $0x1, s16;
	v1 =	vadd.f32 v1, v3;
	v63 =	vadd.f32 v9, v61  }
0x108: {  	p0 =	sne.s32 s16, $0x8;
	v0 =	vadd.f32 v62, v0  }
.Ltmp6:
0x109: {  	v1 =	vadd.f32 v63, v1;
	(pc) =	sbr.rel @p0 .LBB2_10-.Ltmp6, $4  }
0x10a: {  	v0 =	vmul.f32 $4.999999890e-03, v0  }
0x10b: {  	s17 =	sand.u32 $0x3FFFFFE0, s17;
	v1 =	vmul.f32 $4.999999890e-03, v1  }
0x10c: {  	[tilespmem:s17+$0x19C80] =	vst v0  }
0x10d: {  	s6 =	sadd.s32 $0x1900, s6;
	[tilespmem:s17+$0x19C90] =	vst v1  }
0x10e: {  	s1 =	sshll.u32 s1, $0x5;
	p0 =	sne.s32 s15, $0x40  }
.Ltmp7:
0x10f: {  	s1 =	sadd.s32 s1, s7;
	(pc) =	sbr.rel @p0 .LBB2_2-.Ltmp7, $4  }
0x110: {  	[hbm4b:s1+s2] =	stream.linear.scatter [tilespmem:s25], [sflag:$0x3], $0x100, $0x38;
	[tilespmem:$0x19D80] =	vst v63  }
0x111: {  	_ =	swait.ge [sflag:s9], $0x100  }
0x112: {  	[sflag:s9] =	ssyncset.done $0x0  }
0x113: {  	s1 =	smov.u32 s15;
	[sflag:s9] =	ssyncadd.s32 $0xFFFFFF00  }
0x114: {  	s14 =	sadd.s32 $0x1, s14;
	s1 =	rddreg [dreg:$0x3]  }
0x115: {  	p0 =	sne.s32 s14, s1  }
.Ltmp8:
0x116: {  	_ = 	snop;
	(pc) =	sbr.rel @p0 .LBB2_1-.Ltmp8, $1  }
0x117: {  	_ =	sdelay $0x3  }
0x118: {  	_ =	sfence.sel $0x180000  }
0x119: {  	[bflag:$0x0] =	sbarrier.arrive $0xFFFF  }
0x11a: {  	_ =	strace $0x90000047  }
0x11b: {  	s0 =	stileid.u32;
	[bflag:$0x2] =	sbarrier.arrive $0xFFFF  }
0x11c: {  	p0 =	sne.s32 s0, $0x0;
	s0 =	rddreg [dreg:$0x1]  }
0x11d: {  	s0 =	sadd.s32 @!p0 $0x100000, s0  }
0x11e: {  	[sflag:s0] =	ssyncadd.tile.s32 @!p0 $0x1;
	_ =	shalt  }
.Lfunc_end2:
_tile_overlayer_lowered:
.L_overlay_start_2:
0x11f: {  	(tag) =	ssettag $0x2  }
0x120: {  	s0 =	rddreg [dreg:$0x0];
	s2 =	stileid.u32  }
0x121: {  	s1 =	rddreg [dreg:$0x1];
	p0 =	sne.s32 s2, $0x0  }
0x122: {  	s3 =	rddreg [dreg:$0x2];
	[bflag:$0x3] =	sbarrier.arrive $0xFFFF;
	s2 =	simm.s32 @!p0 $0x1C03  }
0x123: {  	[timem:s3], [sflag:s2] =	dma.local @!p0 [hbm:s0], s1  }
0x124: {  	s0 =	simm.s32 @!p0 $0x3  }
0x125: {  	_ =	swait.ge @!p0 [sflag:s0], s1  }
0x126: {  	s1 =	ssub.s32 @!p0 $0x0, s1;
	[sflag:s0] =	ssyncset.done @!p0 $0x0  }
0x127: {  	[sflag:s0] =	ssyncadd.s32 @!p0 s1  }
0x128: {  	[bflag:$0x3] =	sbarrier.arrive $0xFFFF  }
0x129: {  	_ =	shalt  }

</sc_bundles>
